<compile_context>
chip_gen: v7x
topology: tpu7x:2x2x1
jax: 0.10.2.dev20260603
libtpu: 0.0.44.dev20260713+nightly
codegen_flags: <defaults>
</compile_context>

<pallas_src>
import functools

import jax
import jax.numpy as jnp
from jax import lax
from jax.experimental import pallas as pl
from jax.experimental.pallas import tpu as pltpu
from jax.experimental.pallas import tpu_sc as plsc

_N = 10000
_E = 160000
_B = 2
_D = 128
_NT = 16
_EPT = _E // _NT
_CH = 40
_NCHUNK = _EPT // _CH
_HD = _D // 2
_NPAD = 10240
_ROWS_PT = _NPAD // _NT
_WB = _CH
_TROWS = 7999


def _dot_t(x, w):
    return lax.dot_general(x, w, (((1,), (1,)), ((), ())),
                           preferred_element_type=jnp.float32)


def _node_tables_body(syn_ref, w1_ref, ai_ref, s_ref, aitab_ref):
    syn = syn_ref[...]
    s_ref[...] = _dot_t(syn, w1_ref[...])
    aitab_ref[...] = syn * ai_ref[...]


def _node_tables(syn, w1, ai_row):
    blk = 1000
    return pl.pallas_call(
        _node_tables_body,
        grid=(_N // blk,),
        in_specs=[
            pl.BlockSpec((blk, _D), lambda i: (i, 0)),
            pl.BlockSpec((_D, _D), lambda i: (0, 0)),
            pl.BlockSpec((1, _D), lambda i: (0, 0)),
        ],
        out_specs=[
            pl.BlockSpec((blk, _D), lambda i: (i, 0)),
            pl.BlockSpec((blk, _D), lambda i: (i, 0)),
        ],
        out_shape=[
            jax.ShapeDtypeStruct((_N, _D), jnp.float32),
            jax.ShapeDtypeStruct((_N, _D), jnp.float32),
        ],
    )(syn, w1, ai_row)


def _small_tables_body(tau_ref, edge_ref, pw_ref, pb_ref, zw_ref, zb_ref,
                       fw_ref, fb_ref, w2_ref, wnb_ref,
                       tp_ref, tz_ref, tf_ref, r_ref):
    tau = tau_ref[...]
    w2 = w2_ref[...]
    tp_ref[...] = _dot_t(_dot_t(tau, pw_ref[...]) + pb_ref[...], w2)
    tz_ref[...] = _dot_t(_dot_t(tau, zw_ref[...]) + zb_ref[...], w2)
    tf_ref[...] = _dot_t(_dot_t(tau, fw_ref[...]) + fb_ref[...], w2)
    r_ref[...] = _dot_t(edge_ref[...], w2) + wnb_ref[...]


def _small_tables(tau_p, edge_p, pw, pb, zw, zb, fw, fb, w2, wnb):
    tr = tau_p.shape[0]
    er = edge_p.shape[0]
    return pl.pallas_call(
        _small_tables_body,
        out_shape=[
            jax.ShapeDtypeStruct((tr, _D), jnp.float32),
            jax.ShapeDtypeStruct((tr, _D), jnp.float32),
            jax.ShapeDtypeStruct((tr, _D), jnp.float32),
            jax.ShapeDtypeStruct((er, _D), jnp.float32),
        ],
    )(tau_p, edge_p, pw, pb, zw, zb, fw, fb, w2, wnb)


def _finalize_body(num_ref, den_ref, out_ref):
    out_ref[...] = jax.nn.leaky_relu(num_ref[...] / (den_ref[...] + 1e-9))


def _finalize(num2d, den2d):
    blk = 1000
    w = num2d.shape[1]
    return pl.pallas_call(
        _finalize_body,
        grid=(_N // blk,),
        in_specs=[
            pl.BlockSpec((blk, w), lambda i: (i, 0)),
            pl.BlockSpec((blk, w), lambda i: (i, 0)),
        ],
        out_specs=pl.BlockSpec((blk, w), lambda i: (i, 0)),
        out_shape=jax.ShapeDtypeStruct((_N, w), jnp.float32),
    )(num2d, den2d)


def _edge_sc_kernel(s_tab, r_tab, t_tab, ai_tab, aj,
                    src, dst, rt, tidx_flat, zer):
    mesh = plsc.VectorSubcoreMesh(core_axis_name="c", subcore_axis_name="s")

    @functools.partial(
        pl.kernel,
        mesh=mesh,
        out_type=jax.ShapeDtypeStruct((4 * _NPAD, _D), jnp.float32),
        scratch_types=[
            pltpu.VMEM((_CH,), jnp.int32),
            pltpu.VMEM((_CH,), jnp.int32),
            pltpu.VMEM((_CH,), jnp.int32),
            pltpu.VMEM((_CH,), jnp.int32),
            pltpu.VMEM((_CH, _D), jnp.float32),
            pltpu.VMEM((_CH, _D), jnp.float32),
            pltpu.VMEM((_CH, _D), jnp.float32),
            pltpu.VMEM((_CH, _D), jnp.float32),
            pltpu.VMEM((_CH,), jnp.int32),
            pltpu.VMEM((_CH,), jnp.int32),
            pltpu.VMEM((_CH,), jnp.int32),
            pltpu.VMEM((_CH,), jnp.int32),
            pltpu.VMEM((_CH, _D), jnp.float32),
            pltpu.VMEM((_CH, _D), jnp.float32),
            pltpu.VMEM((_CH, _D), jnp.float32),
            pltpu.VMEM((_CH, _D), jnp.float32),
            pltpu.VMEM((_CH, _D), jnp.float32),
            pltpu.VMEM((_D,), jnp.float32),
            pltpu.VMEM_SHARED((_NPAD, _D), jnp.float32),
            pltpu.SemaphoreType.DMA,
            pltpu.SemaphoreType.DMA,
        ],
    )
    def k(sh, rh, th, aih, ajh,
          srch, dsth, rth, tixh, zerh, out,
          sv0, dv0, rv0, tv0, sr0, rr0, tr0, ar0,
          sv1, dv1, rv1, tv1, sr1, rr1, tr1, ar1,
          payload, aj_v, acc,
          g0, g1):
        cid = lax.axis_index("c")
        tid = lax.axis_index("s")

        pltpu.sync_copy(ajh, aj_v)

        bufs0 = (sv0, dv0, rv0, tv0, sr0, rr0, tr0, ar0, g0)
        bufs1 = (sv1, dv1, rv1, tv1, sr1, rr1, tr1, ar1, g1)

        def issue_chunk(ci, bufs):
            sv, dv, rv, tv, sr, rr, tr, ar, sem = bufs
            ebase = pl.multiple_of(tid * _EPT + ci * _CH, _CH)
            tbase = pl.multiple_of(cid * _E + ebase, _CH)
            pltpu.async_copy(srch.at[pl.ds(ebase, _CH)], sv, sem)
            pltpu.async_copy(dsth.at[pl.ds(ebase, _CH)], dv, sem)
            pltpu.async_copy(rth.at[pl.ds(ebase, _CH)], rv, sem)
            pltpu.async_copy(tixh.at[pl.ds(tbase, _CH)], tv, sem)
            pltpu.make_async_copy(srch.at[pl.ds(ebase, _CH)], sv, sem).wait()
            pltpu.make_async_copy(dsth.at[pl.ds(ebase, _CH)], dv, sem).wait()
            pltpu.make_async_copy(rth.at[pl.ds(ebase, _CH)], rv, sem).wait()
            pltpu.make_async_copy(tixh.at[pl.ds(tbase, _CH)], tv, sem).wait()
            pltpu.async_copy(sh.at[sv], sr, sem)
            pltpu.async_copy(rh.at[rv], rr, sem)
            pltpu.async_copy(th.at[tv], tr, sem)
            pltpu.async_copy(aih.at[dv], ar, sem)

        def wait_chunk(bufs):
            sv, dv, rv, tv, sr, rr, tr, ar, sem = bufs
            pltpu.make_async_copy(sh.at[sv], sr, sem).wait()
            pltpu.make_async_copy(rh.at[rv], rr, sem).wait()
            pltpu.make_async_copy(th.at[tv], tr, sem).wait()
            pltpu.make_async_copy(aih.at[dv], ar, sem).wait()

        def run_pass(h):
            pltpu.sync_copy(zerh, acc.at[pl.ds(tid * _ROWS_PT, _ROWS_PT)])
            plsc.subcore_barrier()

            aj_regs = [aj_v[pl.ds(h * _HD + u * 16, 16)] for u in range(4)]

            def compute_scatter(bufs):
                sv, dv, rv, tv, sr, rr, tr, ar, sem = bufs

                def edge_body(j, carry2):
                    for u in range(4):
                        sl = pl.ds(h * _HD + u * 16, 16)
                        g = sr[j, sl] + rr[j, sl] + tr[j, sl]
                        x = ar[j, sl] * g * aj_regs[u]
                        sc = jnp.where(x > 0, x, 0.01 * x)
                        ex = jnp.exp(sc)
                        payload[j, pl.ds(u * 16, 16)] = ex * g
                        payload[j, pl.ds(_HD + u * 16, 16)] = ex
                    return carry2

                lax.fori_loop(0, _CH, edge_body, 0)
                pltpu.sync_copy(payload, acc.at[dv], add=True)

            issue_chunk(0, bufs0)

            def j2_body(j2, carry):
                issue_chunk(2 * j2 + 1, bufs1)
                wait_chunk(bufs0)
                compute_scatter(bufs0)

                @pl.when(j2 < _NCHUNK // 2 - 1)
                def _():
                    issue_chunk(2 * j2 + 2, bufs0)

                wait_chunk(bufs1)
                compute_scatter(bufs1)
                return carry

            lax.fori_loop(0, _NCHUNK // 2, j2_body, 0)
            plsc.subcore_barrier()

            obase = (cid * 2 + h) * _NPAD + tid * _ROWS_PT

            def wb_body(kk, carry):
                rr = tid * _ROWS_PT + kk * _WB
                pltpu.sync_copy(acc.at[pl.ds(rr, _WB)], payload)
                pltpu.sync_copy(payload, out.at[pl.ds(obase + kk * _WB, _WB)])
                return carry

            lax.fori_loop(0, _ROWS_PT // _WB, wb_body, 0)
            plsc.subcore_barrier()

        run_pass(0)
        run_pass(1)

    return k(s_tab, r_tab, t_tab, ai_tab, aj,
             src, dst, rt, tidx_flat, zer)


def kernel(node_idx, edge_index, relation_type, edge_time, batch_time,
           syn_table, edge_table, tau_table, W_n_w, W_n_b,
           past_w, past_b, pres_w, pres_b, fut_w, fut_b,
           attn_i, attn_j):
    src = edge_index[0]
    dst = edge_index[1]
    w1 = W_n_w[:, :_D]
    w2 = W_n_w[:, _D:]

    syn = jnp.take(syn_table, node_idx, axis=0)
    ai_row = attn_i.reshape(1, _D)
    aj_row = attn_j.reshape(_D)

    s_tab, ai_tab = _node_tables(syn, w1, ai_row)

    tau_p = tau_table[:4001]
    tp, tz, tf, r_tab = _small_tables(
        tau_p, edge_table,
        past_w, past_b.reshape(1, _D),
        pres_w, pres_b.reshape(1, _D),
        fut_w, fut_b.reshape(1, _D),
        w2, W_n_b.reshape(1, _D))
    t_tab = jnp.concatenate([tp[2:4001][::-1], tz[1:2], tf[2:4001]], axis=0)

    tidx = (edge_time[None, :] - batch_time[:, None] + 3999).astype(jnp.int32)
    tidx_flat = tidx.reshape(_B * _E)

    zer = jnp.zeros((_ROWS_PT, _D), jnp.float32)

    acc = _edge_sc_kernel(
        s_tab, r_tab, t_tab, ai_tab,
        aj_row, src, dst, relation_type, tidx_flat, zer)

    acc = acc.reshape(_B, 2, _NPAD, _D)[:, :, :_N, :]
    num = jnp.concatenate([acc[:, 0, :, :_HD], acc[:, 1, :, :_HD]], axis=-1)
    den = jnp.concatenate([acc[:, 0, :, _HD:], acc[:, 1, :, _HD:]], axis=-1)
    num2d = num.transpose(1, 0, 2).reshape(_N, _B * _D)
    den2d = den.transpose(1, 0, 2).reshape(_N, _B * _D)
    out = _finalize(num2d, den2d)
    return out.reshape(_N, _B, _D)

# --- scband reference (transcript-rebuilt; emitter-appended) ---
"""Pipeline reference for scband-tgap-47674136985681 (READ-ONLY COPY).

The authoritative reference and input builder live on the scoring server;
editing this copy changes nothing except your own understanding.
"""

import jax, jax.numpy as jnp
import numpy as np

N = 10000
E = 160000
B = 2
D = 128
H = 4
DH = D // H
ENT = 10000
REL = 500
TV = 10000


def setup_inputs(seed: int = 0) -> dict:
    key = jax.random.key(seed)
    ks = jax.random.split(key, 20)
    s = 0.02
    inp = {}
    inp["node_idx"] = jnp.arange(N, dtype=jnp.int32)
    inp["edge_index"] = jax.random.randint(ks[0], (2, E), 0, N, dtype=jnp.int32)
    inp["relation_type"] = jax.random.randint(ks[1], (E,), 0, REL, dtype=jnp.int32)
    inp["edge_time"] = jax.random.randint(ks[2], (E,), 0, 4000, dtype=jnp.int32)
    inp["batch_time"] = jax.random.randint(ks[3], (B,), 0, 4000, dtype=jnp.int32)
    # learned parameters
    inp["syn_table"] = jax.random.normal(ks[4], (ENT, D), dtype=jnp.float32) * s
    inp["edge_table"] = jax.random.normal(ks[5], (REL, D), dtype=jnp.float32) * s
    inp["tau_table"] = jax.random.normal(ks[6], (TV, D), dtype=jnp.float32) * s
    inp["W_n_w"] = jax.random.normal(ks[7], (D, 2 * D), dtype=jnp.float32) * 0.05
    inp["W_n_b"] = jnp.zeros((D,), dtype=jnp.float32)
    inp["past_w"] = jax.random.normal(ks[8], (D, D), dtype=jnp.float32) * 0.05
    inp["past_b"] = jnp.zeros((D,), dtype=jnp.float32)
    inp["pres_w"] = jax.random.normal(ks[9], (D, D), dtype=jnp.float32) * 0.05
    inp["pres_b"] = jnp.zeros((D,), dtype=jnp.float32)
    inp["fut_w"] = jax.random.normal(ks[10], (D, D), dtype=jnp.float32) * 0.05
    inp["fut_b"] = jnp.zeros((D,), dtype=jnp.float32)
    inp["attn_i"] = jax.random.normal(ks[11], (1, H, DH), dtype=jnp.float32) * 0.1
    inp["attn_j"] = jax.random.normal(ks[12], (1, H, DH), dtype=jnp.float32) * 0.1
    return inp


def reference(node_idx, edge_index, relation_type, edge_time, batch_time,
              syn_table, edge_table, tau_table, W_n_w, W_n_b,
              past_w, past_b, pres_w, pres_b, fut_w, fut_b,
              attn_i, attn_j):
    src = edge_index[0]
    dst = edge_index[1]
    # node embedding broadcast over query batch (graph.ndata['h_n'])
    h_n = jnp.broadcast_to(syn_table[node_idx][:, None, :], (N, B, D))
    # per-query relative edge time, tau embedding (graph.edata['tau'])
    rel_time = edge_time[:, None] - batch_time[None, :]  # (E, B)
    tau = tau_table[jnp.abs(rel_time) + 1]  # (E, B, D)
    # time-sign conditioned linear (inattn past/present/future)
    past = tau @ past_w.T + past_b
    pres = tau @ pres_w.T + pres_b
    fut = tau @ fut_w.T + fut_b
    sign = rel_time[:, :, None]
    tau_proj = jnp.where(sign < 0, past, jnp.where(sign == 0, pres, fut))
    # edge message g_e_incoming = W_n([h_src ; h_e + tau])
    h_e = edge_table[relation_type][:, None, :]  # (E, 1, D)
    h_src = h_n[src]  # (E, B, D)
    edge_in = jnp.concatenate([h_src, jnp.broadcast_to(h_e, (E, B, D)) + tau_proj], axis=-1)
    g_e = edge_in @ W_n_w.T + W_n_b  # (E, B, D)
    g_e_h = g_e.reshape(E, B, H, DH)
    # multi-head attention scores (v_mul_e + leaky_relu)
    a_i = h_n.reshape(N, B, H, DH) * attn_i[:, None, :, :]
    a_j = g_e_h * attn_j[:, None, :, :]
    score = jax.nn.leaky_relu(a_i[dst] * a_j)  # (E, B, H, DH)
    # edge_softmax over incoming edges per dst node
    smax = jax.ops.segment_max(score, dst, num_segments=N)
    smax = jax.lax.stop_gradient(jnp.where(jnp.isfinite(smax), smax, 0.0))
    ex = jnp.exp(score - smax[dst])
    denom = jax.ops.segment_sum(ex, dst, num_segments=N)
    a_gat = ex / (denom[dst] + 1e-9)
    # aggregate messages: update_all(msg = a_GAT * g_e, fn.sum)
    msg = a_gat * g_e_h
    h_out = jax.ops.segment_sum(msg, dst, num_segments=N)
    h_out = jax.nn.leaky_relu(h_out.reshape(N, B, D))
    return h_out

if __name__ == "__main__":
    import jax
    _d = setup_inputs()
    print(jax.jit(kernel)(*tuple(_d.values())))

</pallas_src>

<mosaic_0001>
#map = affine_map<(d0, d1) -> (0, 0)>
#map1 = affine_map<(d0, d1) -> (0)>
module attributes {stable_mosaic.version = 14 : i64} {
  func.func @k(%arg0: i32, %arg1: i32, %arg2: memref<10000x128xf32, #tpu.memory_space<hbm>>, %arg3: memref<500x128xf32, #tpu.memory_space<hbm>>, %arg4: memref<7999x128xf32, #tpu.memory_space<hbm>>, %arg5: memref<10000x128xf32, #tpu.memory_space<hbm>>, %arg6: memref<128xf32, #tpu.memory_space<hbm>>, %arg7: memref<160000xi32, #tpu.memory_space<hbm>>, %arg8: memref<160000xi32, #tpu.memory_space<hbm>>, %arg9: memref<160000xi32, #tpu.memory_space<hbm>>, %arg10: memref<320000xi32, #tpu.memory_space<hbm>>, %arg11: memref<640x128xf32, #tpu.memory_space<hbm>>, %arg12: memref<40960x128xf32, #tpu.memory_space<hbm>>, %arg13: memref<40xi32, #tpu.memory_space<vmem>>, %arg14: memref<40xi32, #tpu.memory_space<vmem>>, %arg15: memref<40xi32, #tpu.memory_space<vmem>>, %arg16: memref<40xi32, #tpu.memory_space<vmem>>, %arg17: memref<40x128xf32, #tpu.memory_space<vmem>>, %arg18: memref<40x128xf32, #tpu.memory_space<vmem>>, %arg19: memref<40x128xf32, #tpu.memory_space<vmem>>, %arg20: memref<40x128xf32, #tpu.memory_space<vmem>>, %arg21: memref<40xi32, #tpu.memory_space<vmem>>, %arg22: memref<40xi32, #tpu.memory_space<vmem>>, %arg23: memref<40xi32, #tpu.memory_space<vmem>>, %arg24: memref<40xi32, #tpu.memory_space<vmem>>, %arg25: memref<40x128xf32, #tpu.memory_space<vmem>>, %arg26: memref<40x128xf32, #tpu.memory_space<vmem>>, %arg27: memref<40x128xf32, #tpu.memory_space<vmem>>, %arg28: memref<40x128xf32, #tpu.memory_space<vmem>>, %arg29: memref<40x128xf32, #tpu.memory_space<vmem>>, %arg30: memref<128xf32, #tpu.memory_space<vmem>>, %arg31: memref<10240x128xf32, #tpu.memory_space<vmem_shared>>, %arg32: memref<!tpu.dma_semaphore, #tpu.memory_space<semaphore_mem>>, %arg33: memref<!tpu.dma_semaphore, #tpu.memory_space<semaphore_mem>>) attributes {dimension_semantics = [#tpu.dimension_semantics<core_parallel>, #tpu.dimension_semantics<subcore_parallel>], iteration_bounds = array<i64: 2, 16>, scalar_prefetch = 0 : i64, scratch_operands = 21 : i64, tpu.core_type = #tpu.core_type<sc_vector_subcore>, window_params = [{transform_indices = #map}, {transform_indices = #map}, {transform_indices = #map}, {transform_indices = #map}, {transform_indices = #map1}, {transform_indices = #map1}, {transform_indices = #map1}, {transform_indices = #map1}, {transform_indices = #map1}, {transform_indices = #map}, {transform_indices = #map}]} {
    "tpu.region"() ({
      %run_scoped3A = tpu.sem_alloc : memref<!tpu.dma_semaphore, #tpu.memory_space<semaphore_mem>>
      tpu.enqueue_dma source(%arg6 : memref<128xf32, #tpu.memory_space<hbm>>) target(%arg30 : memref<128xf32, #tpu.memory_space<vmem>>) target_semaphore(%run_scoped3A : memref<!tpu.dma_semaphore, #tpu.memory_space<semaphore_mem>>)
      tpu.wait_dma2 semaphore(%run_scoped3A : memref<!tpu.dma_semaphore, #tpu.memory_space<semaphore_mem>>) src(%arg6 : memref<128xf32, #tpu.memory_space<hbm>>) dst(%arg30 : memref<128xf32, #tpu.memory_space<vmem>>)
      tpu.yield
    }) : () -> ()
    %mul3A = arith.constant 640 : i32
    %mul3A_0 = arith.muli %arg1, %mul3A : i32
    "tpu.region"() ({
      %run_scoped3A = tpu.sem_alloc : memref<!tpu.dma_semaphore, #tpu.memory_space<semaphore_mem>>
      %dma_start3A_142 = arith.constant 0 : i32
      %dma_start3A_143 = tpu.memref_slice %arg31[%mul3A_0, %dma_start3A_142] : memref<10240x128xf32, #tpu.memory_space<vmem_shared>> -> memref<640x128xf32, #tpu.memory_space<vmem_shared>>
      tpu.enqueue_dma source(%arg11 : memref<640x128xf32, #tpu.memory_space<hbm>>) target(%dma_start3A_143 : memref<640x128xf32, #tpu.memory_space<vmem_shared>>) target_semaphore(%run_scoped3A : memref<!tpu.dma_semaphore, #tpu.memory_space<semaphore_mem>>)
      %dma_wait3A_144 = arith.constant 0 : i32
      %dma_wait3A_145 = tpu.memref_slice %arg31[%mul3A_0, %dma_wait3A_144] : memref<10240x128xf32, #tpu.memory_space<vmem_shared>> -> memref<640x128xf32, #tpu.memory_space<vmem_shared>>
      tpu.wait_dma2 semaphore(%run_scoped3A : memref<!tpu.dma_semaphore, #tpu.memory_space<semaphore_mem>>) src(%arg11 : memref<640x128xf32, #tpu.memory_space<hbm>>) dst(%dma_wait3A_145 : memref<640x128xf32, #tpu.memory_space<vmem_shared>>)
      tpu.yield
    }) : () -> ()
    %barrier3A = arith.constant 0 : index
    tpu.barrier barrier_id(%barrier3A)
    %get3A = arith.constant 0 : index
    %get3A_1 = tpu.vector_load %arg30[%get3A] {strides = array<i32>} : memref<128xf32, #tpu.memory_space<vmem>>, vector<16xf32>,
    %get3A_2 = vector.shape_cast %get3A_1 : vector<16xf32> to vector<16xf32>
    %get3A_3 = arith.constant 16 : index
    %get3A_4 = tpu.vector_load %arg30[%get3A_3] {strides = array<i32>} : memref<128xf32, #tpu.memory_space<vmem>>, vector<16xf32>,
    %get3A_5 = vector.shape_cast %get3A_4 : vector<16xf32> to vector<16xf32>
    %get3A_6 = arith.constant 32 : index
    %get3A_7 = tpu.vector_load %arg30[%get3A_6] {strides = array<i32>} : memref<128xf32, #tpu.memory_space<vmem>>, vector<16xf32>,
    %get3A_8 = vector.shape_cast %get3A_7 : vector<16xf32> to vector<16xf32>
    %get3A_9 = arith.constant 48 : index
    %get3A_10 = tpu.vector_load %arg30[%get3A_9] {strides = array<i32>} : memref<128xf32, #tpu.memory_space<vmem>>, vector<16xf32>,
    %get3A_11 = vector.shape_cast %get3A_10 : vector<16xf32> to vector<16xf32>
    %mul3A_12 = arith.constant 10000 : i32
    %mul3A_13 = arith.muli %arg1, %mul3A_12 : i32
    %add3A = arith.constant 0 : i32
    %add3A_14 = arith.addi %mul3A_13, %add3A : i32
    %multiple_of3A = tpu.assume_multiple %add3A_14, 40 : i32
    %mul3A_15 = arith.constant 160000 : i32
    %mul3A_16 = arith.muli %arg0, %mul3A_15 : i32
    %add3A_17 = arith.addi %mul3A_16, %multiple_of3A : i32
    %multiple_of3A_18 = tpu.assume_multiple %add3A_17, 40 : i32
    %dma_start3A = tpu.memref_slice %arg7[%multiple_of3A] : memref<160000xi32, #tpu.memory_space<hbm>> -> memref<40xi32, #tpu.memory_space<hbm>>
    %dma_start3A_19 = tpu.memref_slice %arg7[%multiple_of3A] : memref<160000xi32, #tpu.memory_space<hbm>> -> memref<40xi32, #tpu.memory_space<hbm>>
    tpu.enqueue_dma source(%dma_start3A_19 : memref<40xi32, #tpu.memory_space<hbm>>) target(%arg13 : memref<40xi32, #tpu.memory_space<vmem>>) target_semaphore(%arg32 : memref<!tpu.dma_semaphore, #tpu.memory_space<semaphore_mem>>)
    %dma_start3A_20 = tpu.memref_slice %arg8[%multiple_of3A] : memref<160000xi32, #tpu.memory_space<hbm>> -> memref<40xi32, #tpu.memory_space<hbm>>
    %dma_start3A_21 = tpu.memref_slice %arg8[%multiple_of3A] : memref<160000xi32, #tpu.memory_space<hbm>> -> memref<40xi32, #tpu.memory_space<hbm>>
    tpu.enqueue_dma source(%dma_start3A_21 : memref<40xi32, #tpu.memory_space<hbm>>) target(%arg14 : memref<40xi32, #tpu.memory_space<vmem>>) target_semaphore(%arg32 : memref<!tpu.dma_semaphore, #tpu.memory_space<semaphore_mem>>)
    %dma_start3A_22 = tpu.memref_slice %arg9[%multiple_of3A] : memref<160000xi32, #tpu.memory_space<hbm>> -> memref<40xi32, #tpu.memory_space<hbm>>
    %dma_start3A_23 = tpu.memref_slice %arg9[%multiple_of3A] : memref<160000xi32, #tpu.memory_space<hbm>> -> memref<40xi32, #tpu.memory_space<hbm>>
    tpu.enqueue_dma source(%dma_start3A_23 : memref<40xi32, #tpu.memory_space<hbm>>) target(%arg15 : memref<40xi32, #tpu.memory_space<vmem>>) target_semaphore(%arg32 : memref<!tpu.dma_semaphore, #tpu.memory_space<semaphore_mem>>)
    %dma_start3A_24 = tpu.memref_slice %arg10[%multiple_of3A_18] : memref<320000xi32, #tpu.memory_space<hbm>> -> memref<40xi32, #tpu.memory_space<hbm>>
    %dma_start3A_25 = tpu.memref_slice %arg10[%multiple_of3A_18] : memref<320000xi32, #tpu.memory_space<hbm>> -> memref<40xi32, #tpu.memory_space<hbm>>
    tpu.enqueue_dma source(%dma_start3A_25 : memref<40xi32, #tpu.memory_space<hbm>>) target(%arg16 : memref<40xi32, #tpu.memory_space<vmem>>) target_semaphore(%arg32 : memref<!tpu.dma_semaphore, #tpu.memory_space<semaphore_mem>>)
    %dma_wait3A = tpu.memref_slice %arg7[%multiple_of3A] : memref<160000xi32, #tpu.memory_space<hbm>> -> memref<40xi32, #tpu.memory_space<hbm>>
    %dma_wait3A_26 = tpu.memref_slice %arg7[%multiple_of3A] : memref<160000xi32, #tpu.memory_space<hbm>> -> memref<40xi32, #tpu.memory_space<hbm>>
    tpu.wait_dma2 semaphore(%arg32 : memref<!tpu.dma_semaphore, #tpu.memory_space<semaphore_mem>>) src(%dma_wait3A_26 : memref<40xi32, #tpu.memory_space<hbm>>) dst(%arg13 : memref<40xi32, #tpu.memory_space<vmem>>)
    %dma_wait3A_27 = tpu.memref_slice %arg8[%multiple_of3A] : memref<160000xi32, #tpu.memory_space<hbm>> -> memref<40xi32, #tpu.memory_space<hbm>>
    %dma_wait3A_28 = tpu.memref_slice %arg8[%multiple_of3A] : memref<160000xi32, #tpu.memory_space<hbm>> -> memref<40xi32, #tpu.memory_space<hbm>>
    tpu.wait_dma2 semaphore(%arg32 : memref<!tpu.dma_semaphore, #tpu.memory_space<semaphore_mem>>) src(%dma_wait3A_28 : memref<40xi32, #tpu.memory_space<hbm>>) dst(%arg14 : memref<40xi32, #tpu.memory_space<vmem>>)
    %dma_wait3A_29 = tpu.memref_slice %arg9[%multiple_of3A] : memref<160000xi32, #tpu.memory_space<hbm>> -> memref<40xi32, #tpu.memory_space<hbm>>
    %dma_wait3A_30 = tpu.memref_slice %arg9[%multiple_of3A] : memref<160000xi32, #tpu.memory_space<hbm>> -> memref<40xi32, #tpu.memory_space<hbm>>
    tpu.wait_dma2 semaphore(%arg32 : memref<!tpu.dma_semaphore, #tpu.memory_space<semaphore_mem>>) src(%dma_wait3A_30 : memref<40xi32, #tpu.memory_space<hbm>>) dst(%arg15 : memref<40xi32, #tpu.memory_space<vmem>>)
    %dma_wait3A_31 = tpu.memref_slice %arg10[%multiple_of3A_18] : memref<320000xi32, #tpu.memory_space<hbm>> -> memref<40xi32, #tpu.memory_space<hbm>>
    %dma_wait3A_32 = tpu.memref_slice %arg10[%multiple_of3A_18] : memref<320000xi32, #tpu.memory_space<hbm>> -> memref<40xi32, #tpu.memory_space<hbm>>
    tpu.wait_dma2 semaphore(%arg32 : memref<!tpu.dma_semaphore, #tpu.memory_space<semaphore_mem>>) src(%dma_wait3A_32 : memref<40xi32, #tpu.memory_space<hbm>>) dst(%arg16 : memref<40xi32, #tpu.memory_space<vmem>>)
    %dma_start3A_33 = arith.constant 0 : i32
    %dma_start3A_34 = arith.constant 0 : i32
    %dma_start3A_35 = tpu.memref_slice %arg2[%dma_start3A_33, %dma_start3A_34] : memref<10000x128xf32, #tpu.memory_space<hbm>> -> memref<10000x128xf32, #tpu.memory_space<hbm>>
    tpu.enqueue_indirect_dma source(%dma_start3A_35 : memref<10000x128xf32, #tpu.memory_space<hbm>>) target(%arg17 : memref<40x128xf32, #tpu.memory_space<vmem>>) offsets(%arg13 : memref<40xi32, #tpu.memory_space<vmem>>) semaphore(%arg32 : memref<!tpu.dma_semaphore, #tpu.memory_space<semaphore_mem>>)
    %dma_start3A_36 = arith.constant 0 : i32
    %dma_start3A_37 = arith.constant 0 : i32
    %dma_start3A_38 = tpu.memref_slice %arg3[%dma_start3A_36, %dma_start3A_37] : memref<500x128xf32, #tpu.memory_space<hbm>> -> memref<500x128xf32, #tpu.memory_space<hbm>>
    tpu.enqueue_indirect_dma source(%dma_start3A_38 : memref<500x128xf32, #tpu.memory_space<hbm>>) target(%arg18 : memref<40x128xf32, #tpu.memory_space<vmem>>) offsets(%arg15 : memref<40xi32, #tpu.memory_space<vmem>>) semaphore(%arg32 : memref<!tpu.dma_semaphore, #tpu.memory_space<semaphore_mem>>)
    %dma_start3A_39 = arith.constant 0 : i32
    %dma_start3A_40 = arith.constant 0 : i32
    %dma_start3A_41 = tpu.memref_slice %arg4[%dma_start3A_39, %dma_start3A_40] : memref<7999x128xf32, #tpu.memory_space<hbm>> -> memref<7999x128xf32, #tpu.memory_space<hbm>>
    tpu.enqueue_indirect_dma source(%dma_start3A_41 : memref<7999x128xf32, #tpu.memory_space<hbm>>) target(%arg19 : memref<40x128xf32, #tpu.memory_space<vmem>>) offsets(%arg16 : memref<40xi32, #tpu.memory_space<vmem>>) semaphore(%arg32 : memref<!tpu.dma_semaphore, #tpu.memory_space<semaphore_mem>>)
    %dma_start3A_42 = arith.constant 0 : i32
    %dma_start3A_43 = arith.constant 0 : i32
    %dma_start3A_44 = tpu.memref_slice %arg5[%dma_start3A_42, %dma_start3A_43] : memref<10000x128xf32, #tpu.memory_space<hbm>> -> memref<10000x128xf32, #tpu.memory_space<hbm>>
    tpu.enqueue_indirect_dma source(%dma_start3A_44 : memref<10000x128xf32, #tpu.memory_space<hbm>>) target(%arg20 : memref<40x128xf32, #tpu.memory_space<vmem>>) offsets(%arg14 : memref<40xi32, #tpu.memory_space<vmem>>) semaphore(%arg32 : memref<!tpu.dma_semaphore, #tpu.memory_space<semaphore_mem>>)
    %scan3A = arith.constant 0 : i32
    %scan3A_45 = arith.constant 0 : i32
    %scan3A_46 = arith.constant 125 : i32
    %scan3A_47 = arith.addi %scan3A_45, %scan3A_46 : i32
    %scan3A_48 = arith.constant 1 : i32
    scf.for %scan3A_142 = %scan3A_45 to %scan3A_47 step %scan3A_48  : i32 {
      %mul3A_143 = arith.constant 2 : i32
      %mul3A_144 = arith.muli %mul3A_143, %scan3A_142 : i32
      %add3A_145 = arith.constant 1 : i32
      %add3A_146 = arith.addi %mul3A_144, %add3A_145 : i32
      %mul3A_147 = arith.constant 10000 : i32
      %mul3A_148 = arith.muli %arg1, %mul3A_147 : i32
      %mul3A_149 = arith.constant 40 : i32
      %mul3A_150 = arith.muli %add3A_146, %mul3A_149 : i32
      %add3A_151 = arith.addi %mul3A_148, %mul3A_150 : i32
      %multiple_of3A_152 = tpu.assume_multiple %add3A_151, 40 : i32
      %mul3A_153 = arith.constant 160000 : i32
      %mul3A_154 = arith.muli %arg0, %mul3A_153 : i32
      %add3A_155 = arith.addi %mul3A_154, %multiple_of3A_152 : i32
      %multiple_of3A_156 = tpu.assume_multiple %add3A_155, 40 : i32
      %dma_start3A_157 = tpu.memref_slice %arg7[%multiple_of3A_152] : memref<160000xi32, #tpu.memory_space<hbm>> -> memref<40xi32, #tpu.memory_space<hbm>>
      %dma_start3A_158 = tpu.memref_slice %arg7[%multiple_of3A_152] : memref<160000xi32, #tpu.memory_space<hbm>> -> memref<40xi32, #tpu.memory_space<hbm>>
      tpu.enqueue_dma source(%dma_start3A_158 : memref<40xi32, #tpu.memory_space<hbm>>) target(%arg21 : memref<40xi32, #tpu.memory_space<vmem>>) target_semaphore(%arg33 : memref<!tpu.dma_semaphore, #tpu.memory_space<semaphore_mem>>)
      %dma_start3A_159 = tpu.memref_slice %arg8[%multiple_of3A_152] : memref<160000xi32, #tpu.memory_space<hbm>> -> memref<40xi32, #tpu.memory_space<hbm>>
      %dma_start3A_160 = tpu.memref_slice %arg8[%multiple_of3A_152] : memref<160000xi32, #tpu.memory_space<hbm>> -> memref<40xi32, #tpu.memory_space<hbm>>
      tpu.enqueue_dma source(%dma_start3A_160 : memref<40xi32, #tpu.memory_space<hbm>>) target(%arg22 : memref<40xi32, #tpu.memory_space<vmem>>) target_semaphore(%arg33 : memref<!tpu.dma_semaphore, #tpu.memory_space<semaphore_mem>>)
      %dma_start3A_161 = tpu.memref_slice %arg9[%multiple_of3A_152] : memref<160000xi32, #tpu.memory_space<hbm>> -> memref<40xi32, #tpu.memory_space<hbm>>
      %dma_start3A_162 = tpu.memref_slice %arg9[%multiple_of3A_152] : memref<160000xi32, #tpu.memory_space<hbm>> -> memref<40xi32, #tpu.memory_space<hbm>>
      tpu.enqueue_dma source(%dma_start3A_162 : memref<40xi32, #tpu.memory_space<hbm>>) target(%arg23 : memref<40xi32, #tpu.memory_space<vmem>>) target_semaphore(%arg33 : memref<!tpu.dma_semaphore, #tpu.memory_space<semaphore_mem>>)
      %dma_start3A_163 = tpu.memref_slice %arg10[%multiple_of3A_156] : memref<320000xi32, #tpu.memory_space<hbm>> -> memref<40xi32, #tpu.memory_space<hbm>>
      %dma_start3A_164 = tpu.memref_slice %arg10[%multiple_of3A_156] : memref<320000xi32, #tpu.memory_space<hbm>> -> memref<40xi32, #tpu.memory_space<hbm>>
      tpu.enqueue_dma source(%dma_start3A_164 : memref<40xi32, #tpu.memory_space<hbm>>) target(%arg24 : memref<40xi32, #tpu.memory_space<vmem>>) target_semaphore(%arg33 : memref<!tpu.dma_semaphore, #tpu.memory_space<semaphore_mem>>)
      %dma_wait3A_165 = tpu.memref_slice %arg7[%multiple_of3A_152] : memref<160000xi32, #tpu.memory_space<hbm>> -> memref<40xi32, #tpu.memory_space<hbm>>
      %dma_wait3A_166 = tpu.memref_slice %arg7[%multiple_of3A_152] : memref<160000xi32, #tpu.memory_space<hbm>> -> memref<40xi32, #tpu.memory_space<hbm>>
      tpu.wait_dma2 semaphore(%arg33 : memref<!tpu.dma_semaphore, #tpu.memory_space<semaphore_mem>>) src(%dma_wait3A_166 : memref<40xi32, #tpu.memory_space<hbm>>) dst(%arg21 : memref<40xi32, #tpu.memory_space<vmem>>)
      %dma_wait3A_167 = tpu.memref_slice %arg8[%multiple_of3A_152] : memref<160000xi32, #tpu.memory_space<hbm>> -> memref<40xi32, #tpu.memory_space<hbm>>
      %dma_wait3A_168 = tpu.memref_slice %arg8[%multiple_of3A_152] : memref<160000xi32, #tpu.memory_space<hbm>> -> memref<40xi32, #tpu.memory_space<hbm>>
      tpu.wait_dma2 semaphore(%arg33 : memref<!tpu.dma_semaphore, #tpu.memory_space<semaphore_mem>>) src(%dma_wait3A_168 : memref<40xi32, #tpu.memory_space<hbm>>) dst(%arg22 : memref<40xi32, #tpu.memory_space<vmem>>)
      %dma_wait3A_169 = tpu.memref_slice %arg9[%multiple_of3A_152] : memref<160000xi32, #tpu.memory_space<hbm>> -> memref<40xi32, #tpu.memory_space<hbm>>
      %dma_wait3A_170 = tpu.memref_slice %arg9[%multiple_of3A_152] : memref<160000xi32, #tpu.memory_space<hbm>> -> memref<40xi32, #tpu.memory_space<hbm>>
      tpu.wait_dma2 semaphore(%arg33 : memref<!tpu.dma_semaphore, #tpu.memory_space<semaphore_mem>>) src(%dma_wait3A_170 : memref<40xi32, #tpu.memory_space<hbm>>) dst(%arg23 : memref<40xi32, #tpu.memory_space<vmem>>)
      %dma_wait3A_171 = tpu.memref_slice %arg10[%multiple_of3A_156] : memref<320000xi32, #tpu.memory_space<hbm>> -> memref<40xi32, #tpu.memory_space<hbm>>
      %dma_wait3A_172 = tpu.memref_slice %arg10[%multiple_of3A_156] : memref<320000xi32, #tpu.memory_space<hbm>> -> memref<40xi32, #tpu.memory_space<hbm>>
      tpu.wait_dma2 semaphore(%arg33 : memref<!tpu.dma_semaphore, #tpu.memory_space<semaphore_mem>>) src(%dma_wait3A_172 : memref<40xi32, #tpu.memory_space<hbm>>) dst(%arg24 : memref<40xi32, #tpu.memory_space<vmem>>)
      %dma_start3A_173 = arith.constant 0 : i32
      %dma_start3A_174 = arith.constant 0 : i32
      %dma_start3A_175 = tpu.memref_slice %arg2[%dma_start3A_173, %dma_start3A_174] : memref<10000x128xf32, #tpu.memory_space<hbm>> -> memref<10000x128xf32, #tpu.memory_space<hbm>>
      tpu.enqueue_indirect_dma source(%dma_start3A_175 : memref<10000x128xf32, #tpu.memory_space<hbm>>) target(%arg25 : memref<40x128xf32, #tpu.memory_space<vmem>>) offsets(%arg21 : memref<40xi32, #tpu.memory_space<vmem>>) semaphore(%arg33 : memref<!tpu.dma_semaphore, #tpu.memory_space<semaphore_mem>>)
      %dma_start3A_176 = arith.constant 0 : i32
      %dma_start3A_177 = arith.constant 0 : i32
      %dma_start3A_178 = tpu.memref_slice %arg3[%dma_start3A_176, %dma_start3A_177] : memref<500x128xf32, #tpu.memory_space<hbm>> -> memref<500x128xf32, #tpu.memory_space<hbm>>
      tpu.enqueue_indirect_dma source(%dma_start3A_178 : memref<500x128xf32, #tpu.memory_space<hbm>>) target(%arg26 : memref<40x128xf32, #tpu.memory_space<vmem>>) offsets(%arg23 : memref<40xi32, #tpu.memory_space<vmem>>) semaphore(%arg33 : memref<!tpu.dma_semaphore, #tpu.memory_space<semaphore_mem>>)
      %dma_start3A_179 = arith.constant 0 : i32
      %dma_start3A_180 = arith.constant 0 : i32
      %dma_start3A_181 = tpu.memref_slice %arg4[%dma_start3A_179, %dma_start3A_180] : memref<7999x128xf32, #tpu.memory_space<hbm>> -> memref<7999x128xf32, #tpu.memory_space<hbm>>
      tpu.enqueue_indirect_dma source(%dma_start3A_181 : memref<7999x128xf32, #tpu.memory_space<hbm>>) target(%arg27 : memref<40x128xf32, #tpu.memory_space<vmem>>) offsets(%arg24 : memref<40xi32, #tpu.memory_space<vmem>>) semaphore(%arg33 : memref<!tpu.dma_semaphore, #tpu.memory_space<semaphore_mem>>)
      %dma_start3A_182 = arith.constant 0 : i32
      %dma_start3A_183 = arith.constant 0 : i32
      %dma_start3A_184 = tpu.memref_slice %arg5[%dma_start3A_182, %dma_start3A_183] : memref<10000x128xf32, #tpu.memory_space<hbm>> -> memref<10000x128xf32, #tpu.memory_space<hbm>>
      tpu.enqueue_indirect_dma source(%dma_start3A_184 : memref<10000x128xf32, #tpu.memory_space<hbm>>) target(%arg28 : memref<40x128xf32, #tpu.memory_space<vmem>>) offsets(%arg22 : memref<40xi32, #tpu.memory_space<vmem>>) semaphore(%arg33 : memref<!tpu.dma_semaphore, #tpu.memory_space<semaphore_mem>>)
      %dma_wait3A_185 = arith.constant 0 : i32
      %dma_wait3A_186 = arith.constant 0 : i32
      %dma_wait3A_187 = tpu.memref_slice %arg2[%dma_wait3A_185, %dma_wait3A_186] : memref<10000x128xf32, #tpu.memory_space<hbm>> -> memref<10000x128xf32, #tpu.memory_space<hbm>>
      tpu.wait_indirect_dma semaphore(%arg32 : memref<!tpu.dma_semaphore, #tpu.memory_space<semaphore_mem>>) src(%dma_wait3A_187 : memref<10000x128xf32, #tpu.memory_space<hbm>>) dst(%arg17 : memref<40x128xf32, #tpu.memory_space<vmem>>)
      %dma_wait3A_188 = arith.constant 0 : i32
      %dma_wait3A_189 = arith.constant 0 : i32
      %dma_wait3A_190 = tpu.memref_slice %arg3[%dma_wait3A_188, %dma_wait3A_189] : memref<500x128xf32, #tpu.memory_space<hbm>> -> memref<500x128xf32, #tpu.memory_space<hbm>>
      tpu.wait_indirect_dma semaphore(%arg32 : memref<!tpu.dma_semaphore, #tpu.memory_space<semaphore_mem>>) src(%dma_wait3A_190 : memref<500x128xf32, #tpu.memory_space<hbm>>) dst(%arg18 : memref<40x128xf32, #tpu.memory_space<vmem>>)
      %dma_wait3A_191 = arith.constant 0 : i32
      %dma_wait3A_192 = arith.constant 0 : i32
      %dma_wait3A_193 = tpu.memref_slice %arg4[%dma_wait3A_191, %dma_wait3A_192] : memref<7999x128xf32, #tpu.memory_space<hbm>> -> memref<7999x128xf32, #tpu.memory_space<hbm>>
      tpu.wait_indirect_dma semaphore(%arg32 : memref<!tpu.dma_semaphore, #tpu.memory_space<semaphore_mem>>) src(%dma_wait3A_193 : memref<7999x128xf32, #tpu.memory_space<hbm>>) dst(%arg19 : memref<40x128xf32, #tpu.memory_space<vmem>>)
      %dma_wait3A_194 = arith.constant 0 : i32
      %dma_wait3A_195 = arith.constant 0 : i32
      %dma_wait3A_196 = tpu.memref_slice %arg5[%dma_wait3A_194, %dma_wait3A_195] : memref<10000x128xf32, #tpu.memory_space<hbm>> -> memref<10000x128xf32, #tpu.memory_space<hbm>>
      tpu.wait_indirect_dma semaphore(%arg32 : memref<!tpu.dma_semaphore, #tpu.memory_space<semaphore_mem>>) src(%dma_wait3A_196 : memref<10000x128xf32, #tpu.memory_space<hbm>>) dst(%arg20 : memref<40x128xf32, #tpu.memory_space<vmem>>)
      %scan3A_197 = arith.constant 0 : i32
      %scan3A_198 = arith.constant 0 : i32
      %scan3A_199 = arith.constant 40 : i32
      %scan3A_200 = arith.addi %scan3A_198, %scan3A_199 : i32
      %scan3A_201 = arith.constant 1 : i32
      scf.for %scan3A_223 = %scan3A_198 to %scan3A_200 step %scan3A_201  : i32 {
        %get3A_224 = arith.index_cast %scan3A_223 : i32 to index
        %get3A_225 = arith.constant 0 : index
        %get3A_226 = tpu.vector_load %arg17[%get3A_224, %get3A_225] {strides = array<i32>} : memref<40x128xf32, #tpu.memory_space<vmem>>, vector<1x16xf32>,
        %get3A_227 = vector.shape_cast %get3A_226 : vector<1x16xf32> to vector<16xf32>
        %get3A_228 = arith.index_cast %scan3A_223 : i32 to index
        %get3A_229 = arith.constant 0 : index
        %get3A_230 = tpu.vector_load %arg18[%get3A_228, %get3A_229] {strides = array<i32>} : memref<40x128xf32, #tpu.memory_space<vmem>>, vector<1x16xf32>,
        %get3A_231 = vector.shape_cast %get3A_230 : vector<1x16xf32> to vector<16xf32>
        %add3A_232 = arith.addf %get3A_227, %get3A_231 : vector<16xf32>
        %get3A_233 = arith.index_cast %scan3A_223 : i32 to index
        %get3A_234 = arith.constant 0 : index
        %get3A_235 = tpu.vector_load %arg19[%get3A_233, %get3A_234] {strides = array<i32>} : memref<40x128xf32, #tpu.memory_space<vmem>>, vector<1x16xf32>,
        %get3A_236 = vector.shape_cast %get3A_235 : vector<1x16xf32> to vector<16xf32>
        %add3A_237 = arith.addf %add3A_232, %get3A_236 : vector<16xf32>
        %get3A_238 = arith.index_cast %scan3A_223 : i32 to index
        %get3A_239 = arith.constant 0 : index
        %get3A_240 = tpu.vector_load %arg20[%get3A_238, %get3A_239] {strides = array<i32>} : memref<40x128xf32, #tpu.memory_space<vmem>>, vector<1x16xf32>,
        %get3A_241 = vector.shape_cast %get3A_240 : vector<1x16xf32> to vector<16xf32>
        %mul3A_242 = arith.mulf %get3A_241, %add3A_237 : vector<16xf32>
        %mul3A_243 = arith.mulf %mul3A_242, %get3A_2 : vector<16xf32>
        %gt3A = arith.constant 0.000000e+00 : f32
        %gt3A_244 = vector.broadcast %gt3A : f32 to vector<16xf32>
        %gt3A_245 = arith.cmpf ogt, %mul3A_243, %gt3A_244 : vector<16xf32>
        %mul3A_246 = arith.constant 0.00999999977 : f32
        %mul3A_247 = vector.broadcast %mul3A_246 : f32 to vector<16xf32>
        %mul3A_248 = arith.mulf %mul3A_247, %mul3A_243 : vector<16xf32>
        %select_n3A = arith.select %gt3A_245, %mul3A_243, %mul3A_248 : vector<16xi1>, vector<16xf32>
        %exp3A = math.exp %select_n3A : vector<16xf32>
        %mul3A_249 = arith.mulf %exp3A, %add3A_237 : vector<16xf32>
        %swap3A = arith.index_cast %scan3A_223 : i32 to index
        %swap3A_250 = arith.constant 0 : index
        %swap3A_251 = tpu.vector_load %arg29[%swap3A, %swap3A_250] {strides = array<i32>} : memref<40x128xf32, #tpu.memory_space<vmem>>, vector<1x16xf32>,
        %swap3A_252 = vector.shape_cast %swap3A_251 : vector<1x16xf32> to vector<16xf32>
        %swap3A_253 = vector.shape_cast %mul3A_249 : vector<16xf32> to vector<1x16xf32>
        tpu.vector_store %arg29[%swap3A, %swap3A_250], %swap3A_253 {strides = array<i32>} : memref<40x128xf32, #tpu.memory_space<vmem>>, vector<1x16xf32>,
        %swap3A_254 = arith.index_cast %scan3A_223 : i32 to index
        %swap3A_255 = arith.constant 64 : index
        %swap3A_256 = tpu.vector_load %arg29[%swap3A_254, %swap3A_255] {strides = array<i32>} : memref<40x128xf32, #tpu.memory_space<vmem>>, vector<1x16xf32>,
        %swap3A_257 = vector.shape_cast %swap3A_256 : vector<1x16xf32> to vector<16xf32>
        %swap3A_258 = vector.shape_cast %exp3A : vector<16xf32> to vector<1x16xf32>
        tpu.vector_store %arg29[%swap3A_254, %swap3A_255], %swap3A_258 {strides = array<i32>} : memref<40x128xf32, #tpu.memory_space<vmem>>, vector<1x16xf32>,
        %get3A_259 = arith.index_cast %scan3A_223 : i32 to index
        %get3A_260 = arith.constant 16 : index
        %get3A_261 = tpu.vector_load %arg17[%get3A_259, %get3A_260] {strides = array<i32>} : memref<40x128xf32, #tpu.memory_space<vmem>>, vector<1x16xf32>,
        %get3A_262 = vector.shape_cast %get3A_261 : vector<1x16xf32> to vector<16xf32>
        %get3A_263 = arith.index_cast %scan3A_223 : i32 to index
        %get3A_264 = arith.constant 16 : index
        %get3A_265 = tpu.vector_load %arg18[%get3A_263, %get3A_264] {strides = array<i32>} : memref<40x128xf32, #tpu.memory_space<vmem>>, vector<1x16xf32>,
        %get3A_266 = vector.shape_cast %get3A_265 : vector<1x16xf32> to vector<16xf32>
        %add3A_267 = arith.addf %get3A_262, %get3A_266 : vector<16xf32>
        %get3A_268 = arith.index_cast %scan3A_223 : i32 to index
        %get3A_269 = arith.constant 16 : index
        %get3A_270 = tpu.vector_load %arg19[%get3A_268, %get3A_269] {strides = array<i32>} : memref<40x128xf32, #tpu.memory_space<vmem>>, vector<1x16xf32>,
        %get3A_271 = vector.shape_cast %get3A_270 : vector<1x16xf32> to vector<16xf32>
        %add3A_272 = arith.addf %add3A_267, %get3A_271 : vector<16xf32>
        %get3A_273 = arith.index_cast %scan3A_223 : i32 to index
        %get3A_274 = arith.constant 16 : index
        %get3A_275 = tpu.vector_load %arg20[%get3A_273, %get3A_274] {strides = array<i32>} : memref<40x128xf32, #tpu.memory_space<vmem>>, vector<1x16xf32>,
        %get3A_276 = vector.shape_cast %get3A_275 : vector<1x16xf32> to vector<16xf32>
        %mul3A_277 = arith.mulf %get3A_276, %add3A_272 : vector<16xf32>
        %mul3A_278 = arith.mulf %mul3A_277, %get3A_5 : vector<16xf32>
        %gt3A_279 = arith.constant 0.000000e+00 : f32
        %gt3A_280 = vector.broadcast %gt3A_279 : f32 to vector<16xf32>
        %gt3A_281 = arith.cmpf ogt, %mul3A_278, %gt3A_280 : vector<16xf32>
        %mul3A_282 = arith.constant 0.00999999977 : f32
        %mul3A_283 = vector.broadcast %mul3A_282 : f32 to vector<16xf32>
        %mul3A_284 = arith.mulf %mul3A_283, %mul3A_278 : vector<16xf32>
        %select_n3A_285 = arith.select %gt3A_281, %mul3A_278, %mul3A_284 : vector<16xi1>, vector<16xf32>
        %exp3A_286 = math.exp %select_n3A_285 : vector<16xf32>
        %mul3A_287 = arith.mulf %exp3A_286, %add3A_272 : vector<16xf32>
        %swap3A_288 = arith.index_cast %scan3A_223 : i32 to index
        %swap3A_289 = arith.constant 16 : index
        %swap3A_290 = tpu.vector_load %arg29[%swap3A_288, %swap3A_289] {strides = array<i32>} : memref<40x128xf32, #tpu.memory_space<vmem>>, vector<1x16xf32>,
        %swap3A_291 = vector.shape_cast %swap3A_290 : vector<1x16xf32> to vector<16xf32>
        %swap3A_292 = vector.shape_cast %mul3A_287 : vector<16xf32> to vector<1x16xf32>
        tpu.vector_store %arg29[%swap3A_288, %swap3A_289], %swap3A_292 {strides = array<i32>} : memref<40x128xf32, #tpu.memory_space<vmem>>, vector<1x16xf32>,
        %swap3A_293 = arith.index_cast %scan3A_223 : i32 to index
        %swap3A_294 = arith.constant 80 : index
        %swap3A_295 = tpu.vector_load %arg29[%swap3A_293, %swap3A_294] {strides = array<i32>} : memref<40x128xf32, #tpu.memory_space<vmem>>, vector<1x16xf32>,
        %swap3A_296 = vector.shape_cast %swap3A_295 : vector<1x16xf32> to vector<16xf32>
        %swap3A_297 = vector.shape_cast %exp3A_286 : vector<16xf32> to vector<1x16xf32>
        tpu.vector_store %arg29[%swap3A_293, %swap3A_294], %swap3A_297 {strides = array<i32>} : memref<40x128xf32, #tpu.memory_space<vmem>>, vector<1x16xf32>,
        %get3A_298 = arith.index_cast %scan3A_223 : i32 to index
        %get3A_299 = arith.constant 32 : index
        %get3A_300 = tpu.vector_load %arg17[%get3A_298, %get3A_299] {strides = array<i32>} : memref<40x128xf32, #tpu.memory_space<vmem>>, vector<1x16xf32>,
        %get3A_301 = vector.shape_cast %get3A_300 : vector<1x16xf32> to vector<16xf32>
        %get3A_302 = arith.index_cast %scan3A_223 : i32 to index
        %get3A_303 = arith.constant 32 : index
        %get3A_304 = tpu.vector_load %arg18[%get3A_302, %get3A_303] {strides = array<i32>} : memref<40x128xf32, #tpu.memory_space<vmem>>, vector<1x16xf32>,
        %get3A_305 = vector.shape_cast %get3A_304 : vector<1x16xf32> to vector<16xf32>
        %add3A_306 = arith.addf %get3A_301, %get3A_305 : vector<16xf32>
        %get3A_307 = arith.index_cast %scan3A_223 : i32 to index
        %get3A_308 = arith.constant 32 : index
        %get3A_309 = tpu.vector_load %arg19[%get3A_307, %get3A_308] {strides = array<i32>} : memref<40x128xf32, #tpu.memory_space<vmem>>, vector<1x16xf32>,
        %get3A_310 = vector.shape_cast %get3A_309 : vector<1x16xf32> to vector<16xf32>
        %add3A_311 = arith.addf %add3A_306, %get3A_310 : vector<16xf32>
        %get3A_312 = arith.index_cast %scan3A_223 : i32 to index
        %get3A_313 = arith.constant 32 : index
        %get3A_314 = tpu.vector_load %arg20[%get3A_312, %get3A_313] {strides = array<i32>} : memref<40x128xf32, #tpu.memory_space<vmem>>, vector<1x16xf32>,
        %get3A_315 = vector.shape_cast %get3A_314 : vector<1x16xf32> to vector<16xf32>
        %mul3A_316 = arith.mulf %get3A_315, %add3A_311 : vector<16xf32>
        %mul3A_317 = arith.mulf %mul3A_316, %get3A_8 : vector<16xf32>
        %gt3A_318 = arith.constant 0.000000e+00 : f32
        %gt3A_319 = vector.broadcast %gt3A_318 : f32 to vector<16xf32>
        %gt3A_320 = arith.cmpf ogt, %mul3A_317, %gt3A_319 : vector<16xf32>
        %mul3A_321 = arith.constant 0.00999999977 : f32
        %mul3A_322 = vector.broadcast %mul3A_321 : f32 to vector<16xf32>
        %mul3A_323 = arith.mulf %mul3A_322, %mul3A_317 : vector<16xf32>
        %select_n3A_324 = arith.select %gt3A_320, %mul3A_317, %mul3A_323 : vector<16xi1>, vector<16xf32>
        %exp3A_325 = math.exp %select_n3A_324 : vector<16xf32>
        %mul3A_326 = arith.mulf %exp3A_325, %add3A_311 : vector<16xf32>
        %swap3A_327 = arith.index_cast %scan3A_223 : i32 to index
        %swap3A_328 = arith.constant 32 : index
        %swap3A_329 = tpu.vector_load %arg29[%swap3A_327, %swap3A_328] {strides = array<i32>} : memref<40x128xf32, #tpu.memory_space<vmem>>, vector<1x16xf32>,
        %swap3A_330 = vector.shape_cast %swap3A_329 : vector<1x16xf32> to vector<16xf32>
        %swap3A_331 = vector.shape_cast %mul3A_326 : vector<16xf32> to vector<1x16xf32>
        tpu.vector_store %arg29[%swap3A_327, %swap3A_328], %swap3A_331 {strides = array<i32>} : memref<40x128xf32, #tpu.memory_space<vmem>>, vector<1x16xf32>,
        %swap3A_332 = arith.index_cast %scan3A_223 : i32 to index
        %swap3A_333 = arith.constant 96 : index
        %swap3A_334 = tpu.vector_load %arg29[%swap3A_332, %swap3A_333] {strides = array<i32>} : memref<40x128xf32, #tpu.memory_space<vmem>>, vector<1x16xf32>,
        %swap3A_335 = vector.shape_cast %swap3A_334 : vector<1x16xf32> to vector<16xf32>
        %swap3A_336 = vector.shape_cast %exp3A_325 : vector<16xf32> to vector<1x16xf32>
        tpu.vector_store %arg29[%swap3A_332, %swap3A_333], %swap3A_336 {strides = array<i32>} : memref<40x128xf32, #tpu.memory_space<vmem>>, vector<1x16xf32>,
        %get3A_337 = arith.index_cast %scan3A_223 : i32 to index
        %get3A_338 = arith.constant 48 : index
        %get3A_339 = tpu.vector_load %arg17[%get3A_337, %get3A_338] {strides = array<i32>} : memref<40x128xf32, #tpu.memory_space<vmem>>, vector<1x16xf32>,
        %get3A_340 = vector.shape_cast %get3A_339 : vector<1x16xf32> to vector<16xf32>
        %get3A_341 = arith.index_cast %scan3A_223 : i32 to index
        %get3A_342 = arith.constant 48 : index
        %get3A_343 = tpu.vector_load %arg18[%get3A_341, %get3A_342] {strides = array<i32>} : memref<40x128xf32, #tpu.memory_space<vmem>>, vector<1x16xf32>,
        %get3A_344 = vector.shape_cast %get3A_343 : vector<1x16xf32> to vector<16xf32>
        %add3A_345 = arith.addf %get3A_340, %get3A_344 : vector<16xf32>
        %get3A_346 = arith.index_cast %scan3A_223 : i32 to index
        %get3A_347 = arith.constant 48 : index
        %get3A_348 = tpu.vector_load %arg19[%get3A_346, %get3A_347] {strides = array<i32>} : memref<40x128xf32, #tpu.memory_space<vmem>>, vector<1x16xf32>,
        %get3A_349 = vector.shape_cast %get3A_348 : vector<1x16xf32> to vector<16xf32>
        %add3A_350 = arith.addf %add3A_345, %get3A_349 : vector<16xf32>
        %get3A_351 = arith.index_cast %scan3A_223 : i32 to index
        %get3A_352 = arith.constant 48 : index
        %get3A_353 = tpu.vector_load %arg20[%get3A_351, %get3A_352] {strides = array<i32>} : memref<40x128xf32, #tpu.memory_space<vmem>>, vector<1x16xf32>,
        %get3A_354 = vector.shape_cast %get3A_353 : vector<1x16xf32> to vector<16xf32>
        %mul3A_355 = arith.mulf %get3A_354, %add3A_350 : vector<16xf32>
        %mul3A_356 = arith.mulf %mul3A_355, %get3A_11 : vector<16xf32>
        %gt3A_357 = arith.constant 0.000000e+00 : f32
        %gt3A_358 = vector.broadcast %gt3A_357 : f32 to vector<16xf32>
        %gt3A_359 = arith.cmpf ogt, %mul3A_356, %gt3A_358 : vector<16xf32>
        %mul3A_360 = arith.constant 0.00999999977 : f32
        %mul3A_361 = vector.broadcast %mul3A_360 : f32 to vector<16xf32>
        %mul3A_362 = arith.mulf %mul3A_361, %mul3A_356 : vector<16xf32>
        %select_n3A_363 = arith.select %gt3A_359, %mul3A_356, %mul3A_362 : vector<16xi1>, vector<16xf32>
        %exp3A_364 = math.exp %select_n3A_363 : vector<16xf32>
        %mul3A_365 = arith.mulf %exp3A_364, %add3A_350 : vector<16xf32>
        %swap3A_366 = arith.index_cast %scan3A_223 : i32 to index
        %swap3A_367 = arith.constant 48 : index
        %swap3A_368 = tpu.vector_load %arg29[%swap3A_366, %swap3A_367] {strides = array<i32>} : memref<40x128xf32, #tpu.memory_space<vmem>>, vector<1x16xf32>,
        %swap3A_369 = vector.shape_cast %swap3A_368 : vector<1x16xf32> to vector<16xf32>
        %swap3A_370 = vector.shape_cast %mul3A_365 : vector<16xf32> to vector<1x16xf32>
        tpu.vector_store %arg29[%swap3A_366, %swap3A_367], %swap3A_370 {strides = array<i32>} : memref<40x128xf32, #tpu.memory_space<vmem>>, vector<1x16xf32>,
        %swap3A_371 = arith.index_cast %scan3A_223 : i32 to index
        %swap3A_372 = arith.constant 112 : index
        %swap3A_373 = tpu.vector_load %arg29[%swap3A_371, %swap3A_372] {strides = array<i32>} : memref<40x128xf32, #tpu.memory_space<vmem>>, vector<1x16xf32>,
        %swap3A_374 = vector.shape_cast %swap3A_373 : vector<1x16xf32> to vector<16xf32>
        %swap3A_375 = vector.shape_cast %exp3A_364 : vector<16xf32> to vector<1x16xf32>
        tpu.vector_store %arg29[%swap3A_371, %swap3A_372], %swap3A_375 {strides = array<i32>} : memref<40x128xf32, #tpu.memory_space<vmem>>, vector<1x16xf32>,
      }
      %scan3A_202 = arith.constant 40 : i32
      "tpu.region"() ({
        %run_scoped3A = tpu.sem_alloc : memref<!tpu.dma_semaphore, #tpu.memory_space<semaphore_mem>>
        %dma_start3A_223 = arith.constant 0 : i32
        %dma_start3A_224 = arith.constant 0 : i32
        %dma_start3A_225 = tpu.memref_slice %arg31[%dma_start3A_223, %dma_start3A_224] : memref<10240x128xf32, #tpu.memory_space<vmem_shared>> -> memref<10240x128xf32, #tpu.memory_space<vmem_shared>>
        tpu.enqueue_indirect_dma source(%arg29 : memref<40x128xf32, #tpu.memory_space<vmem>>) target(%dma_start3A_225 : memref<10240x128xf32, #tpu.memory_space<vmem_shared>>) offsets(%arg14 : memref<40xi32, #tpu.memory_space<vmem>>) semaphore(%run_scoped3A : memref<!tpu.dma_semaphore, #tpu.memory_space<semaphore_mem>>) {add = true}
        %dma_wait3A_226 = arith.constant 0 : i32
        %dma_wait3A_227 = arith.constant 0 : i32
        %dma_wait3A_228 = tpu.memref_slice %arg31[%dma_wait3A_226, %dma_wait3A_227] : memref<10240x128xf32, #tpu.memory_space<vmem_shared>> -> memref<10240x128xf32, #tpu.memory_space<vmem_shared>>
        tpu.wait_indirect_dma semaphore(%run_scoped3A : memref<!tpu.dma_semaphore, #tpu.memory_space<semaphore_mem>>) src(%arg29 : memref<40x128xf32, #tpu.memory_space<vmem>>) dst(%dma_wait3A_228 : memref<10240x128xf32, #tpu.memory_space<vmem_shared>>)
        tpu.yield
      }) : () -> ()
      %lt3A = arith.constant 124 : i32
      %lt3A_203 = arith.cmpi slt, %scan3A_142, %lt3A : i32
      %convert_element_type3A = arith.extui %lt3A_203 : i1 to i32
      %cond3A = arith.constant 0 : i32
      %cond3A_204 = arith.cmpi ne, %convert_element_type3A, %cond3A : i32
      scf.if %cond3A_204 {
        %mul3A_223 = arith.constant 2 : i32
        %mul3A_224 = arith.muli %mul3A_223, %scan3A_142 : i32
        %add3A_225 = arith.constant 2 : i32
        %add3A_226 = arith.addi %mul3A_224, %add3A_225 : i32
        %mul3A_227 = arith.constant 10000 : i32
        %mul3A_228 = arith.muli %arg1, %mul3A_227 : i32
        %mul3A_229 = arith.constant 40 : i32
        %mul3A_230 = arith.muli %add3A_226, %mul3A_229 : i32
        %add3A_231 = arith.addi %mul3A_228, %mul3A_230 : i32
        %multiple_of3A_232 = tpu.assume_multiple %add3A_231, 40 : i32
        %mul3A_233 = arith.constant 160000 : i32
        %mul3A_234 = arith.muli %arg0, %mul3A_233 : i32
        %add3A_235 = arith.addi %mul3A_234, %multiple_of3A_232 : i32
        %multiple_of3A_236 = tpu.assume_multiple %add3A_235, 40 : i32
        %dma_start3A_237 = tpu.memref_slice %arg7[%multiple_of3A_232] : memref<160000xi32, #tpu.memory_space<hbm>> -> memref<40xi32, #tpu.memory_space<hbm>>
        %dma_start3A_238 = tpu.memref_slice %arg7[%multiple_of3A_232] : memref<160000xi32, #tpu.memory_space<hbm>> -> memref<40xi32, #tpu.memory_space<hbm>>
        tpu.enqueue_dma source(%dma_start3A_238 : memref<40xi32, #tpu.memory_space<hbm>>) target(%arg13 : memref<40xi32, #tpu.memory_space<vmem>>) target_semaphore(%arg32 : memref<!tpu.dma_semaphore, #tpu.memory_space<semaphore_mem>>)
        %dma_start3A_239 = tpu.memref_slice %arg8[%multiple_of3A_232] : memref<160000xi32, #tpu.memory_space<hbm>> -> memref<40xi32, #tpu.memory_space<hbm>>
        %dma_start3A_240 = tpu.memref_slice %arg8[%multiple_of3A_232] : memref<160000xi32, #tpu.memory_space<hbm>> -> memref<40xi32, #tpu.memory_space<hbm>>
        tpu.enqueue_dma source(%dma_start3A_240 : memref<40xi32, #tpu.memory_space<hbm>>) target(%arg14 : memref<40xi32, #tpu.memory_space<vmem>>) target_semaphore(%arg32 : memref<!tpu.dma_semaphore, #tpu.memory_space<semaphore_mem>>)
        %dma_start3A_241 = tpu.memref_slice %arg9[%multiple_of3A_232] : memref<160000xi32, #tpu.memory_space<hbm>> -> memref<40xi32, #tpu.memory_space<hbm>>
        %dma_start3A_242 = tpu.memref_slice %arg9[%multiple_of3A_232] : memref<160000xi32, #tpu.memory_space<hbm>> -> memref<40xi32, #tpu.memory_space<hbm>>
        tpu.enqueue_dma source(%dma_start3A_242 : memref<40xi32, #tpu.memory_space<hbm>>) target(%arg15 : memref<40xi32, #tpu.memory_space<vmem>>) target_semaphore(%arg32 : memref<!tpu.dma_semaphore, #tpu.memory_space<semaphore_mem>>)
        %dma_start3A_243 = tpu.memref_slice %arg10[%multiple_of3A_236] : memref<320000xi32, #tpu.memory_space<hbm>> -> memref<40xi32, #tpu.memory_space<hbm>>
        %dma_start3A_244 = tpu.memref_slice %arg10[%multiple_of3A_236] : memref<320000xi32, #tpu.memory_space<hbm>> -> memref<40xi32, #tpu.memory_space<hbm>>
        tpu.enqueue_dma source(%dma_start3A_244 : memref<40xi32, #tpu.memory_space<hbm>>) target(%arg16 : memref<40xi32, #tpu.memory_space<vmem>>) target_semaphore(%arg32 : memref<!tpu.dma_semaphore, #tpu.memory_space<semaphore_mem>>)
        %dma_wait3A_245 = tpu.memref_slice %arg7[%multiple_of3A_232] : memref<160000xi32, #tpu.memory_space<hbm>> -> memref<40xi32, #tpu.memory_space<hbm>>
        %dma_wait3A_246 = tpu.memref_slice %arg7[%multiple_of3A_232] : memref<160000xi32, #tpu.memory_space<hbm>> -> memref<40xi32, #tpu.memory_space<hbm>>
        tpu.wait_dma2 semaphore(%arg32 : memref<!tpu.dma_semaphore, #tpu.memory_space<semaphore_mem>>) src(%dma_wait3A_246 : memref<40xi32, #tpu.memory_space<hbm>>) dst(%arg13 : memref<40xi32, #tpu.memory_space<vmem>>)
        %dma_wait3A_247 = tpu.memref_slice %arg8[%multiple_of3A_232] : memref<160000xi32, #tpu.memory_space<hbm>> -> memref<40xi32, #tpu.memory_space<hbm>>
        %dma_wait3A_248 = tpu.memref_slice %arg8[%multiple_of3A_232] : memref<160000xi32, #tpu.memory_space<hbm>> -> memref<40xi32, #tpu.memory_space<hbm>>
        tpu.wait_dma2 semaphore(%arg32 : memref<!tpu.dma_semaphore, #tpu.memory_space<semaphore_mem>>) src(%dma_wait3A_248 : memref<40xi32, #tpu.memory_space<hbm>>) dst(%arg14 : memref<40xi32, #tpu.memory_space<vmem>>)
        %dma_wait3A_249 = tpu.memref_slice %arg9[%multiple_of3A_232] : memref<160000xi32, #tpu.memory_space<hbm>> -> memref<40xi32, #tpu.memory_space<hbm>>
        %dma_wait3A_250 = tpu.memref_slice %arg9[%multiple_of3A_232] : memref<160000xi32, #tpu.memory_space<hbm>> -> memref<40xi32, #tpu.memory_space<hbm>>
        tpu.wait_dma2 semaphore(%arg32 : memref<!tpu.dma_semaphore, #tpu.memory_space<semaphore_mem>>) src(%dma_wait3A_250 : memref<40xi32, #tpu.memory_space<hbm>>) dst(%arg15 : memref<40xi32, #tpu.memory_space<vmem>>)
        %dma_wait3A_251 = tpu.memref_slice %arg10[%multiple_of3A_236] : memref<320000xi32, #tpu.memory_space<hbm>> -> memref<40xi32, #tpu.memory_space<hbm>>
        %dma_wait3A_252 = tpu.memref_slice %arg10[%multiple_of3A_236] : memref<320000xi32, #tpu.memory_space<hbm>> -> memref<40xi32, #tpu.memory_space<hbm>>
        tpu.wait_dma2 semaphore(%arg32 : memref<!tpu.dma_semaphore, #tpu.memory_space<semaphore_mem>>) src(%dma_wait3A_252 : memref<40xi32, #tpu.memory_space<hbm>>) dst(%arg16 : memref<40xi32, #tpu.memory_space<vmem>>)
        %dma_start3A_253 = arith.constant 0 : i32
        %dma_start3A_254 = arith.constant 0 : i32
        %dma_start3A_255 = tpu.memref_slice %arg2[%dma_start3A_253, %dma_start3A_254] : memref<10000x128xf32, #tpu.memory_space<hbm>> -> memref<10000x128xf32, #tpu.memory_space<hbm>>
        tpu.enqueue_indirect_dma source(%dma_start3A_255 : memref<10000x128xf32, #tpu.memory_space<hbm>>) target(%arg17 : memref<40x128xf32, #tpu.memory_space<vmem>>) offsets(%arg13 : memref<40xi32, #tpu.memory_space<vmem>>) semaphore(%arg32 : memref<!tpu.dma_semaphore, #tpu.memory_space<semaphore_mem>>)
        %dma_start3A_256 = arith.constant 0 : i32
        %dma_start3A_257 = arith.constant 0 : i32
        %dma_start3A_258 = tpu.memref_slice %arg3[%dma_start3A_256, %dma_start3A_257] : memref<500x128xf32, #tpu.memory_space<hbm>> -> memref<500x128xf32, #tpu.memory_space<hbm>>
        tpu.enqueue_indirect_dma source(%dma_start3A_258 : memref<500x128xf32, #tpu.memory_space<hbm>>) target(%arg18 : memref<40x128xf32, #tpu.memory_space<vmem>>) offsets(%arg15 : memref<40xi32, #tpu.memory_space<vmem>>) semaphore(%arg32 : memref<!tpu.dma_semaphore, #tpu.memory_space<semaphore_mem>>)
        %dma_start3A_259 = arith.constant 0 : i32
        %dma_start3A_260 = arith.constant 0 : i32
        %dma_start3A_261 = tpu.memref_slice %arg4[%dma_start3A_259, %dma_start3A_260] : memref<7999x128xf32, #tpu.memory_space<hbm>> -> memref<7999x128xf32, #tpu.memory_space<hbm>>
        tpu.enqueue_indirect_dma source(%dma_start3A_261 : memref<7999x128xf32, #tpu.memory_space<hbm>>) target(%arg19 : memref<40x128xf32, #tpu.memory_space<vmem>>) offsets(%arg16 : memref<40xi32, #tpu.memory_space<vmem>>) semaphore(%arg32 : memref<!tpu.dma_semaphore, #tpu.memory_space<semaphore_mem>>)
        %dma_start3A_262 = arith.constant 0 : i32
        %dma_start3A_263 = arith.constant 0 : i32
        %dma_start3A_264 = tpu.memref_slice %arg5[%dma_start3A_262, %dma_start3A_263] : memref<10000x128xf32, #tpu.memory_space<hbm>> -> memref<10000x128xf32, #tpu.memory_space<hbm>>
        tpu.enqueue_indirect_dma source(%dma_start3A_264 : memref<10000x128xf32, #tpu.memory_space<hbm>>) target(%arg20 : memref<40x128xf32, #tpu.memory_space<vmem>>) offsets(%arg14 : memref<40xi32, #tpu.memory_space<vmem>>) semaphore(%arg32 : memref<!tpu.dma_semaphore, #tpu.memory_space<semaphore_mem>>)
      } else {
      }
      %dma_wait3A_205 = arith.constant 0 : i32
      %dma_wait3A_206 = arith.constant 0 : i32
      %dma_wait3A_207 = tpu.memref_slice %arg2[%dma_wait3A_205, %dma_wait3A_206] : memref<10000x128xf32, #tpu.memory_space<hbm>> -> memref<10000x128xf32, #tpu.memory_space<hbm>>
      tpu.wait_indirect_dma semaphore(%arg33 : memref<!tpu.dma_semaphore, #tpu.memory_space<semaphore_mem>>) src(%dma_wait3A_207 : memref<10000x128xf32, #tpu.memory_space<hbm>>) dst(%arg25 : memref<40x128xf32, #tpu.memory_space<vmem>>)
      %dma_wait3A_208 = arith.constant 0 : i32
      %dma_wait3A_209 = arith.constant 0 : i32
      %dma_wait3A_210 = tpu.memref_slice %arg3[%dma_wait3A_208, %dma_wait3A_209] : memref<500x128xf32, #tpu.memory_space<hbm>> -> memref<500x128xf32, #tpu.memory_space<hbm>>
      tpu.wait_indirect_dma semaphore(%arg33 : memref<!tpu.dma_semaphore, #tpu.memory_space<semaphore_mem>>) src(%dma_wait3A_210 : memref<500x128xf32, #tpu.memory_space<hbm>>) dst(%arg26 : memref<40x128xf32, #tpu.memory_space<vmem>>)
      %dma_wait3A_211 = arith.constant 0 : i32
      %dma_wait3A_212 = arith.constant 0 : i32
      %dma_wait3A_213 = tpu.memref_slice %arg4[%dma_wait3A_211, %dma_wait3A_212] : memref<7999x128xf32, #tpu.memory_space<hbm>> -> memref<7999x128xf32, #tpu.memory_space<hbm>>
      tpu.wait_indirect_dma semaphore(%arg33 : memref<!tpu.dma_semaphore, #tpu.memory_space<semaphore_mem>>) src(%dma_wait3A_213 : memref<7999x128xf32, #tpu.memory_space<hbm>>) dst(%arg27 : memref<40x128xf32, #tpu.memory_space<vmem>>)
      %dma_wait3A_214 = arith.constant 0 : i32
      %dma_wait3A_215 = arith.constant 0 : i32
      %dma_wait3A_216 = tpu.memref_slice %arg5[%dma_wait3A_214, %dma_wait3A_215] : memref<10000x128xf32, #tpu.memory_space<hbm>> -> memref<10000x128xf32, #tpu.memory_space<hbm>>
      tpu.wait_indirect_dma semaphore(%arg33 : memref<!tpu.dma_semaphore, #tpu.memory_space<semaphore_mem>>) src(%dma_wait3A_216 : memref<10000x128xf32, #tpu.memory_space<hbm>>) dst(%arg28 : memref<40x128xf32, #tpu.memory_space<vmem>>)
      %scan3A_217 = arith.constant 0 : i32
      %scan3A_218 = arith.constant 0 : i32
      %scan3A_219 = arith.constant 40 : i32
      %scan3A_220 = arith.addi %scan3A_218, %scan3A_219 : i32
      %scan3A_221 = arith.constant 1 : i32
      scf.for %scan3A_223 = %scan3A_218 to %scan3A_220 step %scan3A_221  : i32 {
        %get3A_224 = arith.index_cast %scan3A_223 : i32 to index
        %get3A_225 = arith.constant 0 : index
        %get3A_226 = tpu.vector_load %arg25[%get3A_224, %get3A_225] {strides = array<i32>} : memref<40x128xf32, #tpu.memory_space<vmem>>, vector<1x16xf32>,
        %get3A_227 = vector.shape_cast %get3A_226 : vector<1x16xf32> to vector<16xf32>
        %get3A_228 = arith.index_cast %scan3A_223 : i32 to index
        %get3A_229 = arith.constant 0 : index
        %get3A_230 = tpu.vector_load %arg26[%get3A_228, %get3A_229] {strides = array<i32>} : memref<40x128xf32, #tpu.memory_space<vmem>>, vector<1x16xf32>,
        %get3A_231 = vector.shape_cast %get3A_230 : vector<1x16xf32> to vector<16xf32>
        %add3A_232 = arith.addf %get3A_227, %get3A_231 : vector<16xf32>
        %get3A_233 = arith.index_cast %scan3A_223 : i32 to index
        %get3A_234 = arith.constant 0 : index
        %get3A_235 = tpu.vector_load %arg27[%get3A_233, %get3A_234] {strides = array<i32>} : memref<40x128xf32, #tpu.memory_space<vmem>>, vector<1x16xf32>,
        %get3A_236 = vector.shape_cast %get3A_235 : vector<1x16xf32> to vector<16xf32>
        %add3A_237 = arith.addf %add3A_232, %get3A_236 : vector<16xf32>
        %get3A_238 = arith.index_cast %scan3A_223 : i32 to index
        %get3A_239 = arith.constant 0 : index
        %get3A_240 = tpu.vector_load %arg28[%get3A_238, %get3A_239] {strides = array<i32>} : memref<40x128xf32, #tpu.memory_space<vmem>>, vector<1x16xf32>,
        %get3A_241 = vector.shape_cast %get3A_240 : vector<1x16xf32> to vector<16xf32>
        %mul3A_242 = arith.mulf %get3A_241, %add3A_237 : vector<16xf32>
        %mul3A_243 = arith.mulf %mul3A_242, %get3A_2 : vector<16xf32>
        %gt3A = arith.constant 0.000000e+00 : f32
        %gt3A_244 = vector.broadcast %gt3A : f32 to vector<16xf32>
        %gt3A_245 = arith.cmpf ogt, %mul3A_243, %gt3A_244 : vector<16xf32>
        %mul3A_246 = arith.constant 0.00999999977 : f32
        %mul3A_247 = vector.broadcast %mul3A_246 : f32 to vector<16xf32>
        %mul3A_248 = arith.mulf %mul3A_247, %mul3A_243 : vector<16xf32>
        %select_n3A = arith.select %gt3A_245, %mul3A_243, %mul3A_248 : vector<16xi1>, vector<16xf32>
        %exp3A = math.exp %select_n3A : vector<16xf32>
        %mul3A_249 = arith.mulf %exp3A, %add3A_237 : vector<16xf32>
        %swap3A = arith.index_cast %scan3A_223 : i32 to index
        %swap3A_250 = arith.constant 0 : index
        %swap3A_251 = tpu.vector_load %arg29[%swap3A, %swap3A_250] {strides = array<i32>} : memref<40x128xf32, #tpu.memory_space<vmem>>, vector<1x16xf32>,
        %swap3A_252 = vector.shape_cast %swap3A_251 : vector<1x16xf32> to vector<16xf32>
        %swap3A_253 = vector.shape_cast %mul3A_249 : vector<16xf32> to vector<1x16xf32>
        tpu.vector_store %arg29[%swap3A, %swap3A_250], %swap3A_253 {strides = array<i32>} : memref<40x128xf32, #tpu.memory_space<vmem>>, vector<1x16xf32>,
        %swap3A_254 = arith.index_cast %scan3A_223 : i32 to index
        %swap3A_255 = arith.constant 64 : index
        %swap3A_256 = tpu.vector_load %arg29[%swap3A_254, %swap3A_255] {strides = array<i32>} : memref<40x128xf32, #tpu.memory_space<vmem>>, vector<1x16xf32>,
        %swap3A_257 = vector.shape_cast %swap3A_256 : vector<1x16xf32> to vector<16xf32>
        %swap3A_258 = vector.shape_cast %exp3A : vector<16xf32> to vector<1x16xf32>
        tpu.vector_store %arg29[%swap3A_254, %swap3A_255], %swap3A_258 {strides = array<i32>} : memref<40x128xf32, #tpu.memory_space<vmem>>, vector<1x16xf32>,
        %get3A_259 = arith.index_cast %scan3A_223 : i32 to index
        %get3A_260 = arith.constant 16 : index
        %get3A_261 = tpu.vector_load %arg25[%get3A_259, %get3A_260] {strides = array<i32>} : memref<40x128xf32, #tpu.memory_space<vmem>>, vector<1x16xf32>,
        %get3A_262 = vector.shape_cast %get3A_261 : vector<1x16xf32> to vector<16xf32>
        %get3A_263 = arith.index_cast %scan3A_223 : i32 to index
        %get3A_264 = arith.constant 16 : index
        %get3A_265 = tpu.vector_load %arg26[%get3A_263, %get3A_264] {strides = array<i32>} : memref<40x128xf32, #tpu.memory_space<vmem>>, vector<1x16xf32>,
        %get3A_266 = vector.shape_cast %get3A_265 : vector<1x16xf32> to vector<16xf32>
        %add3A_267 = arith.addf %get3A_262, %get3A_266 : vector<16xf32>
        %get3A_268 = arith.index_cast %scan3A_223 : i32 to index
        %get3A_269 = arith.constant 16 : index
        %get3A_270 = tpu.vector_load %arg27[%get3A_268, %get3A_269] {strides = array<i32>} : memref<40x128xf32, #tpu.memory_space<vmem>>, vector<1x16xf32>,
        %get3A_271 = vector.shape_cast %get3A_270 : vector<1x16xf32> to vector<16xf32>
        %add3A_272 = arith.addf %add3A_267, %get3A_271 : vector<16xf32>
        %get3A_273 = arith.index_cast %scan3A_223 : i32 to index
        %get3A_274 = arith.constant 16 : index
        %get3A_275 = tpu.vector_load %arg28[%get3A_273, %get3A_274] {strides = array<i32>} : memref<40x128xf32, #tpu.memory_space<vmem>>, vector<1x16xf32>,
        %get3A_276 = vector.shape_cast %get3A_275 : vector<1x16xf32> to vector<16xf32>
        %mul3A_277 = arith.mulf %get3A_276, %add3A_272 : vector<16xf32>
        %mul3A_278 = arith.mulf %mul3A_277, %get3A_5 : vector<16xf32>
        %gt3A_279 = arith.constant 0.000000e+00 : f32
        %gt3A_280 = vector.broadcast %gt3A_279 : f32 to vector<16xf32>
        %gt3A_281 = arith.cmpf ogt, %mul3A_278, %gt3A_280 : vector<16xf32>
        %mul3A_282 = arith.constant 0.00999999977 : f32
        %mul3A_283 = vector.broadcast %mul3A_282 : f32 to vector<16xf32>
        %mul3A_284 = arith.mulf %mul3A_283, %mul3A_278 : vector<16xf32>
        %select_n3A_285 = arith.select %gt3A_281, %mul3A_278, %mul3A_284 : vector<16xi1>, vector<16xf32>
        %exp3A_286 = math.exp %select_n3A_285 : vector<16xf32>
        %mul3A_287 = arith.mulf %exp3A_286, %add3A_272 : vector<16xf32>
        %swap3A_288 = arith.index_cast %scan3A_223 : i32 to index
        %swap3A_289 = arith.constant 16 : index
        %swap3A_290 = tpu.vector_load %arg29[%swap3A_288, %swap3A_289] {strides = array<i32>} : memref<40x128xf32, #tpu.memory_space<vmem>>, vector<1x16xf32>,
        %swap3A_291 = vector.shape_cast %swap3A_290 : vector<1x16xf32> to vector<16xf32>
        %swap3A_292 = vector.shape_cast %mul3A_287 : vector<16xf32> to vector<1x16xf32>
        tpu.vector_store %arg29[%swap3A_288, %swap3A_289], %swap3A_292 {strides = array<i32>} : memref<40x128xf32, #tpu.memory_space<vmem>>, vector<1x16xf32>,
        %swap3A_293 = arith.index_cast %scan3A_223 : i32 to index
        %swap3A_294 = arith.constant 80 : index
        %swap3A_295 = tpu.vector_load %arg29[%swap3A_293, %swap3A_294] {strides = array<i32>} : memref<40x128xf32, #tpu.memory_space<vmem>>, vector<1x16xf32>,
        %swap3A_296 = vector.shape_cast %swap3A_295 : vector<1x16xf32> to vector<16xf32>
        %swap3A_297 = vector.shape_cast %exp3A_286 : vector<16xf32> to vector<1x16xf32>
        tpu.vector_store %arg29[%swap3A_293, %swap3A_294], %swap3A_297 {strides = array<i32>} : memref<40x128xf32, #tpu.memory_space<vmem>>, vector<1x16xf32>,
        %get3A_298 = arith.index_cast %scan3A_223 : i32 to index
        %get3A_299 = arith.constant 32 : index
        %get3A_300 = tpu.vector_load %arg25[%get3A_298, %get3A_299] {strides = array<i32>} : memref<40x128xf32, #tpu.memory_space<vmem>>, vector<1x16xf32>,
        %get3A_301 = vector.shape_cast %get3A_300 : vector<1x16xf32> to vector<16xf32>
        %get3A_302 = arith.index_cast %scan3A_223 : i32 to index
        %get3A_303 = arith.constant 32 : index
        %get3A_304 = tpu.vector_load %arg26[%get3A_302, %get3A_303] {strides = array<i32>} : memref<40x128xf32, #tpu.memory_space<vmem>>, vector<1x16xf32>,
        %get3A_305 = vector.shape_cast %get3A_304 : vector<1x16xf32> to vector<16xf32>
        %add3A_306 = arith.addf %get3A_301, %get3A_305 : vector<16xf32>
        %get3A_307 = arith.index_cast %scan3A_223 : i32 to index
        %get3A_308 = arith.constant 32 : index
        %get3A_309 = tpu.vector_load %arg27[%get3A_307, %get3A_308] {strides = array<i32>} : memref<40x128xf32, #tpu.memory_space<vmem>>, vector<1x16xf32>,
        %get3A_310 = vector.shape_cast %get3A_309 : vector<1x16xf32> to vector<16xf32>
        %add3A_311 = arith.addf %add3A_306, %get3A_310 : vector<16xf32>
        %get3A_312 = arith.index_cast %scan3A_223 : i32 to index
        %get3A_313 = arith.constant 32 : index
        %get3A_314 = tpu.vector_load %arg28[%get3A_312, %get3A_313] {strides = array<i32>} : memref<40x128xf32, #tpu.memory_space<vmem>>, vector<1x16xf32>,
        %get3A_315 = vector.shape_cast %get3A_314 : vector<1x16xf32> to vector<16xf32>
        %mul3A_316 = arith.mulf %get3A_315, %add3A_311 : vector<16xf32>
        %mul3A_317 = arith.mulf %mul3A_316, %get3A_8 : vector<16xf32>
        %gt3A_318 = arith.constant 0.000000e+00 : f32
        %gt3A_319 = vector.broadcast %gt3A_318 : f32 to vector<16xf32>
        %gt3A_320 = arith.cmpf ogt, %mul3A_317, %gt3A_319 : vector<16xf32>
        %mul3A_321 = arith.constant 0.00999999977 : f32
        %mul3A_322 = vector.broadcast %mul3A_321 : f32 to vector<16xf32>
        %mul3A_323 = arith.mulf %mul3A_322, %mul3A_317 : vector<16xf32>
        %select_n3A_324 = arith.select %gt3A_320, %mul3A_317, %mul3A_323 : vector<16xi1>, vector<16xf32>
        %exp3A_325 = math.exp %select_n3A_324 : vector<16xf32>
        %mul3A_326 = arith.mulf %exp3A_325, %add3A_311 : vector<16xf32>
        %swap3A_327 = arith.index_cast %scan3A_223 : i32 to index
        %swap3A_328 = arith.constant 32 : index
        %swap3A_329 = tpu.vector_load %arg29[%swap3A_327, %swap3A_328] {strides = array<i32>} : memref<40x128xf32, #tpu.memory_space<vmem>>, vector<1x16xf32>,
        %swap3A_330 = vector.shape_cast %swap3A_329 : vector<1x16xf32> to vector<16xf32>
        %swap3A_331 = vector.shape_cast %mul3A_326 : vector<16xf32> to vector<1x16xf32>
        tpu.vector_store %arg29[%swap3A_327, %swap3A_328], %swap3A_331 {strides = array<i32>} : memref<40x128xf32, #tpu.memory_space<vmem>>, vector<1x16xf32>,
        %swap3A_332 = arith.index_cast %scan3A_223 : i32 to index
        %swap3A_333 = arith.constant 96 : index
        %swap3A_334 = tpu.vector_load %arg29[%swap3A_332, %swap3A_333] {strides = array<i32>} : memref<40x128xf32, #tpu.memory_space<vmem>>, vector<1x16xf32>,
        %swap3A_335 = vector.shape_cast %swap3A_334 : vector<1x16xf32> to vector<16xf32>
        %swap3A_336 = vector.shape_cast %exp3A_325 : vector<16xf32> to vector<1x16xf32>
        tpu.vector_store %arg29[%swap3A_332, %swap3A_333], %swap3A_336 {strides = array<i32>} : memref<40x128xf32, #tpu.memory_space<vmem>>, vector<1x16xf32>,
        %get3A_337 = arith.index_cast %scan3A_223 : i32 to index
        %get3A_338 = arith.constant 48 : index
        %get3A_339 = tpu.vector_load %arg25[%get3A_337, %get3A_338] {strides = array<i32>} : memref<40x128xf32, #tpu.memory_space<vmem>>, vector<1x16xf32>,
        %get3A_340 = vector.shape_cast %get3A_339 : vector<1x16xf32> to vector<16xf32>
        %get3A_341 = arith.index_cast %scan3A_223 : i32 to index
        %get3A_342 = arith.constant 48 : index
        %get3A_343 = tpu.vector_load %arg26[%get3A_341, %get3A_342] {strides = array<i32>} : memref<40x128xf32, #tpu.memory_space<vmem>>, vector<1x16xf32>,
        %get3A_344 = vector.shape_cast %get3A_343 : vector<1x16xf32> to vector<16xf32>
        %add3A_345 = arith.addf %get3A_340, %get3A_344 : vector<16xf32>
        %get3A_346 = arith.index_cast %scan3A_223 : i32 to index
        %get3A_347 = arith.constant 48 : index
        %get3A_348 = tpu.vector_load %arg27[%get3A_346, %get3A_347] {strides = array<i32>} : memref<40x128xf32, #tpu.memory_space<vmem>>, vector<1x16xf32>,
        %get3A_349 = vector.shape_cast %get3A_348 : vector<1x16xf32> to vector<16xf32>
        %add3A_350 = arith.addf %add3A_345, %get3A_349 : vector<16xf32>
        %get3A_351 = arith.index_cast %scan3A_223 : i32 to index
        %get3A_352 = arith.constant 48 : index
        %get3A_353 = tpu.vector_load %arg28[%get3A_351, %get3A_352] {strides = array<i32>} : memref<40x128xf32, #tpu.memory_space<vmem>>, vector<1x16xf32>,
        %get3A_354 = vector.shape_cast %get3A_353 : vector<1x16xf32> to vector<16xf32>
        %mul3A_355 = arith.mulf %get3A_354, %add3A_350 : vector<16xf32>
        %mul3A_356 = arith.mulf %mul3A_355, %get3A_11 : vector<16xf32>
        %gt3A_357 = arith.constant 0.000000e+00 : f32
        %gt3A_358 = vector.broadcast %gt3A_357 : f32 to vector<16xf32>
        %gt3A_359 = arith.cmpf ogt, %mul3A_356, %gt3A_358 : vector<16xf32>
        %mul3A_360 = arith.constant 0.00999999977 : f32
        %mul3A_361 = vector.broadcast %mul3A_360 : f32 to vector<16xf32>
        %mul3A_362 = arith.mulf %mul3A_361, %mul3A_356 : vector<16xf32>
        %select_n3A_363 = arith.select %gt3A_359, %mul3A_356, %mul3A_362 : vector<16xi1>, vector<16xf32>
        %exp3A_364 = math.exp %select_n3A_363 : vector<16xf32>
        %mul3A_365 = arith.mulf %exp3A_364, %add3A_350 : vector<16xf32>
        %swap3A_366 = arith.index_cast %scan3A_223 : i32 to index
        %swap3A_367 = arith.constant 48 : index
        %swap3A_368 = tpu.vector_load %arg29[%swap3A_366, %swap3A_367] {strides = array<i32>} : memref<40x128xf32, #tpu.memory_space<vmem>>, vector<1x16xf32>,
        %swap3A_369 = vector.shape_cast %swap3A_368 : vector<1x16xf32> to vector<16xf32>
        %swap3A_370 = vector.shape_cast %mul3A_365 : vector<16xf32> to vector<1x16xf32>
        tpu.vector_store %arg29[%swap3A_366, %swap3A_367], %swap3A_370 {strides = array<i32>} : memref<40x128xf32, #tpu.memory_space<vmem>>, vector<1x16xf32>,
        %swap3A_371 = arith.index_cast %scan3A_223 : i32 to index
        %swap3A_372 = arith.constant 112 : index
        %swap3A_373 = tpu.vector_load %arg29[%swap3A_371, %swap3A_372] {strides = array<i32>} : memref<40x128xf32, #tpu.memory_space<vmem>>, vector<1x16xf32>,
        %swap3A_374 = vector.shape_cast %swap3A_373 : vector<1x16xf32> to vector<16xf32>
        %swap3A_375 = vector.shape_cast %exp3A_364 : vector<16xf32> to vector<1x16xf32>
        tpu.vector_store %arg29[%swap3A_371, %swap3A_372], %swap3A_375 {strides = array<i32>} : memref<40x128xf32, #tpu.memory_space<vmem>>, vector<1x16xf32>,
      }
      %scan3A_222 = arith.constant 40 : i32
      "tpu.region"() ({
        %run_scoped3A = tpu.sem_alloc : memref<!tpu.dma_semaphore, #tpu.memory_space<semaphore_mem>>
        %dma_start3A_223 = arith.constant 0 : i32
        %dma_start3A_224 = arith.constant 0 : i32
        %dma_start3A_225 = tpu.memref_slice %arg31[%dma_start3A_223, %dma_start3A_224] : memref<10240x128xf32, #tpu.memory_space<vmem_shared>> -> memref<10240x128xf32, #tpu.memory_space<vmem_shared>>
        tpu.enqueue_indirect_dma source(%arg29 : memref<40x128xf32, #tpu.memory_space<vmem>>) target(%dma_start3A_225 : memref<10240x128xf32, #tpu.memory_space<vmem_shared>>) offsets(%arg22 : memref<40xi32, #tpu.memory_space<vmem>>) semaphore(%run_scoped3A : memref<!tpu.dma_semaphore, #tpu.memory_space<semaphore_mem>>) {add = true}
        %dma_wait3A_226 = arith.constant 0 : i32
        %dma_wait3A_227 = arith.constant 0 : i32
        %dma_wait3A_228 = tpu.memref_slice %arg31[%dma_wait3A_226, %dma_wait3A_227] : memref<10240x128xf32, #tpu.memory_space<vmem_shared>> -> memref<10240x128xf32, #tpu.memory_space<vmem_shared>>
        tpu.wait_indirect_dma semaphore(%run_scoped3A : memref<!tpu.dma_semaphore, #tpu.memory_space<semaphore_mem>>) src(%arg29 : memref<40x128xf32, #tpu.memory_space<vmem>>) dst(%dma_wait3A_228 : memref<10240x128xf32, #tpu.memory_space<vmem_shared>>)
        tpu.yield
      }) : () -> ()
    }
    %scan3A_49 = arith.constant 125 : i32
    %barrier3A_50 = arith.constant 0 : index
    tpu.barrier barrier_id(%barrier3A_50)
    %mul3A_51 = arith.constant 2 : i32
    %mul3A_52 = arith.muli %arg0, %mul3A_51 : i32
    %add3A_53 = arith.constant 0 : i32
    %add3A_54 = arith.addi %mul3A_52, %add3A_53 : i32
    %mul3A_55 = arith.constant 10240 : i32
    %mul3A_56 = arith.muli %add3A_54, %mul3A_55 : i32
    %mul3A_57 = arith.constant 640 : i32
    %mul3A_58 = arith.muli %arg1, %mul3A_57 : i32
    %add3A_59 = arith.addi %mul3A_56, %mul3A_58 : i32
    %scan3A_60 = arith.constant 0 : i32
    %scan3A_61 = arith.constant 0 : i32
    %scan3A_62 = arith.constant 16 : i32
    %scan3A_63 = arith.addi %scan3A_61, %scan3A_62 : i32
    %scan3A_64 = arith.constant 1 : i32
    scf.for %scan3A_142 = %scan3A_61 to %scan3A_63 step %scan3A_64  : i32 {
      %mul3A_143 = arith.constant 640 : i32
      %mul3A_144 = arith.muli %arg1, %mul3A_143 : i32
      %mul3A_145 = arith.constant 40 : i32
      %mul3A_146 = arith.muli %scan3A_142, %mul3A_145 : i32
      %add3A_147 = arith.addi %mul3A_144, %mul3A_146 : i32
      "tpu.region"() ({
        %run_scoped3A = tpu.sem_alloc : memref<!tpu.dma_semaphore, #tpu.memory_space<semaphore_mem>>
        %dma_start3A_151 = arith.constant 0 : i32
        %dma_start3A_152 = tpu.memref_slice %arg31[%add3A_147, %dma_start3A_151] : memref<10240x128xf32, #tpu.memory_space<vmem_shared>> -> memref<40x128xf32, #tpu.memory_space<vmem_shared>>
        %dma_start3A_153 = arith.constant 0 : i32
        %dma_start3A_154 = tpu.memref_slice %arg31[%add3A_147, %dma_start3A_153] : memref<10240x128xf32, #tpu.memory_space<vmem_shared>> -> memref<40x128xf32, #tpu.memory_space<vmem_shared>>
        tpu.enqueue_dma source(%dma_start3A_154 : memref<40x128xf32, #tpu.memory_space<vmem_shared>>) target(%arg29 : memref<40x128xf32, #tpu.memory_space<vmem>>) target_semaphore(%run_scoped3A : memref<!tpu.dma_semaphore, #tpu.memory_space<semaphore_mem>>)
        %dma_wait3A_155 = arith.constant 0 : i32
        %dma_wait3A_156 = tpu.memref_slice %arg31[%add3A_147, %dma_wait3A_155] : memref<10240x128xf32, #tpu.memory_space<vmem_shared>> -> memref<40x128xf32, #tpu.memory_space<vmem_shared>>
        %dma_wait3A_157 = arith.constant 0 : i32
        %dma_wait3A_158 = tpu.memref_slice %arg31[%add3A_147, %dma_wait3A_157] : memref<10240x128xf32, #tpu.memory_space<vmem_shared>> -> memref<40x128xf32, #tpu.memory_space<vmem_shared>>
        tpu.wait_dma2 semaphore(%run_scoped3A : memref<!tpu.dma_semaphore, #tpu.memory_space<semaphore_mem>>) src(%dma_wait3A_158 : memref<40x128xf32, #tpu.memory_space<vmem_shared>>) dst(%arg29 : memref<40x128xf32, #tpu.memory_space<vmem>>)
        tpu.yield
      }) : () -> ()
      %mul3A_148 = arith.constant 40 : i32
      %mul3A_149 = arith.muli %scan3A_142, %mul3A_148 : i32
      %add3A_150 = arith.addi %add3A_59, %mul3A_149 : i32
      "tpu.region"() ({
        %run_scoped3A = tpu.sem_alloc : memref<!tpu.dma_semaphore, #tpu.memory_space<semaphore_mem>>
        %dma_start3A_151 = arith.constant 0 : i32
        %dma_start3A_152 = tpu.memref_slice %arg12[%add3A_150, %dma_start3A_151] : memref<40960x128xf32, #tpu.memory_space<hbm>> -> memref<40x128xf32, #tpu.memory_space<hbm>>
        %dma_start3A_153 = arith.constant 0 : i32
        %dma_start3A_154 = tpu.memref_slice %arg12[%add3A_150, %dma_start3A_153] : memref<40960x128xf32, #tpu.memory_space<hbm>> -> memref<40x128xf32, #tpu.memory_space<hbm>>
        tpu.enqueue_dma source(%arg29 : memref<40x128xf32, #tpu.memory_space<vmem>>) target(%dma_start3A_154 : memref<40x128xf32, #tpu.memory_space<hbm>>) target_semaphore(%run_scoped3A : memref<!tpu.dma_semaphore, #tpu.memory_space<semaphore_mem>>)
        %dma_wait3A_155 = arith.constant 0 : i32
        %dma_wait3A_156 = tpu.memref_slice %arg12[%add3A_150, %dma_wait3A_155] : memref<40960x128xf32, #tpu.memory_space<hbm>> -> memref<40x128xf32, #tpu.memory_space<hbm>>
        %dma_wait3A_157 = arith.constant 0 : i32
        %dma_wait3A_158 = tpu.memref_slice %arg12[%add3A_150, %dma_wait3A_157] : memref<40960x128xf32, #tpu.memory_space<hbm>> -> memref<40x128xf32, #tpu.memory_space<hbm>>
        tpu.wait_dma2 semaphore(%run_scoped3A : memref<!tpu.dma_semaphore, #tpu.memory_space<semaphore_mem>>) src(%arg29 : memref<40x128xf32, #tpu.memory_space<vmem>>) dst(%dma_wait3A_158 : memref<40x128xf32, #tpu.memory_space<hbm>>)
        tpu.yield
      }) : () -> ()
    }
    %scan3A_65 = arith.constant 16 : i32
    %barrier3A_66 = arith.constant 0 : index
    tpu.barrier barrier_id(%barrier3A_66)
    %mul3A_67 = arith.constant 640 : i32
    %mul3A_68 = arith.muli %arg1, %mul3A_67 : i32
    "tpu.region"() ({
      %run_scoped3A = tpu.sem_alloc : memref<!tpu.dma_semaphore, #tpu.memory_space<semaphore_mem>>
      %dma_start3A_142 = arith.constant 0 : i32
      %dma_start3A_143 = tpu.memref_slice %arg31[%mul3A_68, %dma_start3A_142] : memref<10240x128xf32, #tpu.memory_space<vmem_shared>> -> memref<640x128xf32, #tpu.memory_space<vmem_shared>>
      tpu.enqueue_dma source(%arg11 : memref<640x128xf32, #tpu.memory_space<hbm>>) target(%dma_start3A_143 : memref<640x128xf32, #tpu.memory_space<vmem_shared>>) target_semaphore(%run_scoped3A : memref<!tpu.dma_semaphore, #tpu.memory_space<semaphore_mem>>)
      %dma_wait3A_144 = arith.constant 0 : i32
      %dma_wait3A_145 = tpu.memref_slice %arg31[%mul3A_68, %dma_wait3A_144] : memref<10240x128xf32, #tpu.memory_space<vmem_shared>> -> memref<640x128xf32, #tpu.memory_space<vmem_shared>>
      tpu.wait_dma2 semaphore(%run_scoped3A : memref<!tpu.dma_semaphore, #tpu.memory_space<semaphore_mem>>) src(%arg11 : memref<640x128xf32, #tpu.memory_space<hbm>>) dst(%dma_wait3A_145 : memref<640x128xf32, #tpu.memory_space<vmem_shared>>)
      tpu.yield
    }) : () -> ()
    %barrier3A_69 = arith.constant 0 : index
    tpu.barrier barrier_id(%barrier3A_69)
    %get3A_70 = arith.constant 64 : index
    %get3A_71 = tpu.vector_load %arg30[%get3A_70] {strides = array<i32>} : memref<128xf32, #tpu.memory_space<vmem>>, vector<16xf32>,
    %get3A_72 = vector.shape_cast %get3A_71 : vector<16xf32> to vector<16xf32>
    %get3A_73 = arith.constant 80 : index
    %get3A_74 = tpu.vector_load %arg30[%get3A_73] {strides = array<i32>} : memref<128xf32, #tpu.memory_space<vmem>>, vector<16xf32>,
    %get3A_75 = vector.shape_cast %get3A_74 : vector<16xf32> to vector<16xf32>
    %get3A_76 = arith.constant 96 : index
    %get3A_77 = tpu.vector_load %arg30[%get3A_76] {strides = array<i32>} : memref<128xf32, #tpu.memory_space<vmem>>, vector<16xf32>,
    %get3A_78 = vector.shape_cast %get3A_77 : vector<16xf32> to vector<16xf32>
    %get3A_79 = arith.constant 112 : index
    %get3A_80 = tpu.vector_load %arg30[%get3A_79] {strides = array<i32>} : memref<128xf32, #tpu.memory_space<vmem>>, vector<16xf32>,
    %get3A_81 = vector.shape_cast %get3A_80 : vector<16xf32> to vector<16xf32>
    %mul3A_82 = arith.constant 10000 : i32
    %mul3A_83 = arith.muli %arg1, %mul3A_82 : i32
    %add3A_84 = arith.constant 0 : i32
    %add3A_85 = arith.addi %mul3A_83, %add3A_84 : i32
    %multiple_of3A_86 = tpu.assume_multiple %add3A_85, 40 : i32
    %mul3A_87 = arith.constant 160000 : i32
    %mul3A_88 = arith.muli %arg0, %mul3A_87 : i32
    %add3A_89 = arith.addi %mul3A_88, %multiple_of3A_86 : i32
    %multiple_of3A_90 = tpu.assume_multiple %add3A_89, 40 : i32
    %dma_start3A_91 = tpu.memref_slice %arg7[%multiple_of3A_86] : memref<160000xi32, #tpu.memory_space<hbm>> -> memref<40xi32, #tpu.memory_space<hbm>>
    %dma_start3A_92 = tpu.memref_slice %arg7[%multiple_of3A_86] : memref<160000xi32, #tpu.memory_space<hbm>> -> memref<40xi32, #tpu.memory_space<hbm>>
    tpu.enqueue_dma source(%dma_start3A_92 : memref<40xi32, #tpu.memory_space<hbm>>) target(%arg13 : memref<40xi32, #tpu.memory_space<vmem>>) target_semaphore(%arg32 : memref<!tpu.dma_semaphore, #tpu.memory_space<semaphore_mem>>)
    %dma_start3A_93 = tpu.memref_slice %arg8[%multiple_of3A_86] : memref<160000xi32, #tpu.memory_space<hbm>> -> memref<40xi32, #tpu.memory_space<hbm>>
    %dma_start3A_94 = tpu.memref_slice %arg8[%multiple_of3A_86] : memref<160000xi32, #tpu.memory_space<hbm>> -> memref<40xi32, #tpu.memory_space<hbm>>
    tpu.enqueue_dma source(%dma_start3A_94 : memref<40xi32, #tpu.memory_space<hbm>>) target(%arg14 : memref<40xi32, #tpu.memory_space<vmem>>) target_semaphore(%arg32 : memref<!tpu.dma_semaphore, #tpu.memory_space<semaphore_mem>>)
    %dma_start3A_95 = tpu.memref_slice %arg9[%multiple_of3A_86] : memref<160000xi32, #tpu.memory_space<hbm>> -> memref<40xi32, #tpu.memory_space<hbm>>
    %dma_start3A_96 = tpu.memref_slice %arg9[%multiple_of3A_86] : memref<160000xi32, #tpu.memory_space<hbm>> -> memref<40xi32, #tpu.memory_space<hbm>>
    tpu.enqueue_dma source(%dma_start3A_96 : memref<40xi32, #tpu.memory_space<hbm>>) target(%arg15 : memref<40xi32, #tpu.memory_space<vmem>>) target_semaphore(%arg32 : memref<!tpu.dma_semaphore, #tpu.memory_space<semaphore_mem>>)
    %dma_start3A_97 = tpu.memref_slice %arg10[%multiple_of3A_90] : memref<320000xi32, #tpu.memory_space<hbm>> -> memref<40xi32, #tpu.memory_space<hbm>>
    %dma_start3A_98 = tpu.memref_slice %arg10[%multiple_of3A_90] : memref<320000xi32, #tpu.memory_space<hbm>> -> memref<40xi32, #tpu.memory_space<hbm>>
    tpu.enqueue_dma source(%dma_start3A_98 : memref<40xi32, #tpu.memory_space<hbm>>) target(%arg16 : memref<40xi32, #tpu.memory_space<vmem>>) target_semaphore(%arg32 : memref<!tpu.dma_semaphore, #tpu.memory_space<semaphore_mem>>)
    %dma_wait3A_99 = tpu.memref_slice %arg7[%multiple_of3A_86] : memref<160000xi32, #tpu.memory_space<hbm>> -> memref<40xi32, #tpu.memory_space<hbm>>
    %dma_wait3A_100 = tpu.memref_slice %arg7[%multiple_of3A_86] : memref<160000xi32, #tpu.memory_space<hbm>> -> memref<40xi32, #tpu.memory_space<hbm>>
    tpu.wait_dma2 semaphore(%arg32 : memref<!tpu.dma_semaphore, #tpu.memory_space<semaphore_mem>>) src(%dma_wait3A_100 : memref<40xi32, #tpu.memory_space<hbm>>) dst(%arg13 : memref<40xi32, #tpu.memory_space<vmem>>)
    %dma_wait3A_101 = tpu.memref_slice %arg8[%multiple_of3A_86] : memref<160000xi32, #tpu.memory_space<hbm>> -> memref<40xi32, #tpu.memory_space<hbm>>
    %dma_wait3A_102 = tpu.memref_slice %arg8[%multiple_of3A_86] : memref<160000xi32, #tpu.memory_space<hbm>> -> memref<40xi32, #tpu.memory_space<hbm>>
    tpu.wait_dma2 semaphore(%arg32 : memref<!tpu.dma_semaphore, #tpu.memory_space<semaphore_mem>>) src(%dma_wait3A_102 : memref<40xi32, #tpu.memory_space<hbm>>) dst(%arg14 : memref<40xi32, #tpu.memory_space<vmem>>)
    %dma_wait3A_103 = tpu.memref_slice %arg9[%multiple_of3A_86] : memref<160000xi32, #tpu.memory_space<hbm>> -> memref<40xi32, #tpu.memory_space<hbm>>
    %dma_wait3A_104 = tpu.memref_slice %arg9[%multiple_of3A_86] : memref<160000xi32, #tpu.memory_space<hbm>> -> memref<40xi32, #tpu.memory_space<hbm>>
    tpu.wait_dma2 semaphore(%arg32 : memref<!tpu.dma_semaphore, #tpu.memory_space<semaphore_mem>>) src(%dma_wait3A_104 : memref<40xi32, #tpu.memory_space<hbm>>) dst(%arg15 : memref<40xi32, #tpu.memory_space<vmem>>)
    %dma_wait3A_105 = tpu.memref_slice %arg10[%multiple_of3A_90] : memref<320000xi32, #tpu.memory_space<hbm>> -> memref<40xi32, #tpu.memory_space<hbm>>
    %dma_wait3A_106 = tpu.memref_slice %arg10[%multiple_of3A_90] : memref<320000xi32, #tpu.memory_space<hbm>> -> memref<40xi32, #tpu.memory_space<hbm>>
    tpu.wait_dma2 semaphore(%arg32 : memref<!tpu.dma_semaphore, #tpu.memory_space<semaphore_mem>>) src(%dma_wait3A_106 : memref<40xi32, #tpu.memory_space<hbm>>) dst(%arg16 : memref<40xi32, #tpu.memory_space<vmem>>)
    %dma_start3A_107 = arith.constant 0 : i32
    %dma_start3A_108 = arith.constant 0 : i32
    %dma_start3A_109 = tpu.memref_slice %arg2[%dma_start3A_107, %dma_start3A_108] : memref<10000x128xf32, #tpu.memory_space<hbm>> -> memref<10000x128xf32, #tpu.memory_space<hbm>>
    tpu.enqueue_indirect_dma source(%dma_start3A_109 : memref<10000x128xf32, #tpu.memory_space<hbm>>) target(%arg17 : memref<40x128xf32, #tpu.memory_space<vmem>>) offsets(%arg13 : memref<40xi32, #tpu.memory_space<vmem>>) semaphore(%arg32 : memref<!tpu.dma_semaphore, #tpu.memory_space<semaphore_mem>>)
    %dma_start3A_110 = arith.constant 0 : i32
    %dma_start3A_111 = arith.constant 0 : i32
    %dma_start3A_112 = tpu.memref_slice %arg3[%dma_start3A_110, %dma_start3A_111] : memref<500x128xf32, #tpu.memory_space<hbm>> -> memref<500x128xf32, #tpu.memory_space<hbm>>
    tpu.enqueue_indirect_dma source(%dma_start3A_112 : memref<500x128xf32, #tpu.memory_space<hbm>>) target(%arg18 : memref<40x128xf32, #tpu.memory_space<vmem>>) offsets(%arg15 : memref<40xi32, #tpu.memory_space<vmem>>) semaphore(%arg32 : memref<!tpu.dma_semaphore, #tpu.memory_space<semaphore_mem>>)
    %dma_start3A_113 = arith.constant 0 : i32
    %dma_start3A_114 = arith.constant 0 : i32
    %dma_start3A_115 = tpu.memref_slice %arg4[%dma_start3A_113, %dma_start3A_114] : memref<7999x128xf32, #tpu.memory_space<hbm>> -> memref<7999x128xf32, #tpu.memory_space<hbm>>
    tpu.enqueue_indirect_dma source(%dma_start3A_115 : memref<7999x128xf32, #tpu.memory_space<hbm>>) target(%arg19 : memref<40x128xf32, #tpu.memory_space<vmem>>) offsets(%arg16 : memref<40xi32, #tpu.memory_space<vmem>>) semaphore(%arg32 : memref<!tpu.dma_semaphore, #tpu.memory_space<semaphore_mem>>)
    %dma_start3A_116 = arith.constant 0 : i32
    %dma_start3A_117 = arith.constant 0 : i32
    %dma_start3A_118 = tpu.memref_slice %arg5[%dma_start3A_116, %dma_start3A_117] : memref<10000x128xf32, #tpu.memory_space<hbm>> -> memref<10000x128xf32, #tpu.memory_space<hbm>>
    tpu.enqueue_indirect_dma source(%dma_start3A_118 : memref<10000x128xf32, #tpu.memory_space<hbm>>) target(%arg20 : memref<40x128xf32, #tpu.memory_space<vmem>>) offsets(%arg14 : memref<40xi32, #tpu.memory_space<vmem>>) semaphore(%arg32 : memref<!tpu.dma_semaphore, #tpu.memory_space<semaphore_mem>>)
    %scan3A_119 = arith.constant 0 : i32
    %scan3A_120 = arith.constant 0 : i32
    %scan3A_121 = arith.constant 125 : i32
    %scan3A_122 = arith.addi %scan3A_120, %scan3A_121 : i32
    %scan3A_123 = arith.constant 1 : i32
    scf.for %scan3A_142 = %scan3A_120 to %scan3A_122 step %scan3A_123  : i32 {
      %mul3A_143 = arith.constant 2 : i32
      %mul3A_144 = arith.muli %mul3A_143, %scan3A_142 : i32
      %add3A_145 = arith.constant 1 : i32
      %add3A_146 = arith.addi %mul3A_144, %add3A_145 : i32
      %mul3A_147 = arith.constant 10000 : i32
      %mul3A_148 = arith.muli %arg1, %mul3A_147 : i32
      %mul3A_149 = arith.constant 40 : i32
      %mul3A_150 = arith.muli %add3A_146, %mul3A_149 : i32
      %add3A_151 = arith.addi %mul3A_148, %mul3A_150 : i32
      %multiple_of3A_152 = tpu.assume_multiple %add3A_151, 40 : i32
      %mul3A_153 = arith.constant 160000 : i32
      %mul3A_154 = arith.muli %arg0, %mul3A_153 : i32
      %add3A_155 = arith.addi %mul3A_154, %multiple_of3A_152 : i32
      %multiple_of3A_156 = tpu.assume_multiple %add3A_155, 40 : i32
      %dma_start3A_157 = tpu.memref_slice %arg7[%multiple_of3A_152] : memref<160000xi32, #tpu.memory_space<hbm>> -> memref<40xi32, #tpu.memory_space<hbm>>
      %dma_start3A_158 = tpu.memref_slice %arg7[%multiple_of3A_152] : memref<160000xi32, #tpu.memory_space<hbm>> -> memref<40xi32, #tpu.memory_space<hbm>>
      tpu.enqueue_dma source(%dma_start3A_158 : memref<40xi32, #tpu.memory_space<hbm>>) target(%arg21 : memref<40xi32, #tpu.memory_space<vmem>>) target_semaphore(%arg33 : memref<!tpu.dma_semaphore, #tpu.memory_space<semaphore_mem>>)
      %dma_start3A_159 = tpu.memref_slice %arg8[%multiple_of3A_152] : memref<160000xi32, #tpu.memory_space<hbm>> -> memref<40xi32, #tpu.memory_space<hbm>>
      %dma_start3A_160 = tpu.memref_slice %arg8[%multiple_of3A_152] : memref<160000xi32, #tpu.memory_space<hbm>> -> memref<40xi32, #tpu.memory_space<hbm>>
      tpu.enqueue_dma source(%dma_start3A_160 : memref<40xi32, #tpu.memory_space<hbm>>) target(%arg22 : memref<40xi32, #tpu.memory_space<vmem>>) target_semaphore(%arg33 : memref<!tpu.dma_semaphore, #tpu.memory_space<semaphore_mem>>)
      %dma_start3A_161 = tpu.memref_slice %arg9[%multiple_of3A_152] : memref<160000xi32, #tpu.memory_space<hbm>> -> memref<40xi32, #tpu.memory_space<hbm>>
      %dma_start3A_162 = tpu.memref_slice %arg9[%multiple_of3A_152] : memref<160000xi32, #tpu.memory_space<hbm>> -> memref<40xi32, #tpu.memory_space<hbm>>
      tpu.enqueue_dma source(%dma_start3A_162 : memref<40xi32, #tpu.memory_space<hbm>>) target(%arg23 : memref<40xi32, #tpu.memory_space<vmem>>) target_semaphore(%arg33 : memref<!tpu.dma_semaphore, #tpu.memory_space<semaphore_mem>>)
      %dma_start3A_163 = tpu.memref_slice %arg10[%multiple_of3A_156] : memref<320000xi32, #tpu.memory_space<hbm>> -> memref<40xi32, #tpu.memory_space<hbm>>
      %dma_start3A_164 = tpu.memref_slice %arg10[%multiple_of3A_156] : memref<320000xi32, #tpu.memory_space<hbm>> -> memref<40xi32, #tpu.memory_space<hbm>>
      tpu.enqueue_dma source(%dma_start3A_164 : memref<40xi32, #tpu.memory_space<hbm>>) target(%arg24 : memref<40xi32, #tpu.memory_space<vmem>>) target_semaphore(%arg33 : memref<!tpu.dma_semaphore, #tpu.memory_space<semaphore_mem>>)
      %dma_wait3A_165 = tpu.memref_slice %arg7[%multiple_of3A_152] : memref<160000xi32, #tpu.memory_space<hbm>> -> memref<40xi32, #tpu.memory_space<hbm>>
      %dma_wait3A_166 = tpu.memref_slice %arg7[%multiple_of3A_152] : memref<160000xi32, #tpu.memory_space<hbm>> -> memref<40xi32, #tpu.memory_space<hbm>>
      tpu.wait_dma2 semaphore(%arg33 : memref<!tpu.dma_semaphore, #tpu.memory_space<semaphore_mem>>) src(%dma_wait3A_166 : memref<40xi32, #tpu.memory_space<hbm>>) dst(%arg21 : memref<40xi32, #tpu.memory_space<vmem>>)
      %dma_wait3A_167 = tpu.memref_slice %arg8[%multiple_of3A_152] : memref<160000xi32, #tpu.memory_space<hbm>> -> memref<40xi32, #tpu.memory_space<hbm>>
      %dma_wait3A_168 = tpu.memref_slice %arg8[%multiple_of3A_152] : memref<160000xi32, #tpu.memory_space<hbm>> -> memref<40xi32, #tpu.memory_space<hbm>>
      tpu.wait_dma2 semaphore(%arg33 : memref<!tpu.dma_semaphore, #tpu.memory_space<semaphore_mem>>) src(%dma_wait3A_168 : memref<40xi32, #tpu.memory_space<hbm>>) dst(%arg22 : memref<40xi32, #tpu.memory_space<vmem>>)
      %dma_wait3A_169 = tpu.memref_slice %arg9[%multiple_of3A_152] : memref<160000xi32, #tpu.memory_space<hbm>> -> memref<40xi32, #tpu.memory_space<hbm>>
      %dma_wait3A_170 = tpu.memref_slice %arg9[%multiple_of3A_152] : memref<160000xi32, #tpu.memory_space<hbm>> -> memref<40xi32, #tpu.memory_space<hbm>>
      tpu.wait_dma2 semaphore(%arg33 : memref<!tpu.dma_semaphore, #tpu.memory_space<semaphore_mem>>) src(%dma_wait3A_170 : memref<40xi32, #tpu.memory_space<hbm>>) dst(%arg23 : memref<40xi32, #tpu.memory_space<vmem>>)
      %dma_wait3A_171 = tpu.memref_slice %arg10[%multiple_of3A_156] : memref<320000xi32, #tpu.memory_space<hbm>> -> memref<40xi32, #tpu.memory_space<hbm>>
      %dma_wait3A_172 = tpu.memref_slice %arg10[%multiple_of3A_156] : memref<320000xi32, #tpu.memory_space<hbm>> -> memref<40xi32, #tpu.memory_space<hbm>>
      tpu.wait_dma2 semaphore(%arg33 : memref<!tpu.dma_semaphore, #tpu.memory_space<semaphore_mem>>) src(%dma_wait3A_172 : memref<40xi32, #tpu.memory_space<hbm>>) dst(%arg24 : memref<40xi32, #tpu.memory_space<vmem>>)
      %dma_start3A_173 = arith.constant 0 : i32
      %dma_start3A_174 = arith.constant 0 : i32
      %dma_start3A_175 = tpu.memref_slice %arg2[%dma_start3A_173, %dma_start3A_174] : memref<10000x128xf32, #tpu.memory_space<hbm>> -> memref<10000x128xf32, #tpu.memory_space<hbm>>
      tpu.enqueue_indirect_dma source(%dma_start3A_175 : memref<10000x128xf32, #tpu.memory_space<hbm>>) target(%arg25 : memref<40x128xf32, #tpu.memory_space<vmem>>) offsets(%arg21 : memref<40xi32, #tpu.memory_space<vmem>>) semaphore(%arg33 : memref<!tpu.dma_semaphore, #tpu.memory_space<semaphore_mem>>)
      %dma_start3A_176 = arith.constant 0 : i32
      %dma_start3A_177 = arith.constant 0 : i32
      %dma_start3A_178 = tpu.memref_slice %arg3[%dma_start3A_176, %dma_start3A_177] : memref<500x128xf32, #tpu.memory_space<hbm>> -> memref<500x128xf32, #tpu.memory_space<hbm>>
      tpu.enqueue_indirect_dma source(%dma_start3A_178 : memref<500x128xf32, #tpu.memory_space<hbm>>) target(%arg26 : memref<40x128xf32, #tpu.memory_space<vmem>>) offsets(%arg23 : memref<40xi32, #tpu.memory_space<vmem>>) semaphore(%arg33 : memref<!tpu.dma_semaphore, #tpu.memory_space<semaphore_mem>>)
      %dma_start3A_179 = arith.constant 0 : i32
      %dma_start3A_180 = arith.constant 0 : i32
      %dma_start3A_181 = tpu.memref_slice %arg4[%dma_start3A_179, %dma_start3A_180] : memref<7999x128xf32, #tpu.memory_space<hbm>> -> memref<7999x128xf32, #tpu.memory_space<hbm>>
      tpu.enqueue_indirect_dma source(%dma_start3A_181 : memref<7999x128xf32, #tpu.memory_space<hbm>>) target(%arg27 : memref<40x128xf32, #tpu.memory_space<vmem>>) offsets(%arg24 : memref<40xi32, #tpu.memory_space<vmem>>) semaphore(%arg33 : memref<!tpu.dma_semaphore, #tpu.memory_space<semaphore_mem>>)
      %dma_start3A_182 = arith.constant 0 : i32
      %dma_start3A_183 = arith.constant 0 : i32
      %dma_start3A_184 = tpu.memref_slice %arg5[%dma_start3A_182, %dma_start3A_183] : memref<10000x128xf32, #tpu.memory_space<hbm>> -> memref<10000x128xf32, #tpu.memory_space<hbm>>
      tpu.enqueue_indirect_dma source(%dma_start3A_184 : memref<10000x128xf32, #tpu.memory_space<hbm>>) target(%arg28 : memref<40x128xf32, #tpu.memory_space<vmem>>) offsets(%arg22 : memref<40xi32, #tpu.memory_space<vmem>>) semaphore(%arg33 : memref<!tpu.dma_semaphore, #tpu.memory_space<semaphore_mem>>)
      %dma_wait3A_185 = arith.constant 0 : i32
      %dma_wait3A_186 = arith.constant 0 : i32
      %dma_wait3A_187 = tpu.memref_slice %arg2[%dma_wait3A_185, %dma_wait3A_186] : memref<10000x128xf32, #tpu.memory_space<hbm>> -> memref<10000x128xf32, #tpu.memory_space<hbm>>
      tpu.wait_indirect_dma semaphore(%arg32 : memref<!tpu.dma_semaphore, #tpu.memory_space<semaphore_mem>>) src(%dma_wait3A_187 : memref<10000x128xf32, #tpu.memory_space<hbm>>) dst(%arg17 : memref<40x128xf32, #tpu.memory_space<vmem>>)
      %dma_wait3A_188 = arith.constant 0 : i32
      %dma_wait3A_189 = arith.constant 0 : i32
      %dma_wait3A_190 = tpu.memref_slice %arg3[%dma_wait3A_188, %dma_wait3A_189] : memref<500x128xf32, #tpu.memory_space<hbm>> -> memref<500x128xf32, #tpu.memory_space<hbm>>
      tpu.wait_indirect_dma semaphore(%arg32 : memref<!tpu.dma_semaphore, #tpu.memory_space<semaphore_mem>>) src(%dma_wait3A_190 : memref<500x128xf32, #tpu.memory_space<hbm>>) dst(%arg18 : memref<40x128xf32, #tpu.memory_space<vmem>>)
      %dma_wait3A_191 = arith.constant 0 : i32
      %dma_wait3A_192 = arith.constant 0 : i32
      %dma_wait3A_193 = tpu.memref_slice %arg4[%dma_wait3A_191, %dma_wait3A_192] : memref<7999x128xf32, #tpu.memory_space<hbm>> -> memref<7999x128xf32, #tpu.memory_space<hbm>>
      tpu.wait_indirect_dma semaphore(%arg32 : memref<!tpu.dma_semaphore, #tpu.memory_space<semaphore_mem>>) src(%dma_wait3A_193 : memref<7999x128xf32, #tpu.memory_space<hbm>>) dst(%arg19 : memref<40x128xf32, #tpu.memory_space<vmem>>)
      %dma_wait3A_194 = arith.constant 0 : i32
      %dma_wait3A_195 = arith.constant 0 : i32
      %dma_wait3A_196 = tpu.memref_slice %arg5[%dma_wait3A_194, %dma_wait3A_195] : memref<10000x128xf32, #tpu.memory_space<hbm>> -> memref<10000x128xf32, #tpu.memory_space<hbm>>
      tpu.wait_indirect_dma semaphore(%arg32 : memref<!tpu.dma_semaphore, #tpu.memory_space<semaphore_mem>>) src(%dma_wait3A_196 : memref<10000x128xf32, #tpu.memory_space<hbm>>) dst(%arg20 : memref<40x128xf32, #tpu.memory_space<vmem>>)
      %scan3A_197 = arith.constant 0 : i32
      %scan3A_198 = arith.constant 0 : i32
      %scan3A_199 = arith.constant 40 : i32
      %scan3A_200 = arith.addi %scan3A_198, %scan3A_199 : i32
      %scan3A_201 = arith.constant 1 : i32
      scf.for %scan3A_223 = %scan3A_198 to %scan3A_200 step %scan3A_201  : i32 {
        %get3A_224 = arith.index_cast %scan3A_223 : i32 to index
        %get3A_225 = arith.constant 64 : index
        %get3A_226 = tpu.vector_load %arg17[%get3A_224, %get3A_225] {strides = array<i32>} : memref<40x128xf32, #tpu.memory_space<vmem>>, vector<1x16xf32>,
        %get3A_227 = vector.shape_cast %get3A_226 : vector<1x16xf32> to vector<16xf32>
        %get3A_228 = arith.index_cast %scan3A_223 : i32 to index
        %get3A_229 = arith.constant 64 : index
        %get3A_230 = tpu.vector_load %arg18[%get3A_228, %get3A_229] {strides = array<i32>} : memref<40x128xf32, #tpu.memory_space<vmem>>, vector<1x16xf32>,
        %get3A_231 = vector.shape_cast %get3A_230 : vector<1x16xf32> to vector<16xf32>
        %add3A_232 = arith.addf %get3A_227, %get3A_231 : vector<16xf32>
        %get3A_233 = arith.index_cast %scan3A_223 : i32 to index
        %get3A_234 = arith.constant 64 : index
        %get3A_235 = tpu.vector_load %arg19[%get3A_233, %get3A_234] {strides = array<i32>} : memref<40x128xf32, #tpu.memory_space<vmem>>, vector<1x16xf32>,
        %get3A_236 = vector.shape_cast %get3A_235 : vector<1x16xf32> to vector<16xf32>
        %add3A_237 = arith.addf %add3A_232, %get3A_236 : vector<16xf32>
        %get3A_238 = arith.index_cast %scan3A_223 : i32 to index
        %get3A_239 = arith.constant 64 : index
        %get3A_240 = tpu.vector_load %arg20[%get3A_238, %get3A_239] {strides = array<i32>} : memref<40x128xf32, #tpu.memory_space<vmem>>, vector<1x16xf32>,
        %get3A_241 = vector.shape_cast %get3A_240 : vector<1x16xf32> to vector<16xf32>
        %mul3A_242 = arith.mulf %get3A_241, %add3A_237 : vector<16xf32>
        %mul3A_243 = arith.mulf %mul3A_242, %get3A_72 : vector<16xf32>
        %gt3A = arith.constant 0.000000e+00 : f32
        %gt3A_244 = vector.broadcast %gt3A : f32 to vector<16xf32>
        %gt3A_245 = arith.cmpf ogt, %mul3A_243, %gt3A_244 : vector<16xf32>
        %mul3A_246 = arith.constant 0.00999999977 : f32
        %mul3A_247 = vector.broadcast %mul3A_246 : f32 to vector<16xf32>
        %mul3A_248 = arith.mulf %mul3A_247, %mul3A_243 : vector<16xf32>
        %select_n3A = arith.select %gt3A_245, %mul3A_243, %mul3A_248 : vector<16xi1>, vector<16xf32>
        %exp3A = math.exp %select_n3A : vector<16xf32>
        %mul3A_249 = arith.mulf %exp3A, %add3A_237 : vector<16xf32>
        %swap3A = arith.index_cast %scan3A_223 : i32 to index
        %swap3A_250 = arith.constant 0 : index
        %swap3A_251 = tpu.vector_load %arg29[%swap3A, %swap3A_250] {strides = array<i32>} : memref<40x128xf32, #tpu.memory_space<vmem>>, vector<1x16xf32>,
        %swap3A_252 = vector.shape_cast %swap3A_251 : vector<1x16xf32> to vector<16xf32>
        %swap3A_253 = vector.shape_cast %mul3A_249 : vector<16xf32> to vector<1x16xf32>
        tpu.vector_store %arg29[%swap3A, %swap3A_250], %swap3A_253 {strides = array<i32>} : memref<40x128xf32, #tpu.memory_space<vmem>>, vector<1x16xf32>,
        %swap3A_254 = arith.index_cast %scan3A_223 : i32 to index
        %swap3A_255 = arith.constant 64 : index
        %swap3A_256 = tpu.vector_load %arg29[%swap3A_254, %swap3A_255] {strides = array<i32>} : memref<40x128xf32, #tpu.memory_space<vmem>>, vector<1x16xf32>,
        %swap3A_257 = vector.shape_cast %swap3A_256 : vector<1x16xf32> to vector<16xf32>
        %swap3A_258 = vector.shape_cast %exp3A : vector<16xf32> to vector<1x16xf32>
        tpu.vector_store %arg29[%swap3A_254, %swap3A_255], %swap3A_258 {strides = array<i32>} : memref<40x128xf32, #tpu.memory_space<vmem>>, vector<1x16xf32>,
        %get3A_259 = arith.index_cast %scan3A_223 : i32 to index
        %get3A_260 = arith.constant 80 : index
        %get3A_261 = tpu.vector_load %arg17[%get3A_259, %get3A_260] {strides = array<i32>} : memref<40x128xf32, #tpu.memory_space<vmem>>, vector<1x16xf32>,
        %get3A_262 = vector.shape_cast %get3A_261 : vector<1x16xf32> to vector<16xf32>
        %get3A_263 = arith.index_cast %scan3A_223 : i32 to index
        %get3A_264 = arith.constant 80 : index
        %get3A_265 = tpu.vector_load %arg18[%get3A_263, %get3A_264] {strides = array<i32>} : memref<40x128xf32, #tpu.memory_space<vmem>>, vector<1x16xf32>,
        %get3A_266 = vector.shape_cast %get3A_265 : vector<1x16xf32> to vector<16xf32>
        %add3A_267 = arith.addf %get3A_262, %get3A_266 : vector<16xf32>
        %get3A_268 = arith.index_cast %scan3A_223 : i32 to index
        %get3A_269 = arith.constant 80 : index
        %get3A_270 = tpu.vector_load %arg19[%get3A_268, %get3A_269] {strides = array<i32>} : memref<40x128xf32, #tpu.memory_space<vmem>>, vector<1x16xf32>,
        %get3A_271 = vector.shape_cast %get3A_270 : vector<1x16xf32> to vector<16xf32>
        %add3A_272 = arith.addf %add3A_267, %get3A_271 : vector<16xf32>
        %get3A_273 = arith.index_cast %scan3A_223 : i32 to index
        %get3A_274 = arith.constant 80 : index
        %get3A_275 = tpu.vector_load %arg20[%get3A_273, %get3A_274] {strides = array<i32>} : memref<40x128xf32, #tpu.memory_space<vmem>>, vector<1x16xf32>,
        %get3A_276 = vector.shape_cast %get3A_275 : vector<1x16xf32> to vector<16xf32>
        %mul3A_277 = arith.mulf %get3A_276, %add3A_272 : vector<16xf32>
        %mul3A_278 = arith.mulf %mul3A_277, %get3A_75 : vector<16xf32>
        %gt3A_279 = arith.constant 0.000000e+00 : f32
        %gt3A_280 = vector.broadcast %gt3A_279 : f32 to vector<16xf32>
        %gt3A_281 = arith.cmpf ogt, %mul3A_278, %gt3A_280 : vector<16xf32>
        %mul3A_282 = arith.constant 0.00999999977 : f32
        %mul3A_283 = vector.broadcast %mul3A_282 : f32 to vector<16xf32>
        %mul3A_284 = arith.mulf %mul3A_283, %mul3A_278 : vector<16xf32>
        %select_n3A_285 = arith.select %gt3A_281, %mul3A_278, %mul3A_284 : vector<16xi1>, vector<16xf32>
        %exp3A_286 = math.exp %select_n3A_285 : vector<16xf32>
        %mul3A_287 = arith.mulf %exp3A_286, %add3A_272 : vector<16xf32>
        %swap3A_288 = arith.index_cast %scan3A_223 : i32 to index
        %swap3A_289 = arith.constant 16 : index
        %swap3A_290 = tpu.vector_load %arg29[%swap3A_288, %swap3A_289] {strides = array<i32>} : memref<40x128xf32, #tpu.memory_space<vmem>>, vector<1x16xf32>,
        %swap3A_291 = vector.shape_cast %swap3A_290 : vector<1x16xf32> to vector<16xf32>
        %swap3A_292 = vector.shape_cast %mul3A_287 : vector<16xf32> to vector<1x16xf32>
        tpu.vector_store %arg29[%swap3A_288, %swap3A_289], %swap3A_292 {strides = array<i32>} : memref<40x128xf32, #tpu.memory_space<vmem>>, vector<1x16xf32>,
        %swap3A_293 = arith.index_cast %scan3A_223 : i32 to index
        %swap3A_294 = arith.constant 80 : index
        %swap3A_295 = tpu.vector_load %arg29[%swap3A_293, %swap3A_294] {strides = array<i32>} : memref<40x128xf32, #tpu.memory_space<vmem>>, vector<1x16xf32>,
        %swap3A_296 = vector.shape_cast %swap3A_295 : vector<1x16xf32> to vector<16xf32>
        %swap3A_297 = vector.shape_cast %exp3A_286 : vector<16xf32> to vector<1x16xf32>
        tpu.vector_store %arg29[%swap3A_293, %swap3A_294], %swap3A_297 {strides = array<i32>} : memref<40x128xf32, #tpu.memory_space<vmem>>, vector<1x16xf32>,
        %get3A_298 = arith.index_cast %scan3A_223 : i32 to index
        %get3A_299 = arith.constant 96 : index
        %get3A_300 = tpu.vector_load %arg17[%get3A_298, %get3A_299] {strides = array<i32>} : memref<40x128xf32, #tpu.memory_space<vmem>>, vector<1x16xf32>,
        %get3A_301 = vector.shape_cast %get3A_300 : vector<1x16xf32> to vector<16xf32>
        %get3A_302 = arith.index_cast %scan3A_223 : i32 to index
        %get3A_303 = arith.constant 96 : index
        %get3A_304 = tpu.vector_load %arg18[%get3A_302, %get3A_303] {strides = array<i32>} : memref<40x128xf32, #tpu.memory_space<vmem>>, vector<1x16xf32>,
        %get3A_305 = vector.shape_cast %get3A_304 : vector<1x16xf32> to vector<16xf32>
        %add3A_306 = arith.addf %get3A_301, %get3A_305 : vector<16xf32>
        %get3A_307 = arith.index_cast %scan3A_223 : i32 to index
        %get3A_308 = arith.constant 96 : index
        %get3A_309 = tpu.vector_load %arg19[%get3A_307, %get3A_308] {strides = array<i32>} : memref<40x128xf32, #tpu.memory_space<vmem>>, vector<1x16xf32>,
        %get3A_310 = vector.shape_cast %get3A_309 : vector<1x16xf32> to vector<16xf32>
        %add3A_311 = arith.addf %add3A_306, %get3A_310 : vector<16xf32>
        %get3A_312 = arith.index_cast %scan3A_223 : i32 to index
        %get3A_313 = arith.constant 96 : index
        %get3A_314 = tpu.vector_load %arg20[%get3A_312, %get3A_313] {strides = array<i32>} : memref<40x128xf32, #tpu.memory_space<vmem>>, vector<1x16xf32>,
        %get3A_315 = vector.shape_cast %get3A_314 : vector<1x16xf32> to vector<16xf32>
        %mul3A_316 = arith.mulf %get3A_315, %add3A_311 : vector<16xf32>
        %mul3A_317 = arith.mulf %mul3A_316, %get3A_78 : vector<16xf32>
        %gt3A_318 = arith.constant 0.000000e+00 : f32
        %gt3A_319 = vector.broadcast %gt3A_318 : f32 to vector<16xf32>
        %gt3A_320 = arith.cmpf ogt, %mul3A_317, %gt3A_319 : vector<16xf32>
        %mul3A_321 = arith.constant 0.00999999977 : f32
        %mul3A_322 = vector.broadcast %mul3A_321 : f32 to vector<16xf32>
        %mul3A_323 = arith.mulf %mul3A_322, %mul3A_317 : vector<16xf32>
        %select_n3A_324 = arith.select %gt3A_320, %mul3A_317, %mul3A_323 : vector<16xi1>, vector<16xf32>
        %exp3A_325 = math.exp %select_n3A_324 : vector<16xf32>
        %mul3A_326 = arith.mulf %exp3A_325, %add3A_311 : vector<16xf32>
        %swap3A_327 = arith.index_cast %scan3A_223 : i32 to index
        %swap3A_328 = arith.constant 32 : index
        %swap3A_329 = tpu.vector_load %arg29[%swap3A_327, %swap3A_328] {strides = array<i32>} : memref<40x128xf32, #tpu.memory_space<vmem>>, vector<1x16xf32>,
        %swap3A_330 = vector.shape_cast %swap3A_329 : vector<1x16xf32> to vector<16xf32>
        %swap3A_331 = vector.shape_cast %mul3A_326 : vector<16xf32> to vector<1x16xf32>
        tpu.vector_store %arg29[%swap3A_327, %swap3A_328], %swap3A_331 {strides = array<i32>} : memref<40x128xf32, #tpu.memory_space<vmem>>, vector<1x16xf32>,
        %swap3A_332 = arith.index_cast %scan3A_223 : i32 to index
        %swap3A_333 = arith.constant 96 : index
        %swap3A_334 = tpu.vector_load %arg29[%swap3A_332, %swap3A_333] {strides = array<i32>} : memref<40x128xf32, #tpu.memory_space<vmem>>, vector<1x16xf32>,
        %swap3A_335 = vector.shape_cast %swap3A_334 : vector<1x16xf32> to vector<16xf32>
        %swap3A_336 = vector.shape_cast %exp3A_325 : vector<16xf32> to vector<1x16xf32>
        tpu.vector_store %arg29[%swap3A_332, %swap3A_333], %swap3A_336 {strides = array<i32>} : memref<40x128xf32, #tpu.memory_space<vmem>>, vector<1x16xf32>,
        %get3A_337 = arith.index_cast %scan3A_223 : i32 to index
        %get3A_338 = arith.constant 112 : index
        %get3A_339 = tpu.vector_load %arg17[%get3A_337, %get3A_338] {strides = array<i32>} : memref<40x128xf32, #tpu.memory_space<vmem>>, vector<1x16xf32>,
        %get3A_340 = vector.shape_cast %get3A_339 : vector<1x16xf32> to vector<16xf32>
        %get3A_341 = arith.index_cast %scan3A_223 : i32 to index
        %get3A_342 = arith.constant 112 : index
        %get3A_343 = tpu.vector_load %arg18[%get3A_341, %get3A_342] {strides = array<i32>} : memref<40x128xf32, #tpu.memory_space<vmem>>, vector<1x16xf32>,
        %get3A_344 = vector.shape_cast %get3A_343 : vector<1x16xf32> to vector<16xf32>
        %add3A_345 = arith.addf %get3A_340, %get3A_344 : vector<16xf32>
        %get3A_346 = arith.index_cast %scan3A_223 : i32 to index
        %get3A_347 = arith.constant 112 : index
        %get3A_348 = tpu.vector_load %arg19[%get3A_346, %get3A_347] {strides = array<i32>} : memref<40x128xf32, #tpu.memory_space<vmem>>, vector<1x16xf32>,
        %get3A_349 = vector.shape_cast %get3A_348 : vector<1x16xf32> to vector<16xf32>
        %add3A_350 = arith.addf %add3A_345, %get3A_349 : vector<16xf32>
        %get3A_351 = arith.index_cast %scan3A_223 : i32 to index
        %get3A_352 = arith.constant 112 : index
        %get3A_353 = tpu.vector_load %arg20[%get3A_351, %get3A_352] {strides = array<i32>} : memref<40x128xf32, #tpu.memory_space<vmem>>, vector<1x16xf32>,
        %get3A_354 = vector.shape_cast %get3A_353 : vector<1x16xf32> to vector<16xf32>
        %mul3A_355 = arith.mulf %get3A_354, %add3A_350 : vector<16xf32>
        %mul3A_356 = arith.mulf %mul3A_355, %get3A_81 : vector<16xf32>
        %gt3A_357 = arith.constant 0.000000e+00 : f32
        %gt3A_358 = vector.broadcast %gt3A_357 : f32 to vector<16xf32>
        %gt3A_359 = arith.cmpf ogt, %mul3A_356, %gt3A_358 : vector<16xf32>
        %mul3A_360 = arith.constant 0.00999999977 : f32
        %mul3A_361 = vector.broadcast %mul3A_360 : f32 to vector<16xf32>
        %mul3A_362 = arith.mulf %mul3A_361, %mul3A_356 : vector<16xf32>
        %select_n3A_363 = arith.select %gt3A_359, %mul3A_356, %mul3A_362 : vector<16xi1>, vector<16xf32>
        %exp3A_364 = math.exp %select_n3A_363 : vector<16xf32>
        %mul3A_365 = arith.mulf %exp3A_364, %add3A_350 : vector<16xf32>
        %swap3A_366 = arith.index_cast %scan3A_223 : i32 to index
        %swap3A_367 = arith.constant 48 : index
        %swap3A_368 = tpu.vector_load %arg29[%swap3A_366, %swap3A_367] {strides = array<i32>} : memref<40x128xf32, #tpu.memory_space<vmem>>, vector<1x16xf32>,
        %swap3A_369 = vector.shape_cast %swap3A_368 : vector<1x16xf32> to vector<16xf32>
        %swap3A_370 = vector.shape_cast %mul3A_365 : vector<16xf32> to vector<1x16xf32>
        tpu.vector_store %arg29[%swap3A_366, %swap3A_367], %swap3A_370 {strides = array<i32>} : memref<40x128xf32, #tpu.memory_space<vmem>>, vector<1x16xf32>,
        %swap3A_371 = arith.index_cast %scan3A_223 : i32 to index
        %swap3A_372 = arith.constant 112 : index
        %swap3A_373 = tpu.vector_load %arg29[%swap3A_371, %swap3A_372] {strides = array<i32>} : memref<40x128xf32, #tpu.memory_space<vmem>>, vector<1x16xf32>,
        %swap3A_374 = vector.shape_cast %swap3A_373 : vector<1x16xf32> to vector<16xf32>
        %swap3A_375 = vector.shape_cast %exp3A_364 : vector<16xf32> to vector<1x16xf32>
        tpu.vector_store %arg29[%swap3A_371, %swap3A_372], %swap3A_375 {strides = array<i32>} : memref<40x128xf32, #tpu.memory_space<vmem>>, vector<1x16xf32>,
      }
      %scan3A_202 = arith.constant 40 : i32
      "tpu.region"() ({
        %run_scoped3A = tpu.sem_alloc : memref<!tpu.dma_semaphore, #tpu.memory_space<semaphore_mem>>
        %dma_start3A_223 = arith.constant 0 : i32
        %dma_start3A_224 = arith.constant 0 : i32
        %dma_start3A_225 = tpu.memref_slice %arg31[%dma_start3A_223, %dma_start3A_224] : memref<10240x128xf32, #tpu.memory_space<vmem_shared>> -> memref<10240x128xf32, #tpu.memory_space<vmem_shared>>
        tpu.enqueue_indirect_dma source(%arg29 : memref<40x128xf32, #tpu.memory_space<vmem>>) target(%dma_start3A_225 : memref<10240x128xf32, #tpu.memory_space<vmem_shared>>) offsets(%arg14 : memref<40xi32, #tpu.memory_space<vmem>>) semaphore(%run_scoped3A : memref<!tpu.dma_semaphore, #tpu.memory_space<semaphore_mem>>) {add = true}
        %dma_wait3A_226 = arith.constant 0 : i32
        %dma_wait3A_227 = arith.constant 0 : i32
        %dma_wait3A_228 = tpu.memref_slice %arg31[%dma_wait3A_226, %dma_wait3A_227] : memref<10240x128xf32, #tpu.memory_space<vmem_shared>> -> memref<10240x128xf32, #tpu.memory_space<vmem_shared>>
        tpu.wait_indirect_dma semaphore(%run_scoped3A : memref<!tpu.dma_semaphore, #tpu.memory_space<semaphore_mem>>) src(%arg29 : memref<40x128xf32, #tpu.memory_space<vmem>>) dst(%dma_wait3A_228 : memref<10240x128xf32, #tpu.memory_space<vmem_shared>>)
        tpu.yield
      }) : () -> ()
      %lt3A = arith.constant 124 : i32
      %lt3A_203 = arith.cmpi slt, %scan3A_142, %lt3A : i32
      %convert_element_type3A = arith.extui %lt3A_203 : i1 to i32
      %cond3A = arith.constant 0 : i32
      %cond3A_204 = arith.cmpi ne, %convert_element_type3A, %cond3A : i32
      scf.if %cond3A_204 {
        %mul3A_223 = arith.constant 2 : i32
        %mul3A_224 = arith.muli %mul3A_223, %scan3A_142 : i32
        %add3A_225 = arith.constant 2 : i32
        %add3A_226 = arith.addi %mul3A_224, %add3A_225 : i32
        %mul3A_227 = arith.constant 10000 : i32
        %mul3A_228 = arith.muli %arg1, %mul3A_227 : i32
        %mul3A_229 = arith.constant 40 : i32
        %mul3A_230 = arith.muli %add3A_226, %mul3A_229 : i32
        %add3A_231 = arith.addi %mul3A_228, %mul3A_230 : i32
        %multiple_of3A_232 = tpu.assume_multiple %add3A_231, 40 : i32
        %mul3A_233 = arith.constant 160000 : i32
        %mul3A_234 = arith.muli %arg0, %mul3A_233 : i32
        %add3A_235 = arith.addi %mul3A_234, %multiple_of3A_232 : i32
        %multiple_of3A_236 = tpu.assume_multiple %add3A_235, 40 : i32
        %dma_start3A_237 = tpu.memref_slice %arg7[%multiple_of3A_232] : memref<160000xi32, #tpu.memory_space<hbm>> -> memref<40xi32, #tpu.memory_space<hbm>>
        %dma_start3A_238 = tpu.memref_slice %arg7[%multiple_of3A_232] : memref<160000xi32, #tpu.memory_space<hbm>> -> memref<40xi32, #tpu.memory_space<hbm>>
        tpu.enqueue_dma source(%dma_start3A_238 : memref<40xi32, #tpu.memory_space<hbm>>) target(%arg13 : memref<40xi32, #tpu.memory_space<vmem>>) target_semaphore(%arg32 : memref<!tpu.dma_semaphore, #tpu.memory_space<semaphore_mem>>)
        %dma_start3A_239 = tpu.memref_slice %arg8[%multiple_of3A_232] : memref<160000xi32, #tpu.memory_space<hbm>> -> memref<40xi32, #tpu.memory_space<hbm>>
        %dma_start3A_240 = tpu.memref_slice %arg8[%multiple_of3A_232] : memref<160000xi32, #tpu.memory_space<hbm>> -> memref<40xi32, #tpu.memory_space<hbm>>
        tpu.enqueue_dma source(%dma_start3A_240 : memref<40xi32, #tpu.memory_space<hbm>>) target(%arg14 : memref<40xi32, #tpu.memory_space<vmem>>) target_semaphore(%arg32 : memref<!tpu.dma_semaphore, #tpu.memory_space<semaphore_mem>>)
        %dma_start3A_241 = tpu.memref_slice %arg9[%multiple_of3A_232] : memref<160000xi32, #tpu.memory_space<hbm>> -> memref<40xi32, #tpu.memory_space<hbm>>
        %dma_start3A_242 = tpu.memref_slice %arg9[%multiple_of3A_232] : memref<160000xi32, #tpu.memory_space<hbm>> -> memref<40xi32, #tpu.memory_space<hbm>>
        tpu.enqueue_dma source(%dma_start3A_242 : memref<40xi32, #tpu.memory_space<hbm>>) target(%arg15 : memref<40xi32, #tpu.memory_space<vmem>>) target_semaphore(%arg32 : memref<!tpu.dma_semaphore, #tpu.memory_space<semaphore_mem>>)
        %dma_start3A_243 = tpu.memref_slice %arg10[%multiple_of3A_236] : memref<320000xi32, #tpu.memory_space<hbm>> -> memref<40xi32, #tpu.memory_space<hbm>>
        %dma_start3A_244 = tpu.memref_slice %arg10[%multiple_of3A_236] : memref<320000xi32, #tpu.memory_space<hbm>> -> memref<40xi32, #tpu.memory_space<hbm>>
        tpu.enqueue_dma source(%dma_start3A_244 : memref<40xi32, #tpu.memory_space<hbm>>) target(%arg16 : memref<40xi32, #tpu.memory_space<vmem>>) target_semaphore(%arg32 : memref<!tpu.dma_semaphore, #tpu.memory_space<semaphore_mem>>)
        %dma_wait3A_245 = tpu.memref_slice %arg7[%multiple_of3A_232] : memref<160000xi32, #tpu.memory_space<hbm>> -> memref<40xi32, #tpu.memory_space<hbm>>
        %dma_wait3A_246 = tpu.memref_slice %arg7[%multiple_of3A_232] : memref<160000xi32, #tpu.memory_space<hbm>> -> memref<40xi32, #tpu.memory_space<hbm>>
        tpu.wait_dma2 semaphore(%arg32 : memref<!tpu.dma_semaphore, #tpu.memory_space<semaphore_mem>>) src(%dma_wait3A_246 : memref<40xi32, #tpu.memory_space<hbm>>) dst(%arg13 : memref<40xi32, #tpu.memory_space<vmem>>)
        %dma_wait3A_247 = tpu.memref_slice %arg8[%multiple_of3A_232] : memref<160000xi32, #tpu.memory_space<hbm>> -> memref<40xi32, #tpu.memory_space<hbm>>
        %dma_wait3A_248 = tpu.memref_slice %arg8[%multiple_of3A_232] : memref<160000xi32, #tpu.memory_space<hbm>> -> memref<40xi32, #tpu.memory_space<hbm>>
        tpu.wait_dma2 semaphore(%arg32 : memref<!tpu.dma_semaphore, #tpu.memory_space<semaphore_mem>>) src(%dma_wait3A_248 : memref<40xi32, #tpu.memory_space<hbm>>) dst(%arg14 : memref<40xi32, #tpu.memory_space<vmem>>)
        %dma_wait3A_249 = tpu.memref_slice %arg9[%multiple_of3A_232] : memref<160000xi32, #tpu.memory_space<hbm>> -> memref<40xi32, #tpu.memory_space<hbm>>
        %dma_wait3A_250 = tpu.memref_slice %arg9[%multiple_of3A_232] : memref<160000xi32, #tpu.memory_space<hbm>> -> memref<40xi32, #tpu.memory_space<hbm>>
        tpu.wait_dma2 semaphore(%arg32 : memref<!tpu.dma_semaphore, #tpu.memory_space<semaphore_mem>>) src(%dma_wait3A_250 : memref<40xi32, #tpu.memory_space<hbm>>) dst(%arg15 : memref<40xi32, #tpu.memory_space<vmem>>)
        %dma_wait3A_251 = tpu.memref_slice %arg10[%multiple_of3A_236] : memref<320000xi32, #tpu.memory_space<hbm>> -> memref<40xi32, #tpu.memory_space<hbm>>
        %dma_wait3A_252 = tpu.memref_slice %arg10[%multiple_of3A_236] : memref<320000xi32, #tpu.memory_space<hbm>> -> memref<40xi32, #tpu.memory_space<hbm>>
        tpu.wait_dma2 semaphore(%arg32 : memref<!tpu.dma_semaphore, #tpu.memory_space<semaphore_mem>>) src(%dma_wait3A_252 : memref<40xi32, #tpu.memory_space<hbm>>) dst(%arg16 : memref<40xi32, #tpu.memory_space<vmem>>)
        %dma_start3A_253 = arith.constant 0 : i32
        %dma_start3A_254 = arith.constant 0 : i32
        %dma_start3A_255 = tpu.memref_slice %arg2[%dma_start3A_253, %dma_start3A_254] : memref<10000x128xf32, #tpu.memory_space<hbm>> -> memref<10000x128xf32, #tpu.memory_space<hbm>>
        tpu.enqueue_indirect_dma source(%dma_start3A_255 : memref<10000x128xf32, #tpu.memory_space<hbm>>) target(%arg17 : memref<40x128xf32, #tpu.memory_space<vmem>>) offsets(%arg13 : memref<40xi32, #tpu.memory_space<vmem>>) semaphore(%arg32 : memref<!tpu.dma_semaphore, #tpu.memory_space<semaphore_mem>>)
        %dma_start3A_256 = arith.constant 0 : i32
        %dma_start3A_257 = arith.constant 0 : i32
        %dma_start3A_258 = tpu.memref_slice %arg3[%dma_start3A_256, %dma_start3A_257] : memref<500x128xf32, #tpu.memory_space<hbm>> -> memref<500x128xf32, #tpu.memory_space<hbm>>
        tpu.enqueue_indirect_dma source(%dma_start3A_258 : memref<500x128xf32, #tpu.memory_space<hbm>>) target(%arg18 : memref<40x128xf32, #tpu.memory_space<vmem>>) offsets(%arg15 : memref<40xi32, #tpu.memory_space<vmem>>) semaphore(%arg32 : memref<!tpu.dma_semaphore, #tpu.memory_space<semaphore_mem>>)
        %dma_start3A_259 = arith.constant 0 : i32
        %dma_start3A_260 = arith.constant 0 : i32
        %dma_start3A_261 = tpu.memref_slice %arg4[%dma_start3A_259, %dma_start3A_260] : memref<7999x128xf32, #tpu.memory_space<hbm>> -> memref<7999x128xf32, #tpu.memory_space<hbm>>
        tpu.enqueue_indirect_dma source(%dma_start3A_261 : memref<7999x128xf32, #tpu.memory_space<hbm>>) target(%arg19 : memref<40x128xf32, #tpu.memory_space<vmem>>) offsets(%arg16 : memref<40xi32, #tpu.memory_space<vmem>>) semaphore(%arg32 : memref<!tpu.dma_semaphore, #tpu.memory_space<semaphore_mem>>)
        %dma_start3A_262 = arith.constant 0 : i32
        %dma_start3A_263 = arith.constant 0 : i32
        %dma_start3A_264 = tpu.memref_slice %arg5[%dma_start3A_262, %dma_start3A_263] : memref<10000x128xf32, #tpu.memory_space<hbm>> -> memref<10000x128xf32, #tpu.memory_space<hbm>>
        tpu.enqueue_indirect_dma source(%dma_start3A_264 : memref<10000x128xf32, #tpu.memory_space<hbm>>) target(%arg20 : memref<40x128xf32, #tpu.memory_space<vmem>>) offsets(%arg14 : memref<40xi32, #tpu.memory_space<vmem>>) semaphore(%arg32 : memref<!tpu.dma_semaphore, #tpu.memory_space<semaphore_mem>>)
      } else {
      }
      %dma_wait3A_205 = arith.constant 0 : i32
      %dma_wait3A_206 = arith.constant 0 : i32
      %dma_wait3A_207 = tpu.memref_slice %arg2[%dma_wait3A_205, %dma_wait3A_206] : memref<10000x128xf32, #tpu.memory_space<hbm>> -> memref<10000x128xf32, #tpu.memory_space<hbm>>
      tpu.wait_indirect_dma semaphore(%arg33 : memref<!tpu.dma_semaphore, #tpu.memory_space<semaphore_mem>>) src(%dma_wait3A_207 : memref<10000x128xf32, #tpu.memory_space<hbm>>) dst(%arg25 : memref<40x128xf32, #tpu.memory_space<vmem>>)
      %dma_wait3A_208 = arith.constant 0 : i32
      %dma_wait3A_209 = arith.constant 0 : i32
      %dma_wait3A_210 = tpu.memref_slice %arg3[%dma_wait3A_208, %dma_wait3A_209] : memref<500x128xf32, #tpu.memory_space<hbm>> -> memref<500x128xf32, #tpu.memory_space<hbm>>
      tpu.wait_indirect_dma semaphore(%arg33 : memref<!tpu.dma_semaphore, #tpu.memory_space<semaphore_mem>>) src(%dma_wait3A_210 : memref<500x128xf32, #tpu.memory_space<hbm>>) dst(%arg26 : memref<40x128xf32, #tpu.memory_space<vmem>>)
      %dma_wait3A_211 = arith.constant 0 : i32
      %dma_wait3A_212 = arith.constant 0 : i32
      %dma_wait3A_213 = tpu.memref_slice %arg4[%dma_wait3A_211, %dma_wait3A_212] : memref<7999x128xf32, #tpu.memory_space<hbm>> -> memref<7999x128xf32, #tpu.memory_space<hbm>>
      tpu.wait_indirect_dma semaphore(%arg33 : memref<!tpu.dma_semaphore, #tpu.memory_space<semaphore_mem>>) src(%dma_wait3A_213 : memref<7999x128xf32, #tpu.memory_space<hbm>>) dst(%arg27 : memref<40x128xf32, #tpu.memory_space<vmem>>)
      %dma_wait3A_214 = arith.constant 0 : i32
      %dma_wait3A_215 = arith.constant 0 : i32
      %dma_wait3A_216 = tpu.memref_slice %arg5[%dma_wait3A_214, %dma_wait3A_215] : memref<10000x128xf32, #tpu.memory_space<hbm>> -> memref<10000x128xf32, #tpu.memory_space<hbm>>
      tpu.wait_indirect_dma semaphore(%arg33 : memref<!tpu.dma_semaphore, #tpu.memory_space<semaphore_mem>>) src(%dma_wait3A_216 : memref<10000x128xf32, #tpu.memory_space<hbm>>) dst(%arg28 : memref<40x128xf32, #tpu.memory_space<vmem>>)
      %scan3A_217 = arith.constant 0 : i32
      %scan3A_218 = arith.constant 0 : i32
      %scan3A_219 = arith.constant 40 : i32
      %scan3A_220 = arith.addi %scan3A_218, %scan3A_219 : i32
      %scan3A_221 = arith.constant 1 : i32
      scf.for %scan3A_223 = %scan3A_218 to %scan3A_220 step %scan3A_221  : i32 {
        %get3A_224 = arith.index_cast %scan3A_223 : i32 to index
        %get3A_225 = arith.constant 64 : index
        %get3A_226 = tpu.vector_load %arg25[%get3A_224, %get3A_225] {strides = array<i32>} : memref<40x128xf32, #tpu.memory_space<vmem>>, vector<1x16xf32>,
        %get3A_227 = vector.shape_cast %get3A_226 : vector<1x16xf32> to vector<16xf32>
        %get3A_228 = arith.index_cast %scan3A_223 : i32 to index
        %get3A_229 = arith.constant 64 : index
        %get3A_230 = tpu.vector_load %arg26[%get3A_228, %get3A_229] {strides = array<i32>} : memref<40x128xf32, #tpu.memory_space<vmem>>, vector<1x16xf32>,
        %get3A_231 = vector.shape_cast %get3A_230 : vector<1x16xf32> to vector<16xf32>
        %add3A_232 = arith.addf %get3A_227, %get3A_231 : vector<16xf32>
        %get3A_233 = arith.index_cast %scan3A_223 : i32 to index
        %get3A_234 = arith.constant 64 : index
        %get3A_235 = tpu.vector_load %arg27[%get3A_233, %get3A_234] {strides = array<i32>} : memref<40x128xf32, #tpu.memory_space<vmem>>, vector<1x16xf32>,
        %get3A_236 = vector.shape_cast %get3A_235 : vector<1x16xf32> to vector<16xf32>
        %add3A_237 = arith.addf %add3A_232, %get3A_236 : vector<16xf32>
        %get3A_238 = arith.index_cast %scan3A_223 : i32 to index
        %get3A_239 = arith.constant 64 : index
        %get3A_240 = tpu.vector_load %arg28[%get3A_238, %get3A_239] {strides = array<i32>} : memref<40x128xf32, #tpu.memory_space<vmem>>, vector<1x16xf32>,
        %get3A_241 = vector.shape_cast %get3A_240 : vector<1x16xf32> to vector<16xf32>
        %mul3A_242 = arith.mulf %get3A_241, %add3A_237 : vector<16xf32>
        %mul3A_243 = arith.mulf %mul3A_242, %get3A_72 : vector<16xf32>
        %gt3A = arith.constant 0.000000e+00 : f32
        %gt3A_244 = vector.broadcast %gt3A : f32 to vector<16xf32>
        %gt3A_245 = arith.cmpf ogt, %mul3A_243, %gt3A_244 : vector<16xf32>
        %mul3A_246 = arith.constant 0.00999999977 : f32
        %mul3A_247 = vector.broadcast %mul3A_246 : f32 to vector<16xf32>
        %mul3A_248 = arith.mulf %mul3A_247, %mul3A_243 : vector<16xf32>
        %select_n3A = arith.select %gt3A_245, %mul3A_243, %mul3A_248 : vector<16xi1>, vector<16xf32>
        %exp3A = math.exp %select_n3A : vector<16xf32>
        %mul3A_249 = arith.mulf %exp3A, %add3A_237 : vector<16xf32>
        %swap3A = arith.index_cast %scan3A_223 : i32 to index
        %swap3A_250 = arith.constant 0 : index
        %swap3A_251 = tpu.vector_load %arg29[%swap3A, %swap3A_250] {strides = array<i32>} : memref<40x128xf32, #tpu.memory_space<vmem>>, vector<1x16xf32>,
        %swap3A_252 = vector.shape_cast %swap3A_251 : vector<1x16xf32> to vector<16xf32>
        %swap3A_253 = vector.shape_cast %mul3A_249 : vector<16xf32> to vector<1x16xf32>
        tpu.vector_store %arg29[%swap3A, %swap3A_250], %swap3A_253 {strides = array<i32>} : memref<40x128xf32, #tpu.memory_space<vmem>>, vector<1x16xf32>,
        %swap3A_254 = arith.index_cast %scan3A_223 : i32 to index
        %swap3A_255 = arith.constant 64 : index
        %swap3A_256 = tpu.vector_load %arg29[%swap3A_254, %swap3A_255] {strides = array<i32>} : memref<40x128xf32, #tpu.memory_space<vmem>>, vector<1x16xf32>,
        %swap3A_257 = vector.shape_cast %swap3A_256 : vector<1x16xf32> to vector<16xf32>
        %swap3A_258 = vector.shape_cast %exp3A : vector<16xf32> to vector<1x16xf32>
        tpu.vector_store %arg29[%swap3A_254, %swap3A_255], %swap3A_258 {strides = array<i32>} : memref<40x128xf32, #tpu.memory_space<vmem>>, vector<1x16xf32>,
        %get3A_259 = arith.index_cast %scan3A_223 : i32 to index
        %get3A_260 = arith.constant 80 : index
        %get3A_261 = tpu.vector_load %arg25[%get3A_259, %get3A_260] {strides = array<i32>} : memref<40x128xf32, #tpu.memory_space<vmem>>, vector<1x16xf32>,
        %get3A_262 = vector.shape_cast %get3A_261 : vector<1x16xf32> to vector<16xf32>
        %get3A_263 = arith.index_cast %scan3A_223 : i32 to index
        %get3A_264 = arith.constant 80 : index
        %get3A_265 = tpu.vector_load %arg26[%get3A_263, %get3A_264] {strides = array<i32>} : memref<40x128xf32, #tpu.memory_space<vmem>>, vector<1x16xf32>,
        %get3A_266 = vector.shape_cast %get3A_265 : vector<1x16xf32> to vector<16xf32>
        %add3A_267 = arith.addf %get3A_262, %get3A_266 : vector<16xf32>
        %get3A_268 = arith.index_cast %scan3A_223 : i32 to index
        %get3A_269 = arith.constant 80 : index
        %get3A_270 = tpu.vector_load %arg27[%get3A_268, %get3A_269] {strides = array<i32>} : memref<40x128xf32, #tpu.memory_space<vmem>>, vector<1x16xf32>,
        %get3A_271 = vector.shape_cast %get3A_270 : vector<1x16xf32> to vector<16xf32>
        %add3A_272 = arith.addf %add3A_267, %get3A_271 : vector<16xf32>
        %get3A_273 = arith.index_cast %scan3A_223 : i32 to index
        %get3A_274 = arith.constant 80 : index
        %get3A_275 = tpu.vector_load %arg28[%get3A_273, %get3A_274] {strides = array<i32>} : memref<40x128xf32, #tpu.memory_space<vmem>>, vector<1x16xf32>,
        %get3A_276 = vector.shape_cast %get3A_275 : vector<1x16xf32> to vector<16xf32>
        %mul3A_277 = arith.mulf %get3A_276, %add3A_272 : vector<16xf32>
        %mul3A_278 = arith.mulf %mul3A_277, %get3A_75 : vector<16xf32>
        %gt3A_279 = arith.constant 0.000000e+00 : f32
        %gt3A_280 = vector.broadcast %gt3A_279 : f32 to vector<16xf32>
        %gt3A_281 = arith.cmpf ogt, %mul3A_278, %gt3A_280 : vector<16xf32>
        %mul3A_282 = arith.constant 0.00999999977 : f32
        %mul3A_283 = vector.broadcast %mul3A_282 : f32 to vector<16xf32>
        %mul3A_284 = arith.mulf %mul3A_283, %mul3A_278 : vector<16xf32>
        %select_n3A_285 = arith.select %gt3A_281, %mul3A_278, %mul3A_284 : vector<16xi1>, vector<16xf32>
        %exp3A_286 = math.exp %select_n3A_285 : vector<16xf32>
        %mul3A_287 = arith.mulf %exp3A_286, %add3A_272 : vector<16xf32>
        %swap3A_288 = arith.index_cast %scan3A_223 : i32 to index
        %swap3A_289 = arith.constant 16 : index
        %swap3A_290 = tpu.vector_load %arg29[%swap3A_288, %swap3A_289] {strides = array<i32>} : memref<40x128xf32, #tpu.memory_space<vmem>>, vector<1x16xf32>,
        %swap3A_291 = vector.shape_cast %swap3A_290 : vector<1x16xf32> to vector<16xf32>
        %swap3A_292 = vector.shape_cast %mul3A_287 : vector<16xf32> to vector<1x16xf32>
        tpu.vector_store %arg29[%swap3A_288, %swap3A_289], %swap3A_292 {strides = array<i32>} : memref<40x128xf32, #tpu.memory_space<vmem>>, vector<1x16xf32>,
        %swap3A_293 = arith.index_cast %scan3A_223 : i32 to index
        %swap3A_294 = arith.constant 80 : index
        %swap3A_295 = tpu.vector_load %arg29[%swap3A_293, %swap3A_294] {strides = array<i32>} : memref<40x128xf32, #tpu.memory_space<vmem>>, vector<1x16xf32>,
        %swap3A_296 = vector.shape_cast %swap3A_295 : vector<1x16xf32> to vector<16xf32>
        %swap3A_297 = vector.shape_cast %exp3A_286 : vector<16xf32> to vector<1x16xf32>
        tpu.vector_store %arg29[%swap3A_293, %swap3A_294], %swap3A_297 {strides = array<i32>} : memref<40x128xf32, #tpu.memory_space<vmem>>, vector<1x16xf32>,
        %get3A_298 = arith.index_cast %scan3A_223 : i32 to index
        %get3A_299 = arith.constant 96 : index
        %get3A_300 = tpu.vector_load %arg25[%get3A_298, %get3A_299] {strides = array<i32>} : memref<40x128xf32, #tpu.memory_space<vmem>>, vector<1x16xf32>,
        %get3A_301 = vector.shape_cast %get3A_300 : vector<1x16xf32> to vector<16xf32>
        %get3A_302 = arith.index_cast %scan3A_223 : i32 to index
        %get3A_303 = arith.constant 96 : index
        %get3A_304 = tpu.vector_load %arg26[%get3A_302, %get3A_303] {strides = array<i32>} : memref<40x128xf32, #tpu.memory_space<vmem>>, vector<1x16xf32>,
        %get3A_305 = vector.shape_cast %get3A_304 : vector<1x16xf32> to vector<16xf32>
        %add3A_306 = arith.addf %get3A_301, %get3A_305 : vector<16xf32>
        %get3A_307 = arith.index_cast %scan3A_223 : i32 to index
        %get3A_308 = arith.constant 96 : index
        %get3A_309 = tpu.vector_load %arg27[%get3A_307, %get3A_308] {strides = array<i32>} : memref<40x128xf32, #tpu.memory_space<vmem>>, vector<1x16xf32>,
        %get3A_310 = vector.shape_cast %get3A_309 : vector<1x16xf32> to vector<16xf32>
        %add3A_311 = arith.addf %add3A_306, %get3A_310 : vector<16xf32>
        %get3A_312 = arith.index_cast %scan3A_223 : i32 to index
        %get3A_313 = arith.constant 96 : index
        %get3A_314 = tpu.vector_load %arg28[%get3A_312, %get3A_313] {strides = array<i32>} : memref<40x128xf32, #tpu.memory_space<vmem>>, vector<1x16xf32>,
        %get3A_315 = vector.shape_cast %get3A_314 : vector<1x16xf32> to vector<16xf32>
        %mul3A_316 = arith.mulf %get3A_315, %add3A_311 : vector<16xf32>
        %mul3A_317 = arith.mulf %mul3A_316, %get3A_78 : vector<16xf32>
        %gt3A_318 = arith.constant 0.000000e+00 : f32
        %gt3A_319 = vector.broadcast %gt3A_318 : f32 to vector<16xf32>
        %gt3A_320 = arith.cmpf ogt, %mul3A_317, %gt3A_319 : vector<16xf32>
        %mul3A_321 = arith.constant 0.00999999977 : f32
        %mul3A_322 = vector.broadcast %mul3A_321 : f32 to vector<16xf32>
        %mul3A_323 = arith.mulf %mul3A_322, %mul3A_317 : vector<16xf32>
        %select_n3A_324 = arith.select %gt3A_320, %mul3A_317, %mul3A_323 : vector<16xi1>, vector<16xf32>
        %exp3A_325 = math.exp %select_n3A_324 : vector<16xf32>
        %mul3A_326 = arith.mulf %exp3A_325, %add3A_311 : vector<16xf32>
        %swap3A_327 = arith.index_cast %scan3A_223 : i32 to index
        %swap3A_328 = arith.constant 32 : index
        %swap3A_329 = tpu.vector_load %arg29[%swap3A_327, %swap3A_328] {strides = array<i32>} : memref<40x128xf32, #tpu.memory_space<vmem>>, vector<1x16xf32>,
        %swap3A_330 = vector.shape_cast %swap3A_329 : vector<1x16xf32> to vector<16xf32>
        %swap3A_331 = vector.shape_cast %mul3A_326 : vector<16xf32> to vector<1x16xf32>
        tpu.vector_store %arg29[%swap3A_327, %swap3A_328], %swap3A_331 {strides = array<i32>} : memref<40x128xf32, #tpu.memory_space<vmem>>, vector<1x16xf32>,
        %swap3A_332 = arith.index_cast %scan3A_223 : i32 to index
        %swap3A_333 = arith.constant 96 : index
        %swap3A_334 = tpu.vector_load %arg29[%swap3A_332, %swap3A_333] {strides = array<i32>} : memref<40x128xf32, #tpu.memory_space<vmem>>, vector<1x16xf32>,
        %swap3A_335 = vector.shape_cast %swap3A_334 : vector<1x16xf32> to vector<16xf32>
        %swap3A_336 = vector.shape_cast %exp3A_325 : vector<16xf32> to vector<1x16xf32>
        tpu.vector_store %arg29[%swap3A_332, %swap3A_333], %swap3A_336 {strides = array<i32>} : memref<40x128xf32, #tpu.memory_space<vmem>>, vector<1x16xf32>,
        %get3A_337 = arith.index_cast %scan3A_223 : i32 to index
        %get3A_338 = arith.constant 112 : index
        %get3A_339 = tpu.vector_load %arg25[%get3A_337, %get3A_338] {strides = array<i32>} : memref<40x128xf32, #tpu.memory_space<vmem>>, vector<1x16xf32>,
        %get3A_340 = vector.shape_cast %get3A_339 : vector<1x16xf32> to vector<16xf32>
        %get3A_341 = arith.index_cast %scan3A_223 : i32 to index
        %get3A_342 = arith.constant 112 : index
        %get3A_343 = tpu.vector_load %arg26[%get3A_341, %get3A_342] {strides = array<i32>} : memref<40x128xf32, #tpu.memory_space<vmem>>, vector<1x16xf32>,
        %get3A_344 = vector.shape_cast %get3A_343 : vector<1x16xf32> to vector<16xf32>
        %add3A_345 = arith.addf %get3A_340, %get3A_344 : vector<16xf32>
        %get3A_346 = arith.index_cast %scan3A_223 : i32 to index
        %get3A_347 = arith.constant 112 : index
        %get3A_348 = tpu.vector_load %arg27[%get3A_346, %get3A_347] {strides = array<i32>} : memref<40x128xf32, #tpu.memory_space<vmem>>, vector<1x16xf32>,
        %get3A_349 = vector.shape_cast %get3A_348 : vector<1x16xf32> to vector<16xf32>
        %add3A_350 = arith.addf %add3A_345, %get3A_349 : vector<16xf32>
        %get3A_351 = arith.index_cast %scan3A_223 : i32 to index
        %get3A_352 = arith.constant 112 : index
        %get3A_353 = tpu.vector_load %arg28[%get3A_351, %get3A_352] {strides = array<i32>} : memref<40x128xf32, #tpu.memory_space<vmem>>, vector<1x16xf32>,
        %get3A_354 = vector.shape_cast %get3A_353 : vector<1x16xf32> to vector<16xf32>
        %mul3A_355 = arith.mulf %get3A_354, %add3A_350 : vector<16xf32>
        %mul3A_356 = arith.mulf %mul3A_355, %get3A_81 : vector<16xf32>
        %gt3A_357 = arith.constant 0.000000e+00 : f32
        %gt3A_358 = vector.broadcast %gt3A_357 : f32 to vector<16xf32>
        %gt3A_359 = arith.cmpf ogt, %mul3A_356, %gt3A_358 : vector<16xf32>
        %mul3A_360 = arith.constant 0.00999999977 : f32
        %mul3A_361 = vector.broadcast %mul3A_360 : f32 to vector<16xf32>
        %mul3A_362 = arith.mulf %mul3A_361, %mul3A_356 : vector<16xf32>
        %select_n3A_363 = arith.select %gt3A_359, %mul3A_356, %mul3A_362 : vector<16xi1>, vector<16xf32>
        %exp3A_364 = math.exp %select_n3A_363 : vector<16xf32>
        %mul3A_365 = arith.mulf %exp3A_364, %add3A_350 : vector<16xf32>
        %swap3A_366 = arith.index_cast %scan3A_223 : i32 to index
        %swap3A_367 = arith.constant 48 : index
        %swap3A_368 = tpu.vector_load %arg29[%swap3A_366, %swap3A_367] {strides = array<i32>} : memref<40x128xf32, #tpu.memory_space<vmem>>, vector<1x16xf32>,
        %swap3A_369 = vector.shape_cast %swap3A_368 : vector<1x16xf32> to vector<16xf32>
        %swap3A_370 = vector.shape_cast %mul3A_365 : vector<16xf32> to vector<1x16xf32>
        tpu.vector_store %arg29[%swap3A_366, %swap3A_367], %swap3A_370 {strides = array<i32>} : memref<40x128xf32, #tpu.memory_space<vmem>>, vector<1x16xf32>,
        %swap3A_371 = arith.index_cast %scan3A_223 : i32 to index
        %swap3A_372 = arith.constant 112 : index
        %swap3A_373 = tpu.vector_load %arg29[%swap3A_371, %swap3A_372] {strides = array<i32>} : memref<40x128xf32, #tpu.memory_space<vmem>>, vector<1x16xf32>,
        %swap3A_374 = vector.shape_cast %swap3A_373 : vector<1x16xf32> to vector<16xf32>
        %swap3A_375 = vector.shape_cast %exp3A_364 : vector<16xf32> to vector<1x16xf32>
        tpu.vector_store %arg29[%swap3A_371, %swap3A_372], %swap3A_375 {strides = array<i32>} : memref<40x128xf32, #tpu.memory_space<vmem>>, vector<1x16xf32>,
      }
      %scan3A_222 = arith.constant 40 : i32
      "tpu.region"() ({
        %run_scoped3A = tpu.sem_alloc : memref<!tpu.dma_semaphore, #tpu.memory_space<semaphore_mem>>
        %dma_start3A_223 = arith.constant 0 : i32
        %dma_start3A_224 = arith.constant 0 : i32
        %dma_start3A_225 = tpu.memref_slice %arg31[%dma_start3A_223, %dma_start3A_224] : memref<10240x128xf32, #tpu.memory_space<vmem_shared>> -> memref<10240x128xf32, #tpu.memory_space<vmem_shared>>
        tpu.enqueue_indirect_dma source(%arg29 : memref<40x128xf32, #tpu.memory_space<vmem>>) target(%dma_start3A_225 : memref<10240x128xf32, #tpu.memory_space<vmem_shared>>) offsets(%arg22 : memref<40xi32, #tpu.memory_space<vmem>>) semaphore(%run_scoped3A : memref<!tpu.dma_semaphore, #tpu.memory_space<semaphore_mem>>) {add = true}
        %dma_wait3A_226 = arith.constant 0 : i32
        %dma_wait3A_227 = arith.constant 0 : i32
        %dma_wait3A_228 = tpu.memref_slice %arg31[%dma_wait3A_226, %dma_wait3A_227] : memref<10240x128xf32, #tpu.memory_space<vmem_shared>> -> memref<10240x128xf32, #tpu.memory_space<vmem_shared>>
        tpu.wait_indirect_dma semaphore(%run_scoped3A : memref<!tpu.dma_semaphore, #tpu.memory_space<semaphore_mem>>) src(%arg29 : memref<40x128xf32, #tpu.memory_space<vmem>>) dst(%dma_wait3A_228 : memref<10240x128xf32, #tpu.memory_space<vmem_shared>>)
        tpu.yield
      }) : () -> ()
    }
    %scan3A_124 = arith.constant 125 : i32
    %barrier3A_125 = arith.constant 0 : index
    tpu.barrier barrier_id(%barrier3A_125)
    %mul3A_126 = arith.constant 2 : i32
    %mul3A_127 = arith.muli %arg0, %mul3A_126 : i32
    %add3A_128 = arith.constant 1 : i32
    %add3A_129 = arith.addi %mul3A_127, %add3A_128 : i32
    %mul3A_130 = arith.constant 10240 : i32
    %mul3A_131 = arith.muli %add3A_129, %mul3A_130 : i32
    %mul3A_132 = arith.constant 640 : i32
    %mul3A_133 = arith.muli %arg1, %mul3A_132 : i32
    %add3A_134 = arith.addi %mul3A_131, %mul3A_133 : i32
    %scan3A_135 = arith.constant 0 : i32
    %scan3A_136 = arith.constant 0 : i32
    %scan3A_137 = arith.constant 16 : i32
    %scan3A_138 = arith.addi %scan3A_136, %scan3A_137 : i32
    %scan3A_139 = arith.constant 1 : i32
    scf.for %scan3A_142 = %scan3A_136 to %scan3A_138 step %scan3A_139  : i32 {
      %mul3A_143 = arith.constant 640 : i32
      %mul3A_144 = arith.muli %arg1, %mul3A_143 : i32
      %mul3A_145 = arith.constant 40 : i32
      %mul3A_146 = arith.muli %scan3A_142, %mul3A_145 : i32
      %add3A_147 = arith.addi %mul3A_144, %mul3A_146 : i32
      "tpu.region"() ({
        %run_scoped3A = tpu.sem_alloc : memref<!tpu.dma_semaphore, #tpu.memory_space<semaphore_mem>>
        %dma_start3A_151 = arith.constant 0 : i32
        %dma_start3A_152 = tpu.memref_slice %arg31[%add3A_147, %dma_start3A_151] : memref<10240x128xf32, #tpu.memory_space<vmem_shared>> -> memref<40x128xf32, #tpu.memory_space<vmem_shared>>
        %dma_start3A_153 = arith.constant 0 : i32
        %dma_start3A_154 = tpu.memref_slice %arg31[%add3A_147, %dma_start3A_153] : memref<10240x128xf32, #tpu.memory_space<vmem_shared>> -> memref<40x128xf32, #tpu.memory_space<vmem_shared>>
        tpu.enqueue_dma source(%dma_start3A_154 : memref<40x128xf32, #tpu.memory_space<vmem_shared>>) target(%arg29 : memref<40x128xf32, #tpu.memory_space<vmem>>) target_semaphore(%run_scoped3A : memref<!tpu.dma_semaphore, #tpu.memory_space<semaphore_mem>>)
        %dma_wait3A_155 = arith.constant 0 : i32
        %dma_wait3A_156 = tpu.memref_slice %arg31[%add3A_147, %dma_wait3A_155] : memref<10240x128xf32, #tpu.memory_space<vmem_shared>> -> memref<40x128xf32, #tpu.memory_space<vmem_shared>>
        %dma_wait3A_157 = arith.constant 0 : i32
        %dma_wait3A_158 = tpu.memref_slice %arg31[%add3A_147, %dma_wait3A_157] : memref<10240x128xf32, #tpu.memory_space<vmem_shared>> -> memref<40x128xf32, #tpu.memory_space<vmem_shared>>
        tpu.wait_dma2 semaphore(%run_scoped3A : memref<!tpu.dma_semaphore, #tpu.memory_space<semaphore_mem>>) src(%dma_wait3A_158 : memref<40x128xf32, #tpu.memory_space<vmem_shared>>) dst(%arg29 : memref<40x128xf32, #tpu.memory_space<vmem>>)
        tpu.yield
      }) : () -> ()
      %mul3A_148 = arith.constant 40 : i32
      %mul3A_149 = arith.muli %scan3A_142, %mul3A_148 : i32
      %add3A_150 = arith.addi %add3A_134, %mul3A_149 : i32
      "tpu.region"() ({
        %run_scoped3A = tpu.sem_alloc : memref<!tpu.dma_semaphore, #tpu.memory_space<semaphore_mem>>
        %dma_start3A_151 = arith.constant 0 : i32
        %dma_start3A_152 = tpu.memref_slice %arg12[%add3A_150, %dma_start3A_151] : memref<40960x128xf32, #tpu.memory_space<hbm>> -> memref<40x128xf32, #tpu.memory_space<hbm>>
        %dma_start3A_153 = arith.constant 0 : i32
        %dma_start3A_154 = tpu.memref_slice %arg12[%add3A_150, %dma_start3A_153] : memref<40960x128xf32, #tpu.memory_space<hbm>> -> memref<40x128xf32, #tpu.memory_space<hbm>>
        tpu.enqueue_dma source(%arg29 : memref<40x128xf32, #tpu.memory_space<vmem>>) target(%dma_start3A_154 : memref<40x128xf32, #tpu.memory_space<hbm>>) target_semaphore(%run_scoped3A : memref<!tpu.dma_semaphore, #tpu.memory_space<semaphore_mem>>)
        %dma_wait3A_155 = arith.constant 0 : i32
        %dma_wait3A_156 = tpu.memref_slice %arg12[%add3A_150, %dma_wait3A_155] : memref<40960x128xf32, #tpu.memory_space<hbm>> -> memref<40x128xf32, #tpu.memory_space<hbm>>
        %dma_wait3A_157 = arith.constant 0 : i32
        %dma_wait3A_158 = tpu.memref_slice %arg12[%add3A_150, %dma_wait3A_157] : memref<40960x128xf32, #tpu.memory_space<hbm>> -> memref<40x128xf32, #tpu.memory_space<hbm>>
        tpu.wait_dma2 semaphore(%run_scoped3A : memref<!tpu.dma_semaphore, #tpu.memory_space<semaphore_mem>>) src(%arg29 : memref<40x128xf32, #tpu.memory_space<vmem>>) dst(%dma_wait3A_158 : memref<40x128xf32, #tpu.memory_space<hbm>>)
        tpu.yield
      }) : () -> ()
    }
    %scan3A_140 = arith.constant 16 : i32
    %barrier3A_141 = arith.constant 0 : index
    tpu.barrier barrier_id(%barrier3A_141)
    return
  }
}

module attributes {stable_mosaic.version = 14 : i64} {
  func.func @_small_tables_body(%arg0: memref<4001x128xf32, #tpu.memory_space<vmem>>, %arg1: memref<500x128xf32, #tpu.memory_space<vmem>>, %arg2: memref<128x128xf32, #tpu.memory_space<vmem>>, %arg3: memref<1x128xf32, #tpu.memory_space<vmem>>, %arg4: memref<128x128xf32, #tpu.memory_space<vmem>>, %arg5: memref<1x128xf32, #tpu.memory_space<vmem>>, %arg6: memref<128x128xf32, #tpu.memory_space<vmem>>, %arg7: memref<1x128xf32, #tpu.memory_space<vmem>>, %arg8: memref<128x128xf32, #tpu.memory_space<vmem>>, %arg9: memref<1x128xf32, #tpu.memory_space<vmem>>, %arg10: memref<4001x128xf32, #tpu.memory_space<vmem>>, %arg11: memref<4001x128xf32, #tpu.memory_space<vmem>>, %arg12: memref<4001x128xf32, #tpu.memory_space<vmem>>, %arg13: memref<500x128xf32, #tpu.memory_space<vmem>>) attributes {dimension_semantics = [], scalar_prefetch = 0 : i64, scratch_operands = 0 : i64, tpu.core_type = #tpu.core_type<tc>} {
    %get3A = arith.constant 0 : index
    %get3A_0 = arith.constant 0 : index
    %get3A_1 = vector.load %arg0[%get3A, %get3A_0] : memref<4001x128xf32, #tpu.memory_space<vmem>>, vector<4001x128xf32>
    %get3A_2 = arith.constant 0 : index
    %get3A_3 = arith.constant 0 : index
    %get3A_4 = vector.load %arg8[%get3A_2, %get3A_3] : memref<128x128xf32, #tpu.memory_space<vmem>>, vector<128x128xf32>
    %get3A_5 = arith.constant 0 : index
    %get3A_6 = arith.constant 0 : index
    %get3A_7 = vector.load %arg2[%get3A_5, %get3A_6] : memref<128x128xf32, #tpu.memory_space<vmem>>, vector<128x128xf32>
    %dot_general3A = arith.constant dense<0.000000e+00> : vector<4001x128xf32>
    %dot_general3A_8 = tpu.matmul %get3A_1, %get3A_7, %dot_general3A {dimension_numbers = #tpu.dot_dimension_numbers<[1], [1], [0], [0], [0, 0, 1, 0], [], []>, transpose_lhs_hint = false} : vector<4001x128xf32>, vector<128x128xf32>, vector<4001x128xf32> -> vector<4001x128xf32>
    %get3A_9 = arith.constant 0 : index
    %get3A_10 = arith.constant 0 : index
    %get3A_11 = vector.load %arg3[%get3A_9, %get3A_10] : memref<1x128xf32, #tpu.memory_space<vmem>>, vector<1x128xf32>
    %add3A = vector.broadcast %get3A_11 : vector<1x128xf32> to vector<4001x128xf32>
    %add3A_12 = arith.addf %dot_general3A_8, %add3A : vector<4001x128xf32>
    %dot_general3A_13 = arith.constant dense<0.000000e+00> : vector<4001x128xf32>
    %dot_general3A_14 = tpu.matmul %add3A_12, %get3A_4, %dot_general3A_13 {dimension_numbers = #tpu.dot_dimension_numbers<[1], [1], [0], [0], [0, 0, 1, 0], [], []>, transpose_lhs_hint = false} : vector<4001x128xf32>, vector<128x128xf32>, vector<4001x128xf32> -> vector<4001x128xf32>
    %swap3A = arith.constant 0 : index
    %swap3A_15 = arith.constant 0 : index
    %swap3A_16 = vector.load %arg10[%swap3A, %swap3A_15] : memref<4001x128xf32, #tpu.memory_space<vmem>>, vector<4001x128xf32>
    tpu.vector_store %arg10[%swap3A, %swap3A_15], %dot_general3A_14 {strides = array<i32>} : memref<4001x128xf32, #tpu.memory_space<vmem>>, vector<4001x128xf32>,
    %get3A_17 = arith.constant 0 : index
    %get3A_18 = arith.constant 0 : index
    %get3A_19 = vector.load %arg4[%get3A_17, %get3A_18] : memref<128x128xf32, #tpu.memory_space<vmem>>, vector<128x128xf32>
    %dot_general3A_20 = arith.constant dense<0.000000e+00> : vector<4001x128xf32>
    %dot_general3A_21 = tpu.matmul %get3A_1, %get3A_19, %dot_general3A_20 {dimension_numbers = #tpu.dot_dimension_numbers<[1], [1], [0], [0], [0, 0, 1, 0], [], []>, transpose_lhs_hint = false} : vector<4001x128xf32>, vector<128x128xf32>, vector<4001x128xf32> -> vector<4001x128xf32>
    %get3A_22 = arith.constant 0 : index
    %get3A_23 = arith.constant 0 : index
    %get3A_24 = vector.load %arg5[%get3A_22, %get3A_23] : memref<1x128xf32, #tpu.memory_space<vmem>>, vector<1x128xf32>
    %add3A_25 = vector.broadcast %get3A_24 : vector<1x128xf32> to vector<4001x128xf32>
    %add3A_26 = arith.addf %dot_general3A_21, %add3A_25 : vector<4001x128xf32>
    %dot_general3A_27 = arith.constant dense<0.000000e+00> : vector<4001x128xf32>
    %dot_general3A_28 = tpu.matmul %add3A_26, %get3A_4, %dot_general3A_27 {dimension_numbers = #tpu.dot_dimension_numbers<[1], [1], [0], [0], [0, 0, 1, 0], [], []>, transpose_lhs_hint = false} : vector<4001x128xf32>, vector<128x128xf32>, vector<4001x128xf32> -> vector<4001x128xf32>
    %swap3A_29 = arith.constant 0 : index
    %swap3A_30 = arith.constant 0 : index
    %swap3A_31 = vector.load %arg11[%swap3A_29, %swap3A_30] : memref<4001x128xf32, #tpu.memory_space<vmem>>, vector<4001x128xf32>
    tpu.vector_store %arg11[%swap3A_29, %swap3A_30], %dot_general3A_28 {strides = array<i32>} : memref<4001x128xf32, #tpu.memory_space<vmem>>, vector<4001x128xf32>,
    %get3A_32 = arith.constant 0 : index
    %get3A_33 = arith.constant 0 : index
    %get3A_34 = vector.load %arg6[%get3A_32, %get3A_33] : memref<128x128xf32, #tpu.memory_space<vmem>>, vector<128x128xf32>
    %dot_general3A_35 = arith.constant dense<0.000000e+00> : vector<4001x128xf32>
    %dot_general3A_36 = tpu.matmul %get3A_1, %get3A_34, %dot_general3A_35 {dimension_numbers = #tpu.dot_dimension_numbers<[1], [1], [0], [0], [0, 0, 1, 0], [], []>, transpose_lhs_hint = false} : vector<4001x128xf32>, vector<128x128xf32>, vector<4001x128xf32> -> vector<4001x128xf32>
    %get3A_37 = arith.constant 0 : index
    %get3A_38 = arith.constant 0 : index
    %get3A_39 = vector.load %arg7[%get3A_37, %get3A_38] : memref<1x128xf32, #tpu.memory_space<vmem>>, vector<1x128xf32>
    %add3A_40 = vector.broadcast %get3A_39 : vector<1x128xf32> to vector<4001x128xf32>
    %add3A_41 = arith.addf %dot_general3A_36, %add3A_40 : vector<4001x128xf32>
    %dot_general3A_42 = arith.constant dense<0.000000e+00> : vector<4001x128xf32>
    %dot_general3A_43 = tpu.matmul %add3A_41, %get3A_4, %dot_general3A_42 {dimension_numbers = #tpu.dot_dimension_numbers<[1], [1], [0], [0], [0, 0, 1, 0], [], []>, transpose_lhs_hint = false} : vector<4001x128xf32>, vector<128x128xf32>, vector<4001x128xf32> -> vector<4001x128xf32>
    %swap3A_44 = arith.constant 0 : index
    %swap3A_45 = arith.constant 0 : index
    %swap3A_46 = vector.load %arg12[%swap3A_44, %swap3A_45] : memref<4001x128xf32, #tpu.memory_space<vmem>>, vector<4001x128xf32>
    tpu.vector_store %arg12[%swap3A_44, %swap3A_45], %dot_general3A_43 {strides = array<i32>} : memref<4001x128xf32, #tpu.memory_space<vmem>>, vector<4001x128xf32>,
    %get3A_47 = arith.constant 0 : index
    %get3A_48 = arith.constant 0 : index
    %get3A_49 = vector.load %arg1[%get3A_47, %get3A_48] : memref<500x128xf32, #tpu.memory_space<vmem>>, vector<500x128xf32>
    %dot_general3A_50 = arith.constant dense<0.000000e+00> : vector<500x128xf32>
    %dot_general3A_51 = tpu.matmul %get3A_49, %get3A_4, %dot_general3A_50 {dimension_numbers = #tpu.dot_dimension_numbers<[1], [1], [0], [0], [0, 0, 1, 0], [], []>, transpose_lhs_hint = false} : vector<500x128xf32>, vector<128x128xf32>, vector<500x128xf32> -> vector<500x128xf32>
    %get3A_52 = arith.constant 0 : index
    %get3A_53 = arith.constant 0 : index
    %get3A_54 = vector.load %arg9[%get3A_52, %get3A_53] : memref<1x128xf32, #tpu.memory_space<vmem>>, vector<1x128xf32>
    %add3A_55 = vector.broadcast %get3A_54 : vector<1x128xf32> to vector<500x128xf32>
    %add3A_56 = arith.addf %dot_general3A_51, %add3A_55 : vector<500x128xf32>
    %swap3A_57 = arith.constant 0 : index
    %swap3A_58 = arith.constant 0 : index
    %swap3A_59 = vector.load %arg13[%swap3A_57, %swap3A_58] : memref<500x128xf32, #tpu.memory_space<vmem>>, vector<500x128xf32>
    tpu.vector_store %arg13[%swap3A_57, %swap3A_58], %add3A_56 {strides = array<i32>} : memref<500x128xf32, #tpu.memory_space<vmem>>, vector<500x128xf32>,
    return
  }
}

module attributes {stable_mosaic.version = 14 : i64} {
  func.func @_node_tables_body(%arg0: i32, %arg1: memref<1000x128xf32, #tpu.memory_space<vmem>>, %arg2: memref<128x128xf32, #tpu.memory_space<vmem>>, %arg3: memref<1x128xf32, #tpu.memory_space<vmem>>, %arg4: memref<1000x128xf32, #tpu.memory_space<vmem>>, %arg5: memref<1000x128xf32, #tpu.memory_space<vmem>>) attributes {dimension_semantics = [#tpu.dimension_semantics<arbitrary>], iteration_bounds = array<i64: 10>, scalar_prefetch = 0 : i64, scratch_operands = 0 : i64, tpu.core_type = #tpu.core_type<tc>, window_params = [{transform_indices = @transform_0, window_bounds = array<i64: 1000, 128>}, {pipeline_mode = #tpu.pipeline_mode<synchronous>, transform_indices = @transform_1, window_bounds = array<i64: 128, 128>}, {pipeline_mode = #tpu.pipeline_mode<synchronous>, transform_indices = @transform_2, window_bounds = array<i64: 1, 128>}, {transform_indices = @transform_3, window_bounds = array<i64: 1000, 128>}, {transform_indices = @transform_4, window_bounds = array<i64: 1000, 128>}]} {
    %get3A = arith.constant 0 : index
    %get3A_0 = arith.constant 0 : index
    %get3A_1 = vector.load %arg1[%get3A, %get3A_0] : memref<1000x128xf32, #tpu.memory_space<vmem>>, vector<1000x128xf32>
    %get3A_2 = arith.constant 0 : index
    %get3A_3 = arith.constant 0 : index
    %get3A_4 = vector.load %arg2[%get3A_2, %get3A_3] : memref<128x128xf32, #tpu.memory_space<vmem>>, vector<128x128xf32>
    %dot_general3A = arith.constant dense<0.000000e+00> : vector<1000x128xf32>
    %dot_general3A_5 = tpu.matmul %get3A_1, %get3A_4, %dot_general3A {dimension_numbers = #tpu.dot_dimension_numbers<[1], [1], [0], [0], [0, 0, 1, 0], [], []>, transpose_lhs_hint = false} : vector<1000x128xf32>, vector<128x128xf32>, vector<1000x128xf32> -> vector<1000x128xf32>
    %swap3A = arith.constant 0 : index
    %swap3A_6 = arith.constant 0 : index
    %swap3A_7 = vector.load %arg4[%swap3A, %swap3A_6] : memref<1000x128xf32, #tpu.memory_space<vmem>>, vector<1000x128xf32>
    tpu.vector_store %arg4[%swap3A, %swap3A_6], %dot_general3A_5 {strides = array<i32>} : memref<1000x128xf32, #tpu.memory_space<vmem>>, vector<1000x128xf32>,
    %get3A_8 = arith.constant 0 : index
    %get3A_9 = arith.constant 0 : index
    %get3A_10 = vector.load %arg3[%get3A_8, %get3A_9] : memref<1x128xf32, #tpu.memory_space<vmem>>, vector<1x128xf32>
    %mul3A = vector.broadcast %get3A_10 : vector<1x128xf32> to vector<1000x128xf32>
    %mul3A_11 = arith.mulf %get3A_1, %mul3A : vector<1000x128xf32>
    %swap3A_12 = arith.constant 0 : index
    %swap3A_13 = arith.constant 0 : index
    %swap3A_14 = vector.load %arg5[%swap3A_12, %swap3A_13] : memref<1000x128xf32, #tpu.memory_space<vmem>>, vector<1000x128xf32>
    tpu.vector_store %arg5[%swap3A_12, %swap3A_13], %mul3A_11 {strides = array<i32>} : memref<1000x128xf32, #tpu.memory_space<vmem>>, vector<1000x128xf32>,
    return
  }
  func.func @transform_0(%arg0: i32) -> (i32, i32) {
    %c0_i32 = arith.constant 0 : i32
    %c0_i32_0 = arith.constant 0 : i32
    return %arg0, %c0_i32 : i32, i32
  }
  func.func @transform_1(%arg0: i32) -> (i32, i32) {
    %c0_i32 = arith.constant 0 : i32
    %c0_i32_0 = arith.constant 0 : i32
    %c0_i32_1 = arith.constant 0 : i32
    return %c0_i32, %c0_i32_0 : i32, i32
  }
  func.func @transform_2(%arg0: i32) -> (i32, i32) {
    %c0_i32 = arith.constant 0 : i32
    %c0_i32_0 = arith.constant 0 : i32
    %c0_i32_1 = arith.constant 0 : i32
    return %c0_i32, %c0_i32_0 : i32, i32
  }
  func.func @transform_3(%arg0: i32) -> (i32, i32) {
    %c0_i32 = arith.constant 0 : i32
    %c0_i32_0 = arith.constant 0 : i32
    return %arg0, %c0_i32 : i32, i32
  }
  func.func @transform_4(%arg0: i32) -> (i32, i32) {
    %c0_i32 = arith.constant 0 : i32
    %c0_i32_0 = arith.constant 0 : i32
    return %arg0, %c0_i32 : i32, i32
  }
}

module attributes {stable_mosaic.version = 14 : i64} {
  func.func @_finalize_body(%arg0: i32, %arg1: memref<1000x256xf32, #tpu.memory_space<vmem>>, %arg2: memref<1000x256xf32, #tpu.memory_space<vmem>>, %arg3: memref<1000x256xf32, #tpu.memory_space<vmem>>) attributes {dimension_semantics = [#tpu.dimension_semantics<arbitrary>], iteration_bounds = array<i64: 10>, scalar_prefetch = 0 : i64, scratch_operands = 0 : i64, tpu.core_type = #tpu.core_type<tc>, window_params = [{transform_indices = @transform_0, window_bounds = array<i64: 1000, 256>}, {transform_indices = @transform_1, window_bounds = array<i64: 1000, 256>}, {transform_indices = @transform_2, window_bounds = array<i64: 1000, 256>}]} {
    %get3A = arith.constant 0 : index
    %get3A_0 = arith.constant 0 : index
    %get3A_1 = vector.load %arg1[%get3A, %get3A_0] : memref<1000x256xf32, #tpu.memory_space<vmem>>, vector<1000x256xf32>
    %get3A_2 = arith.constant 0 : index
    %get3A_3 = arith.constant 0 : index
    %get3A_4 = vector.load %arg2[%get3A_2, %get3A_3] : memref<1000x256xf32, #tpu.memory_space<vmem>>, vector<1000x256xf32>
    %add3A = arith.constant 9.99999971E-10 : f32
    %add3A_5 = vector.broadcast %add3A : f32 to vector<1000x256xf32>
    %add3A_6 = arith.addf %get3A_4, %add3A_5 : vector<1000x256xf32>
    %div3A = arith.divf %get3A_1, %add3A_6 : vector<1000x256xf32>
    %ge3A = arith.constant 0.000000e+00 : f32
    %ge3A_7 = vector.broadcast %ge3A : f32 to vector<1000x256xf32>
    %ge3A_8 = arith.cmpf oge, %div3A, %ge3A_7 : vector<1000x256xf32>
    %mul3A = arith.constant 0.00999999977 : f32
    %mul3A_9 = vector.broadcast %mul3A : f32 to vector<1000x256xf32>
    %mul3A_10 = arith.mulf %mul3A_9, %div3A : vector<1000x256xf32>
    %select_n3A = arith.select %ge3A_8, %div3A, %mul3A_10 : vector<1000x256xi1>, vector<1000x256xf32>
    %swap3A = arith.constant 0 : index
    %swap3A_11 = arith.constant 0 : index
    %swap3A_12 = vector.load %arg3[%swap3A, %swap3A_11] : memref<1000x256xf32, #tpu.memory_space<vmem>>, vector<1000x256xf32>
    tpu.vector_store %arg3[%swap3A, %swap3A_11], %select_n3A {strides = array<i32>} : memref<1000x256xf32, #tpu.memory_space<vmem>>, vector<1000x256xf32>,
    return
  }
  func.func @transform_0(%arg0: i32) -> (i32, i32) {
    %c0_i32 = arith.constant 0 : i32
    %c0_i32_0 = arith.constant 0 : i32
    return %arg0, %c0_i32 : i32, i32
  }
  func.func @transform_1(%arg0: i32) -> (i32, i32) {
    %c0_i32 = arith.constant 0 : i32
    %c0_i32_0 = arith.constant 0 : i32
    return %arg0, %c0_i32 : i32, i32
  }
  func.func @transform_2(%arg0: i32) -> (i32, i32) {
    %c0_i32 = arith.constant 0 : i32
    %c0_i32_0 = arith.constant 0 : i32
    return %arg0, %c0_i32 : i32, i32
  }
}

</mosaic_0001>

<sc_bundles>
// kernel: gather_offload_async_start
scs
__scs_entry_jumppad:
0x0: {  	(pc) =	sbr.rel $0x88, $3  }
0x1: {  	(tag) =	ssettag $0x0;
	lr =	simm.s32 $0x1  }
0x2: {  	[smem:$0x3F8F] =	sst lr;
	_ =	strace $0xD0000000  }
0x3: {  	_ = 	snop  }
0x4: {  	_ = 	snop  }
0x5: {  	_ = 	snop  }
0x6: {  	_ = 	snop  }
0x7: {  	_ = 	snop  }
__scs_overlays_trampoline_lowered:
0x8: {  	[smem:$0x3F9E] =	sst s0  }
0x9: {  	[smem:$0x3F9F] =	sst s1  }
0xa: {  	[smem:$0x3FA0] =	sst s2  }
0xb: {  	[smem:$0x3FA1] =	sst s3  }
0xc: {  	[smem:$0x3FA2] =	sst s4  }
0xd: {  	[smem:$0x3FA3] =	sst s5  }
0xe: {  	[smem:$0x3FA4] =	sst s6  }
0xf: {  	[smem:$0x3FA5] =	sst s7  }
0x10: {  	[smem:$0x3FA6] =	sst s8  }
0x11: {  	[smem:$0x3FA7] =	sst s9;
	s0 =	simm.s32 @!p0 $0x0  }
0x12: {  	s1 =	sld [smem:$0x3F8D];
	s0 =	simm.s32 @p0 $0x1  }
0x13: {  	[smem:$0x3FA8] =	sst s0;
	s0 =	simm.s32 @!p1 $0x0  }
0x14: {  	s2 =	sld [smem:$0x3F8C];
	s0 =	simm.s32 @p1 $0x1  }
0x15: {  	[smem:$0x3FA9] =	sst s0;
	s0 =	simm.s32 @!p2 $0x0  }
0x16: {  	s3 =	sld [smem:$0x3FDB];
	s0 =	simm.s32 @p2 $0x1  }
0x17: {  	s4 =	simm.s32 $0x1BF5;
	[smem:$0x3FAB] =	sst s0  }
0x18: {  	s0 =	sld [smem:$0x3F8E];
	_ =	swait.ge [sflag:s4], $0x0  }
0x19: {  	s7 =	sld [smem:$0x3F8F]  }
0x1a: {  	s8 =	sadd.s32 $0xFFFFE003, lr  }
0x1b: {  	s9 =	sadd.s32 $0xFFFFFEF7, lr;
	s5 =	simm.s32 $0xFFFFFFFF;
	p2 =	slt.u32 s8, $0xFFFFF086  }
0x1c: {  	p1 =	slt.u32 s9, $0xF7A;
	s5 =	simm.s32 @!p2 $0x0  }
0x1d: {  	s5 =	simm.s32 @p1 $0x1;
	p0 =	seq.s32 s7, s2  }
0x1e: {  	s7 =	smul.u32 @!p0 $0xF7A, s2;
	p2 =	seq.s32 @!p0 s5, $0x0  }
0x1f: {  	s9 =	smul.u32 $0xF7A, s1;
	s8 =	simm.s32 @!p0 $0x1BF5;
	p2 =	por !p2, p0  }
0x20: {  	[sflag:s8] =	ssyncset.s32 @!p0 $0xFFFFF086;
	s6 =	sadd.s32 @!p0 s3, s7;
	s7 =	simm.s32 @!p0 $0x108  }
0x21: {  	s3 =	sadd.s32 s3, s9;
	s6 =	sadd.s32 @!p0 $0x88, s6;
	s7 =	simm.s32 @p2 $0x1082  }
0x22: {  	[simem:s7], [sflag:s8] =	dma.local @!p0 [hbm:s6], $0xF7A  }
0x23: {  	s9 =	sor.u32 $0xD0000000, s2;
	s6 =	simm.s32 $0x108;
	_ =	swait.ge @!p0 [sflag:s8], $0x0  }
0x24: {  	s3 =	sadd.s32 $0x88, s3;
	s6 =	simm.s32 @!p1 $0x1082;
	[sflag:s4] =	ssyncset.s32 $0xFFFFF086  }
0x25: {  	[simem:s6], [sflag:s4] =	dma.local [hbm:s3], $0xF7A  }
0x26: {  	[smem:$0x3F8F] =	sst s1;
	(tag) =	ssettag s2;
	_ =	strace s9  }
0x27: {  	s1 =	sld [smem:$0x3F9F]  }
0x28: {  	s2 =	sld [smem:$0x3FA0]  }
0x29: {  	s4 =	sld [smem:$0x3FA2]  }
0x2a: {  	p0 =	seq.s32 s5, $0x0;
	s5 =	sld [smem:$0x3FA3]  }
0x2b: {  	s6 =	sld [smem:$0x3FA4]  }
0x2c: {  	s7 =	sld [smem:$0x3FA5]  }
0x2d: {  	s3 =	simm.s32 $0x108;
	s8 =	sld [smem:$0x3FA6]  }
0x2e: {  	s3 =	simm.s32 @!p0 $0x1082;
	s9 =	sld [smem:$0x3FA7]  }
0x2f: {  	lr =	sadd.s32 s0, s3;
	s0 =	sld [smem:$0x3F9E]  }
0x30: {  	s3 =	sld [smem:$0x3FA1]  }
0x31: {  	[smem:$0x3FAA] =	sst s10  }
0x32: {  	s10 =	sld [smem:$0x3FA8];
	_ =	sdelay $0x3  }
0x33: {  	p0 =	seq.s32 s10, $0x1;
	s10 =	sld [smem:$0x3FAA];
	_ =	sdelay $0x3  }
0x34: {  	[smem:$0x3FAA] =	sst s10  }
0x35: {  	s10 =	sld [smem:$0x3FA9];
	_ =	sdelay $0x3  }
0x36: {  	p1 =	seq.s32 s10, $0x1;
	s10 =	sld [smem:$0x3FAA];
	_ =	sdelay $0x3  }
0x37: {  	[smem:$0x3FAA] =	sst s10  }
0x38: {  	s10 =	sld [smem:$0x3FAB]  }
0x39: {  	_ = 	snop;
	(pc) =	sbr.ind lr, $3  }
0x3a: {  	_ = 	snop  }
0x3b: {  	_ = 	snop  }
0x3c: {  	p2 =	seq.s32 s10, $0x1;
	s10 =	sld [smem:$0x3FAA]  }
0x3d: {  	_ =	shalt  }
0x3e: {  	_ =	shalt  }
0x3f: {  	_ =	shalt  }
0x40: {  	_ =	shalt  }
0x41: {  	_ =	shalt  }
0x42: {  	_ =	shalt  }
0x43: {  	_ =	shalt  }
0x44: {  	_ =	shalt  }
0x45: {  	_ =	shalt  }
0x46: {  	_ =	shalt  }
0x47: {  	_ =	shalt  }
0x48: {  	_ =	shalt  }
0x49: {  	_ =	shalt  }
0x4a: {  	_ =	shalt  }
0x4b: {  	_ =	shalt  }
0x4c: {  	_ =	shalt  }
0x4d: {  	_ =	shalt  }
0x4e: {  	_ =	shalt  }
0x4f: {  	_ =	shalt  }
0x50: {  	_ =	shalt  }
0x51: {  	_ =	shalt  }
0x52: {  	_ =	shalt  }
0x53: {  	_ =	shalt  }
0x54: {  	_ =	shalt  }
0x55: {  	_ =	shalt  }
0x56: {  	_ =	shalt  }
0x57: {  	_ =	shalt  }
0x58: {  	_ =	shalt  }
0x59: {  	_ =	shalt  }
0x5a: {  	_ =	shalt  }
0x5b: {  	_ =	shalt  }
0x5c: {  	_ =	shalt  }
0x5d: {  	_ =	shalt  }
0x5e: {  	_ =	shalt  }
0x5f: {  	_ =	shalt  }
0x60: {  	_ =	shalt  }
0x61: {  	_ =	shalt  }
0x62: {  	_ =	shalt  }
0x63: {  	_ =	shalt  }
0x64: {  	_ =	shalt  }
0x65: {  	_ =	shalt  }
0x66: {  	_ =	shalt  }
0x67: {  	_ =	shalt  }
0x68: {  	_ =	shalt  }
0x69: {  	_ =	shalt  }
0x6a: {  	_ =	shalt  }
0x6b: {  	_ =	shalt  }
0x6c: {  	_ =	shalt  }
0x6d: {  	_ =	shalt  }
0x6e: {  	_ =	shalt  }
0x6f: {  	_ =	shalt  }
0x70: {  	_ =	shalt  }
0x71: {  	_ =	shalt  }
0x72: {  	_ =	shalt  }
0x73: {  	_ =	shalt  }
0x74: {  	_ =	shalt  }
0x75: {  	_ =	shalt  }
0x76: {  	_ =	shalt  }
0x77: {  	_ =	shalt  }
0x78: {  	_ =	shalt  }
0x79: {  	_ =	shalt  }
0x7a: {  	_ =	shalt  }
0x7b: {  	_ =	shalt  }
0x7c: {  	_ =	shalt  }
0x7d: {  	_ =	shalt  }
0x7e: {  	_ =	shalt  }
0x7f: {  	_ =	shalt  }
0x80: {  	_ =	shalt  }
0x81: {  	_ =	shalt  }
0x82: {  	_ =	shalt  }
0x83: {  	_ =	shalt  }
0x84: {  	_ =	shalt  }
0x85: {  	_ =	shalt  }
0x86: {  	_ =	shalt  }
0x87: {  	_ =	shalt  }
.Lfunc_end0:
.L_simem_size_0:
called_computation_lowered:
.L_overlay_start_0:
0x88: {  	s0 =	sld [smem:$0x3FD9]  }
0x89: {  	s1 =	sld [smem:$0x3FFE];
	_ =	sdelay $0x3  }
0x8a: {  	s0 =	sadd.s32 s1, s0  }
0x8b: {  	[smem:$0x3FB6] =	sst s0  }
0x8c: {  	_ = 	snop  }
0x8d: {  	s0 =	sld [smem:$0x3FC4]  }
0x8e: {  	s16 =	sld [smem:$0x3FD0];
	(tm) =	ssettm $0x1  }
0x8f: {  	s2 =	sld [smem:$0x3FFB];
	_ =	sdelay $0x3  }
0x90: {  	_ =	strace s2  }
0x91: {  	s2 =	sld [smem:$0x3FFC];
	_ =	sdelay $0x3  }
0x92: {  	_ =	strace s2  }
0x93: {  	s2 =	sld [smem:$0x3FFD];
	_ =	sdelay $0x3  }
0x94: {  	_ =	strace s2  }
0x95: {  	_ =	strace $0x8FFFFFFF  }
0x96: {  	s17 =	sld [smem:$0x3FDB];
	_ =	sdelay $0x1  }
0x97: {  	s3 =	simm.s32 $_scs_section_size  }
0x98: {  	s4 =	simm.s32 $_size__tile_overlayer_lowered;
	s5 =	simm.s32 $_tile_overlayer_lowered  }
0x99: {  	s20 =	simm.s32 $0x1BFF;
	s19 =	sshll.u32 s5, $0x1;
	s2 =	sadd.s32 s3, s17  }
0x9a: {  	s6 =	simm.s32 $0x0;
	s18 =	sshll.u32 s4, $0x1;
	s4 =	sadd.s32 s19, s2  }
0x9b: {  	[timem:s6], [sflag:s20] =	dma.local [hbm:s4], s18  }
0x9c: {  	_ =	swait.ge [sflag:s20], s18  }
0x9d: {  	s3 =	ssub.s32 $0x0, s18;
	[sflag:s20] =	ssyncset.done $0x0  }
0x9e: {  	[sflag:s20] =	ssyncadd.s32 s3;
	_ =	sdelay $0x1  }
0x9f: {  	s21 =	simm.s32 $0x1B8B  }
0xa0: {  	_ =	swait.ge [sflag:s21], $0x1  }
0xa1: {  	[sflag:s21] =	ssyncset.done $0x0  }
0xa2: {  	s23 =	simm.s32 $0x1B8E;
	s22 =	sld [smem:$0x3FFE];
	[sflag:s21] =	ssyncadd.s32 $0xFFFFFFFF  }
0xa3: {  	s24 =	simm.s32 $execute0_lowered;
	[smem:$0x3FD2] =	sst s23  }
0xa4: {  	s4 =	sshll.u32 s24, $0x1;
	_ =	strace $0x80000046;
	[dreg:$0x1] =	wrdreg $0xFFFFFFFF  }
0xa5: {  	s25 =	simm.s32 $_size_execute0_lowered;
	s2 =	sadd.s32 s2, s4;
	[dreg:$0x0] =	wrdreg $0x0  }
0xa6: {  	s4 =	sshll.u32 s25, $0x1;
	[dreg:$0x2] =	wrdreg s2  }
0xa7: {  	[dreg:$0x3] =	wrdreg s4  }
0xa8: {  	[dreg:$0x4] =	wrdreg $0xC0  }
0xa9: {  	_ =	task [dreg:s6], $0x5FFFF  }
0xaa: {  	[dreg:$0x1] =	wrdreg $0xFFFFFFFF  }
0xab: {  	[dreg:$0x0] =	wrdreg $0x60  }
0xac: {  	[dreg:$0x2] =	wrdreg s0  }
0xad: {  	[dreg:$0x3] =	wrdreg s22  }
0xae: {  	[dreg:$0x4] =	wrdreg s16  }
0xaf: {  	[dreg:$0x5] =	wrdreg $0x9  }
0xb0: {  	_ =	task.clear_ibuf [dreg:s6], $0x6FFFF;
	_ =	strace $0x90000046  }
0xb1: {  	s26 =	simm.s32 $0x9;
	_ =	strace $0x80000048  }
0xb2: {  	_ =	swait.ge [sflag:s26], $0x1  }
0xb3: {  	[sflag:s26] =	ssyncadd.s32 $0xFFFFFFFF  }
0xb4: {  	_ =	strace $0x90000048  }
0xb5: {  	_ =	sfence  }
0xb6: {  	s28 =	sld [smem:$0x0];
	_ =	sdelay $0x1  }
0xb7: {  	s29 =	srdreg.scid  }
0xb8: {  	s30 =	sshll.u32 s29, $0xD;
	s31 =	sshrl.u32 s29, $0x2  }
0xb9: {  	s1 =	sand.u32 $0x1, s29;
	s2 =	sand.u32 $0x4000, s30;
	s0 =	sadd.s32 s31, s28  }
0xba: {  	s1 =	sor.u32 s2, s1;
	s0 =	sshll.u32 s0, $0x11  }
0xbb: {  	s0 =	sor.u32 s0, s1  }
0xbc: {  	s0 =	sadd.s32 $0x8F2B, s0  }
0xbd: {  	[sflag:s0] =	ssyncadd.remote.s32 $0x1  }
0xbe: {  	_ =	sfence.sel $0xFFFF  }
0xbf: {  	[dreg:$0x0] =	wrdreg $0xFFFFFFFF;
	(pc) =	sbr.abs _section_cstart, $3  }
0xc0: {  	[dreg:$0x1] =	wrdreg $0xFFFFFFFF  }
0xc1: {  	_ =	task.clear_ibuf [dreg:s6], $0x2FFFF;
	_ =	strace $0x9FFFFFFF  }
0xc2: {  	(tm) =	ssettm $0x7FFFFFFF  }
0xc3: {  	_ =	shalt  }
tec
execute0_lowered:
.L_overlay_start_1:
0x0: {  	(tag) =	ssettag $0x1  }
0x1: {  	s0 =	stileid.u32  }
0x2: {  	s1 =	smin.u32 s0, $0x9  }
0x3: {  	s1 =	sadd.s32 s0, s1  }
0x4: {  	s2 =	simm.s32 $0x320;
	p0 =	slt.u32 s0, $0x9;
	s1 =	smul.u32 $0x190, s1  }
0x5: {  	s2 =	simm.s32 @!p0 $0x190  }
0x6: {  	s2 =	sadd.s32 s2, s1  }
0x7: {  	s3 =	smin.u32 s2, $0x2710  }
0x8: {  	s7 =	ssub.s32 s3, s1  }
0x9: {  	p0 =	sgt.s32 s7, $0x0  }
0xa: {  	s7 =	simm.s32 @!p0 $0x0  }
0xb: {  	s31 =	sand.u32 $0xFFF0, s7  }
0xc: {  	s4 =	rddreg [dreg:$0x0];
	s2 =	sshrl.u32 s31, $0x4  }
0xd: {  	s9 =	rddreg [dreg:$0x1];
	s2 =	smul.u32 $0xA3E, s2  }
0xe: {  	s5 =	rddreg [dreg:$0x2]  }
0xf: {  	s6 =	simm.s32 $0x1;
	s11 =	simm.s32 $0x3;
	s8 =	sshrl.u32 s2, $0x10  }
0x10: {  	s13 =	simm.s32 $0x0;
	s12 =	simm.s32 $0x0;
	s10 =	smul.u32 $0x190, s8  }
.Ltmp0:
0x11: {  	s9 =	sadd.s32 $0x3000, s9;
	s2 =	rddreg [dreg:$0x3];
	(pc) =	sbr.rel .LBB2_1-.Ltmp0, $4  }
0x12: {  	_ =	strace $0x80000047;
	p0 =	sne.s32 s7, s10;
	s10 =	simm.s32 $0x1  }
0x13: {  	[sflag:s6] =	ssyncpa.u1 $0x0;
	s7 =	simm.s32 $0x2;
	s10 =	simm.s32 @!p0 $0x0  }
0x14: {  	[sflag:s7] =	ssyncpa.u1 $0x0;
	p0 =	por $0x0, $0x0;
	s8 =	sadd.s32 s8, s10  }
0x15: {  	vm0 =	vmmov $0xff;
	vm1 =	vcmask $0x3F20;
	[sflag:s11] =	ssyncpa.u1 $0x0;
	s11 =	smov.u32 s1;
	s10 =	sadd.s32 $0x1, s8  }
.LBB2_6:
0x16: {  	[hbm:s17] =	stream.linear.scatter [tilespmem:s14], [sflag:$0x3], $0x400, $0x38;
	[tilespmem:$0x19320] =	vst v63  }
.LBB2_7:
0x17: {  	s13 =	sadd.s32 $0x190, s11  }
0x18: {  	s15 =	smov.u32 s1;
	p2 =	slt.s32 s13, s3  }
0x19: {  	s15 =	smov.u32 @p2 s13;
	p2 =	sne.s32 s12, s10  }
.Ltmp1:
0x1a: {  	p1 =	slt.u32 s12, $0x2;
	(pc) =	sbr.rel @!p2 .LBB2_8-.Ltmp1, $4  }
0x1b: {  	s14 =	simm.s32 @!p1 $0x3  }
0x1c: {  	s16 =	sadd.s32 $0x1, s12;
	_ =	swait.ge @!p1 [sflag:s14], $0xC800  }
0x1d: {  	p0 =	por !p0, !p0;
	s13 =	smov.u32 s11;
	[sflag:s14] =	ssyncset.done @!p1 $0x0  }
0x1e: {  	s12 =	smov.u32 s16;
	s11 =	smov.u32 s15;
	[sflag:s14] =	ssyncadd.s32 @!p1 $0xFFFF3800  }
.LBB2_1:
0x1f: {  	p1 =	sge.u32 s12, s8  }
0x20: {  	s14 =	sxor.u32 @!p1 $0xFFFFFFFF, s12  }
0x21: {  	s14 =	sand.u32 @!p1 $0x1, s14  }
0x22: {  	s14 =	smul.u32 @!p1 $0x640, s14  }
0x23: {  	s31 =	sadd.s32 $0xFFFFFFFF, s12;
	s15 =	sshrl.u32 @!p1 s11, $0x3  }
0x24: {  	s16 =	sand.u32 @!p1 $0x7, s11;
	s15 =	sadd.s32 @!p1 s9, s15;
	s14 =	sshrl.u32 @!p1 s14, $0x2  }
0x25: {  	[tilespmem:s14], [sflag:$0x2] =	stream.linear.gather @!p1 [hbm4b:s15+s16], $0x190, $0x38;
	[tilespmem:$0x19320] =	vst v63  }
0x26: {  	p1 =	sge.u32 s31, s8  }
.Ltmp2:
0x27: {  	_ = 	snop;
	(pc) =	sbr.rel @p1 .LBB2_7-.Ltmp2, $1  }
0x28: {  	_ =	sdelay $0x3  }
0x29: {  	s14 =	simm.s32 $0x1  }
0x2a: {  	s14 =	simm.s32 @!p0 $0x0  }
0x2b: {  	s15 =	smul.u32 $0x640, s14  }
0x2c: {  	_ =	swait.ge [sflag:s7], $0x190  }
0x2d: {  	[sflag:s7] =	ssyncset.done $0x0;
	s16 =	sshrl.u32 s15, $0x2  }
0x2e: {  	[sflag:s7] =	ssyncadd.s32 $0xFFFFFE70;
	s15 =	sadd.s32 $0x0, s16  }
0x2f: {  	v0 =	vld.msk [tilespmem:s15+$0x0 ss:$0x1], $0xffff;
	_ =	sdelay $0x4  }
0x30: {  	vm2 =	vgt.s32 v0, $0x0  }
0x31: {  	v0 =	vnsel vm2, $0x0, v0  }
0x32: {  	v0 =	vmin.u32 v0, $0x270F  }
0x33: {  	v0 =	vshll.u32 v0, $0x4  }
0x34: {  	s14 =	smul.u32 $0x32000, s14;
	_ =	sdelay $0x1  }
0x35: {  	s14 =	sshrl.u32 s14, $0x2  }
0x36: {  	s14 =	sor.u32 $0x320, s14  }
0x37: {  	[tilespmem:s14], [sflag:$0x1] =	stream.indirect_vreg.gather [hbm:s4], $0x80, v0, vm0, $0x38;
	[tilespmem:$0x19320] =	vst v63  }
0x38: {  	s17 =	sadd.s32 $0x10, s16;
	s15 =	sadd.s32 $0x400, s14  }
0x39: {  	[tilespmem:s15], [sflag:$0x1] =	stream.indirect_vreg.gather [hbm:s4], $0x80, v0, vm1, $0x38;
	[tilespmem:$0x19320] =	vst v63  }
0x3a: {  	s18 =	simm.s32 $0x80;
	v0 =	vld.msk [tilespmem:s17+$0x0 ss:$0x1], $0xffff;
	s17 =	smov.u32 s14  }
.LBB2_3:
0x3b: {  	p1 =	sne.s32 s18, $0x600;
	_ =	sdelay $0x4  }
0x3c: {  	vm2 =	vgt.s32 v0, $0x0  }
0x3d: {  	v0 =	vnsel vm2, $0x0, v0  }
0x3e: {  	v0 =	vmin.u32 v0, $0x270F  }
0x3f: {  	v0 =	vshll.u32 v0, $0x4;
	_ =	sdelay $0x3  }
.Ltmp3:
0x40: {  	s19 =	sshra.s32 s18, $0x2;
	s17 =	sadd.s32 $0x800, s17;
	(pc) =	sbr.rel @p1 .LBB2_3-.Ltmp3, $4  }
0x41: {  	[tilespmem:s17], [sflag:$0x1] =	stream.indirect_vreg.gather [hbm:s4], $0x80, v0, vm0, $0x38;
	[tilespmem:$0x19320] =	vst v63  }
0x42: {  	s19 =	sadd.s32 s19, s16;
	s20 =	sadd.s32 $0x400, s17  }
0x43: {  	[tilespmem:s20], [sflag:$0x1] =	stream.indirect_vreg.gather [hbm:s4], $0x80, v0, vm1, $0x38;
	[tilespmem:$0x19320] =	vst v63  }
0x44: {  	s18 =	sadd.s32 $0x40, s18;
	v0 =	vld.msk [tilespmem:s19+$0x0 ss:$0x1], $0xffff  }
0x45: {  	_ =	sdelay $0x3  }
0x46: {  	vm2 =	vgt.s32 v0, $0x0  }
0x47: {  	v0 =	vnsel vm2, $0x0, v0  }
0x48: {  	v0 =	vmin.u32 v0, $0x270F  }
0x49: {  	v0 =	vshll.u32 v0, $0x4;
	_ =	sdelay $0x3  }
0x4a: {  	s16 =	sadd.s32 $0x800, s17  }
0x4b: {  	[tilespmem:s16], [sflag:$0x1] =	stream.indirect_vreg.gather [hbm:s4], $0x80, v0, vm0, $0x38;
	[tilespmem:$0x19320] =	vst v63  }
0x4c: {  	s16 =	sadd.s32 $0x400, s16  }
0x4d: {  	[tilespmem:s16], [sflag:$0x1] =	stream.indirect_vreg.gather [hbm:s4], $0x80, v0, vm1, $0x38;
	[tilespmem:$0x19320] =	vst v63  }
0x4e: {  	s13 =	sshll.u32 s13, $0x4;
	_ =	swait.ge [sflag:s6], $0xC800  }
0x4f: {  	s13 =	sadd.s32 s13, s5;
	[sflag:s6] =	ssyncset.done $0x0  }
0x50: {  	s17 =	sadd.s32 $0x0, s13;
	s16 =	simm.s32 $0x80;
	[sflag:s6] =	ssyncadd.s32 $0xFFFF3800  }
.LBB2_5:
0x51: {  	[hbm:s17] =	stream.linear.scatter [tilespmem:s14], [sflag:$0x3], $0x400, $0x38;
	[tilespmem:$0x19320] =	vst v63  }
0x52: {  	s17 =	smov.u32 s16;
	s14 =	smov.u32 s15;
	p1 =	sne.s32 s16, $0x1880  }
.Ltmp4:
0x53: {  	s16 =	sadd.s32 $0x80, s16;
	(pc) =	sbr.rel @p1 .LBB2_5-.Ltmp4, $2  }
0x54: {  	_ =	sdelay $0x2  }
0x55: {  	s15 =	sadd.s32 $0x400, s15;
	s17 =	sadd.s32 s17, s13  }
.Ltmp5:
0x56: {  	_ = 	snop;
	(pc) =	sbr.rel .LBB2_6-.Ltmp5, $1  }
0x57: {  	_ =	sdelay $0x3  }
.LBB2_8:
0x58: {  	_ =	sfence.sel $0x180000  }
0x59: {  	s1 =	simm.s32 $0x2;
	[bflag:$0x0] =	sbarrier.arrive $0xFFFF  }
0x5a: {  	s30 =	simm.s32 $0x3;
	[sflag:s1] =	ssyncpa.u1 $0x1  }
0x5b: {  	s31 =	simm.s32 $0x1;
	[sflag:s30] =	ssyncpa.u1 $0x1  }
0x5c: {  	[sflag:s31] =	ssyncpa.u1 $0x1  }
0x5d: {  	p0 =	sne.s32 s0, $0x0;
	_ =	strace $0x90000047  }
0x5e: {  	s0 =	sadd.s32 @!p0 $0x100000, s2;
	[bflag:$0x2] =	sbarrier.arrive $0xFFFF  }
0x5f: {  	[sflag:s0] =	ssyncadd.tile.s32 @!p0 $0x1;
	_ =	shalt  }
.Lfunc_end2:
_tile_overlayer_lowered:
.L_overlay_start_2:
0x60: {  	(tag) =	ssettag $0x2  }
0x61: {  	s0 =	rddreg [dreg:$0x0];
	s2 =	stileid.u32  }
0x62: {  	s1 =	rddreg [dreg:$0x1];
	p0 =	sne.s32 s2, $0x0  }
0x63: {  	s3 =	rddreg [dreg:$0x2];
	[bflag:$0x3] =	sbarrier.arrive $0xFFFF;
	s2 =	simm.s32 @!p0 $0x1C01  }
0x64: {  	[timem:s3], [sflag:s2] =	dma.local @!p0 [hbm:s0], s1  }
0x65: {  	s0 =	simm.s32 @!p0 $0x1  }
0x66: {  	_ =	swait.ge @!p0 [sflag:s0], s1  }
0x67: {  	s1 =	ssub.s32 @!p0 $0x0, s1;
	[sflag:s0] =	ssyncset.done @!p0 $0x0  }
0x68: {  	[sflag:s0] =	ssyncadd.s32 @!p0 s1  }
0x69: {  	[bflag:$0x3] =	sbarrier.arrive $0xFFFF  }
0x6a: {  	_ =	shalt  }

// kernel: kernel.6.cloned.1.call-start
scs
__scs_entry_jumppad:
0x0: {  	(pc) =	sbr.rel $0x88, $3  }
0x1: {  	(tag) =	ssettag $0x0;
	lr =	simm.s32 $0x1  }
0x2: {  	[smem:$0x3F8F] =	sst lr;
	_ =	strace $0xD0000000  }
0x3: {  	_ = 	snop  }
0x4: {  	_ = 	snop  }
0x5: {  	_ = 	snop  }
0x6: {  	_ = 	snop  }
0x7: {  	_ = 	snop  }
__scs_overlays_trampoline_lowered:
0x8: {  	[smem:$0x3F9E] =	sst s0  }
0x9: {  	[smem:$0x3F9F] =	sst s1  }
0xa: {  	[smem:$0x3FA0] =	sst s2  }
0xb: {  	[smem:$0x3FA1] =	sst s3  }
0xc: {  	[smem:$0x3FA2] =	sst s4  }
0xd: {  	[smem:$0x3FA3] =	sst s5  }
0xe: {  	[smem:$0x3FA4] =	sst s6  }
0xf: {  	[smem:$0x3FA5] =	sst s7  }
0x10: {  	[smem:$0x3FA6] =	sst s8  }
0x11: {  	[smem:$0x3FA7] =	sst s9;
	s0 =	simm.s32 @!p0 $0x0  }
0x12: {  	s1 =	sld [smem:$0x3F8D];
	s0 =	simm.s32 @p0 $0x1  }
0x13: {  	[smem:$0x3FA8] =	sst s0;
	s0 =	simm.s32 @!p1 $0x0  }
0x14: {  	s2 =	sld [smem:$0x3F8C];
	s0 =	simm.s32 @p1 $0x1  }
0x15: {  	[smem:$0x3FA9] =	sst s0;
	s0 =	simm.s32 @!p2 $0x0  }
0x16: {  	s3 =	sld [smem:$0x3FDB];
	s0 =	simm.s32 @p2 $0x1  }
0x17: {  	s4 =	simm.s32 $0x1BF5;
	[smem:$0x3FAB] =	sst s0  }
0x18: {  	s0 =	sld [smem:$0x3F8E];
	_ =	swait.ge [sflag:s4], $0x0  }
0x19: {  	s7 =	sld [smem:$0x3F8F]  }
0x1a: {  	s8 =	sadd.s32 $0xFFFFE003, lr  }
0x1b: {  	s9 =	sadd.s32 $0xFFFFFEF7, lr;
	s5 =	simm.s32 $0xFFFFFFFF;
	p2 =	slt.u32 s8, $0xFFFFF086  }
0x1c: {  	p1 =	slt.u32 s9, $0xF7A;
	s5 =	simm.s32 @!p2 $0x0  }
0x1d: {  	s5 =	simm.s32 @p1 $0x1;
	p0 =	seq.s32 s7, s2  }
0x1e: {  	s7 =	smul.u32 @!p0 $0xF7A, s2;
	p2 =	seq.s32 @!p0 s5, $0x0  }
0x1f: {  	s9 =	smul.u32 $0xF7A, s1;
	s8 =	simm.s32 @!p0 $0x1BF5;
	p2 =	por !p2, p0  }
0x20: {  	[sflag:s8] =	ssyncset.s32 @!p0 $0xFFFFF086;
	s6 =	sadd.s32 @!p0 s3, s7;
	s7 =	simm.s32 @!p0 $0x108  }
0x21: {  	s3 =	sadd.s32 s3, s9;
	s6 =	sadd.s32 @!p0 $0x88, s6;
	s7 =	simm.s32 @p2 $0x1082  }
0x22: {  	[simem:s7], [sflag:s8] =	dma.local @!p0 [hbm:s6], $0xF7A  }
0x23: {  	s9 =	sor.u32 $0xD0000000, s2;
	s6 =	simm.s32 $0x108;
	_ =	swait.ge @!p0 [sflag:s8], $0x0  }
0x24: {  	s3 =	sadd.s32 $0x88, s3;
	s6 =	simm.s32 @!p1 $0x1082;
	[sflag:s4] =	ssyncset.s32 $0xFFFFF086  }
0x25: {  	[simem:s6], [sflag:s4] =	dma.local [hbm:s3], $0xF7A  }
0x26: {  	[smem:$0x3F8F] =	sst s1;
	(tag) =	ssettag s2;
	_ =	strace s9  }
0x27: {  	s1 =	sld [smem:$0x3F9F]  }
0x28: {  	s2 =	sld [smem:$0x3FA0]  }
0x29: {  	s4 =	sld [smem:$0x3FA2]  }
0x2a: {  	p0 =	seq.s32 s5, $0x0;
	s5 =	sld [smem:$0x3FA3]  }
0x2b: {  	s6 =	sld [smem:$0x3FA4]  }
0x2c: {  	s7 =	sld [smem:$0x3FA5]  }
0x2d: {  	s3 =	simm.s32 $0x108;
	s8 =	sld [smem:$0x3FA6]  }
0x2e: {  	s3 =	simm.s32 @!p0 $0x1082;
	s9 =	sld [smem:$0x3FA7]  }
0x2f: {  	lr =	sadd.s32 s0, s3;
	s0 =	sld [smem:$0x3F9E]  }
0x30: {  	s3 =	sld [smem:$0x3FA1]  }
0x31: {  	[smem:$0x3FAA] =	sst s10  }
0x32: {  	s10 =	sld [smem:$0x3FA8];
	_ =	sdelay $0x3  }
0x33: {  	p0 =	seq.s32 s10, $0x1;
	s10 =	sld [smem:$0x3FAA];
	_ =	sdelay $0x3  }
0x34: {  	[smem:$0x3FAA] =	sst s10  }
0x35: {  	s10 =	sld [smem:$0x3FA9];
	_ =	sdelay $0x3  }
0x36: {  	p1 =	seq.s32 s10, $0x1;
	s10 =	sld [smem:$0x3FAA];
	_ =	sdelay $0x3  }
0x37: {  	[smem:$0x3FAA] =	sst s10  }
0x38: {  	s10 =	sld [smem:$0x3FAB]  }
0x39: {  	_ = 	snop;
	(pc) =	sbr.ind lr, $3  }
0x3a: {  	_ = 	snop  }
0x3b: {  	_ = 	snop  }
0x3c: {  	p2 =	seq.s32 s10, $0x1;
	s10 =	sld [smem:$0x3FAA]  }
0x3d: {  	_ =	shalt  }
0x3e: {  	_ =	shalt  }
0x3f: {  	_ =	shalt  }
0x40: {  	_ =	shalt  }
0x41: {  	_ =	shalt  }
0x42: {  	_ =	shalt  }
0x43: {  	_ =	shalt  }
0x44: {  	_ =	shalt  }
0x45: {  	_ =	shalt  }
0x46: {  	_ =	shalt  }
0x47: {  	_ =	shalt  }
0x48: {  	_ =	shalt  }
0x49: {  	_ =	shalt  }
0x4a: {  	_ =	shalt  }
0x4b: {  	_ =	shalt  }
0x4c: {  	_ =	shalt  }
0x4d: {  	_ =	shalt  }
0x4e: {  	_ =	shalt  }
0x4f: {  	_ =	shalt  }
0x50: {  	_ =	shalt  }
0x51: {  	_ =	shalt  }
0x52: {  	_ =	shalt  }
0x53: {  	_ =	shalt  }
0x54: {  	_ =	shalt  }
0x55: {  	_ =	shalt  }
0x56: {  	_ =	shalt  }
0x57: {  	_ =	shalt  }
0x58: {  	_ =	shalt  }
0x59: {  	_ =	shalt  }
0x5a: {  	_ =	shalt  }
0x5b: {  	_ =	shalt  }
0x5c: {  	_ =	shalt  }
0x5d: {  	_ =	shalt  }
0x5e: {  	_ =	shalt  }
0x5f: {  	_ =	shalt  }
0x60: {  	_ =	shalt  }
0x61: {  	_ =	shalt  }
0x62: {  	_ =	shalt  }
0x63: {  	_ =	shalt  }
0x64: {  	_ =	shalt  }
0x65: {  	_ =	shalt  }
0x66: {  	_ =	shalt  }
0x67: {  	_ =	shalt  }
0x68: {  	_ =	shalt  }
0x69: {  	_ =	shalt  }
0x6a: {  	_ =	shalt  }
0x6b: {  	_ =	shalt  }
0x6c: {  	_ =	shalt  }
0x6d: {  	_ =	shalt  }
0x6e: {  	_ =	shalt  }
0x6f: {  	_ =	shalt  }
0x70: {  	_ =	shalt  }
0x71: {  	_ =	shalt  }
0x72: {  	_ =	shalt  }
0x73: {  	_ =	shalt  }
0x74: {  	_ =	shalt  }
0x75: {  	_ =	shalt  }
0x76: {  	_ =	shalt  }
0x77: {  	_ =	shalt  }
0x78: {  	_ =	shalt  }
0x79: {  	_ =	shalt  }
0x7a: {  	_ =	shalt  }
0x7b: {  	_ =	shalt  }
0x7c: {  	_ =	shalt  }
0x7d: {  	_ =	shalt  }
0x7e: {  	_ =	shalt  }
0x7f: {  	_ =	shalt  }
0x80: {  	_ =	shalt  }
0x81: {  	_ =	shalt  }
0x82: {  	_ =	shalt  }
0x83: {  	_ =	shalt  }
0x84: {  	_ =	shalt  }
0x85: {  	_ =	shalt  }
0x86: {  	_ =	shalt  }
0x87: {  	_ =	shalt  }
.Lfunc_end0:
.L_simem_size_0:
called_computation.1_lowered:
.L_overlay_start_0:
0x88: {  	s2 =	sld [smem:$0x3FD9]  }
0x89: {  	s3 =	sld [smem:$0x3FFE];
	_ =	sdelay $0x1  }
0x8a: {  	s1 =	srdreg.scid  }
0x8b: {  	s0 =	sand.u32 $0x1, s1  }
0x8c: {  	s17 =	sshll.u32 s0, $0xA;
	s2 =	sadd.s32 s3, s2  }
0x8d: {  	s2 =	sadd.s32 s2, s17  }
0x8e: {  	[smem:$0x3FB6] =	sst s2  }
0x8f: {  	_ = 	snop  }
0x90: {  	s2 =	sld [smem:$0x3FC7]  }
0x91: {  	s18 =	sld [smem:$0x3FD0];
	(tm) =	ssettm $0x1  }
0x92: {  	s4 =	sld [smem:$0x3FFB];
	_ =	sdelay $0x3  }
0x93: {  	_ =	strace s4  }
0x94: {  	s4 =	sld [smem:$0x3FFC];
	_ =	sdelay $0x3  }
0x95: {  	_ =	strace s4  }
0x96: {  	s4 =	sld [smem:$0x3FFD];
	_ =	sdelay $0x3  }
0x97: {  	_ =	strace s4  }
0x98: {  	_ =	strace $0x8FFFFFFF  }
0x99: {  	s19 =	sld [smem:$0x3FDB];
	_ =	sdelay $0x1  }
0x9a: {  	s5 =	simm.s32 $_scs_section_size  }
0x9b: {  	s6 =	simm.s32 $_size__tile_overlayer_lowered;
	s7 =	simm.s32 $_tile_overlayer_lowered  }
0x9c: {  	s22 =	simm.s32 $0x1BFF;
	s21 =	sshll.u32 s7, $0x1;
	s4 =	sadd.s32 s5, s19  }
0x9d: {  	s8 =	simm.s32 $0x0;
	s20 =	sshll.u32 s6, $0x1;
	s6 =	sadd.s32 s21, s4  }
0x9e: {  	[timem:s8], [sflag:s22] =	dma.local [hbm:s6], s20  }
0x9f: {  	_ =	swait.ge [sflag:s22], s20  }
0xa0: {  	s5 =	ssub.s32 $0x0, s20;
	[sflag:s22] =	ssyncset.done $0x0  }
0xa1: {  	[sflag:s22] =	ssyncadd.s32 s5;
	_ =	sdelay $0x1  }
0xa2: {  	s23 =	simm.s32 $0x1B8B  }
0xa3: {  	_ =	swait.ge [sflag:s23], $0x1  }
0xa4: {  	[sflag:s23] =	ssyncset.done $0x0  }
0xa5: {  	s25 =	simm.s32 $0x1B8E;
	s24 =	sld [smem:$0x3FFE];
	[sflag:s23] =	ssyncadd.s32 $0xFFFFFFFF  }
0xa6: {  	s26 =	simm.s32 $execute0_lowered;
	[smem:$0x3FD2] =	sst s25  }
0xa7: {  	s6 =	sshll.u32 s26, $0x1;
	_ =	strace $0x80000049;
	[dreg:$0x1] =	wrdreg $0xFFFFFFFF  }
0xa8: {  	s28 =	simm.s32 $_size_execute0_lowered;
	s4 =	sadd.s32 s4, s6;
	[dreg:$0x0] =	wrdreg $0x0  }
0xa9: {  	s6 =	sshll.u32 s28, $0x1;
	[dreg:$0x2] =	wrdreg s4  }
0xaa: {  	[dreg:$0x3] =	wrdreg s6  }
0xab: {  	[dreg:$0x4] =	wrdreg $0xC0  }
0xac: {  	_ =	task [dreg:s8], $0x5FFFF  }
0xad: {  	[dreg:$0x1] =	wrdreg $0xFFFFFFFF  }
0xae: {  	[dreg:$0x0] =	wrdreg $0x60  }
0xaf: {  	[dreg:$0x2] =	wrdreg s18  }
0xb0: {  	[dreg:$0x3] =	wrdreg s24  }
0xb1: {  	[dreg:$0x4] =	wrdreg s2  }
0xb2: {  	[dreg:$0x5] =	wrdreg $0xB8800  }
0xb3: {  	[dreg:$0x6] =	wrdreg $0x9  }
0xb4: {  	_ =	task.clear_ibuf [dreg:s8], $0x7FFFF;
	_ =	strace $0x90000049  }
0xb5: {  	s29 =	simm.s32 $0x9;
	_ =	strace $0x8000004B  }
0xb6: {  	_ =	swait.ge [sflag:s29], $0x1  }
0xb7: {  	[sflag:s29] =	ssyncadd.s32 $0xFFFFFFFF  }
0xb8: {  	_ =	strace $0x9000004B  }
0xb9: {  	_ =	sfence  }
0xba: {  	s30 =	sld [smem:$0x0];
	_ =	sdelay $0x2  }
0xbb: {  	s31 =	sshll.u32 s1, $0xD;
	s1 =	sshrl.u32 s1, $0x2  }
0xbc: {  	s3 =	sand.u32 $0x4000, s31;
	s1 =	sadd.s32 s1, s30  }
0xbd: {  	s0 =	sor.u32 s3, s0;
	s1 =	sshll.u32 s1, $0x11  }
0xbe: {  	s0 =	sor.u32 s1, s0  }
0xbf: {  	s0 =	sadd.s32 $0x8F2B, s0  }
0xc0: {  	[sflag:s0] =	ssyncadd.remote.s32 $0x1  }
0xc1: {  	_ =	sfence.sel $0xFFFF  }
0xc2: {  	[dreg:$0x0] =	wrdreg $0xFFFFFFFF;
	(pc) =	sbr.abs _section_cstart, $3  }
0xc3: {  	[dreg:$0x1] =	wrdreg $0xFFFFFFFF  }
0xc4: {  	_ =	task.clear_ibuf [dreg:s8], $0x2FFFF;
	_ =	strace $0x9FFFFFFF  }
0xc5: {  	(tm) =	ssettm $0x7FFFFFFF  }
tec
execute0_lowered:
.L_overlay_start_1:
0x0: {  	(tag) =	ssettag $0x1  }
0x1: {  	s30 =	rddreg [dreg:$0x0]  }
0x2: {  	s0 =	rddreg [dreg:$0x1]  }
0x3: {  	s16 =	rddreg [dreg:$0x2]  }
0x4: {  	s3 =	rddreg [dreg:$0x3];
	s4 =	simm.s32 $0x0  }
0x5: {  	s2 =	srdreg.scid;
	s17 =	stileid.u32;
	s31 =	simm.s32 $0x1  }
0x6: {  	[smem:$0x7FF] =	sst s4;
	s5 =	sadd.s32 $0xD600, s0;
	s6 =	sadd.s32 $0xF600, s0  }
0x7: {  	s7 =	sadd.s32 $0x38A00, s0;
	s1 =	sadd.s32 $0x3600, s0;
	s2 =	sand.u32 $0x1, s2  }
0x8: {  	s10 =	sadd.s32 $0x33A00, s0;
	s11 =	sadd.s32 $0x2EA00, s0;
	s9 =	smul.u32 $0x50000, s17  }
0x9: {  	s12 =	sadd.s32 $0x3800, s0;
	s15 =	sadd.s32 $0x5FC00, s0;
	s26 =	smul.u32 $0x2800, s17  }
0xa: {  	_ =	strace $0x8000004A;
	[dreg:$0x5] =	wrdreg s1;
	s8 =	smul.u32 $0x50000, s2  }
0xb: {  	[dreg:$0x6] =	wrdreg s15;
	s13 =	ssub.s32 $0x2, s2;
	s15 =	smul.u32 $0x2710, s17  }
0xc: {  	s14 =	smul.u32 $0x27100, s2;
	s2 =	simm.s32 $0x0;
	s18 =	sshrl.u32 s13, $0x1  }
0xd: {  	s21 =	sshrl.u32 s9, $0x2;
	s0 =	sadd.s32 s8, s0;
	s19 =	ssub.s32 s13, s18  }
0xe: {  	s22 =	sshrl.u32 s15, $0x3;
	s3 =	sadd.s32 s21, s3;
	s23 =	sadd.s32 s15, s14  }
0xf: {  	s20 =	sadd.s32 $0x28, s15;
	s28 =	sadd.s32 $0x50, s15;
	s13 =	simm.s32 $0x2  }
0x10: {  	s18 =	simm.s32 $0xA400;
	[dreg:$0x7] =	wrdreg s3;
	s24 =	sadd.s32 s10, s22  }
0x11: {  	s25 =	sadd.s32 s11, s22;
	s8 =	sshrl.u32 s23, $0x3;
	[dreg:$0xc] =	wrdreg s28  }
0x12: {  	s3 =	smov.u32 s16;
	s9 =	sadd.s32 s16, s22;
	[dreg:$0x8] =	wrdreg s24  }
0x13: {  	s29 =	smax.u32 s19, $0x1;
	s0 =	sadd.s32 s26, s0;
	[dreg:$0x9] =	wrdreg s25  }
0x14: {  	s26 =	simm.s32 $0x3;
	s22 =	simm.s32 $0x5380;
	[dreg:$0xa] =	wrdreg s9  }
0x15: {  	s8 =	sadd.s32 s12, s8;
	[dreg:$0xd] =	wrdreg s29;
	s23 =	sadd.s32 $0x62400, s0  }
0x16: {  	s24 =	sadd.s32 $0x8A400, s0;
	s0 =	simm.s32 $0x28;
	s9 =	simm.s32 $0x5280  }
0x17: {  	s25 =	simm.s32 $0x5300;
	[dreg:$0xb] =	wrdreg s8;
	s8 =	simm.s32 $0x5200  }
.LBB2_1:
0x18: {  	[dreg:$0xe] =	wrdreg s2  }
0x19: {  	s21 =	rddreg [dreg:$0x5];
	s1 =	simm.s32 $0xB800  }
0x1a: {  	[tilespmem:s1], [sflag:$0x3] =	stream.linear.gather [hbm4b:s21+s4], $0x80, $0x38;
	[tilespmem:$0x1F880] =	vst v63  }
0x1b: {  	s28 =	stileid.u32;
	_ =	swait.ge [sflag:s26], $0x80  }
0x1c: {  	s2 =	sshll.u32 s28, $0x6;
	s16 =	rddreg [dreg:$0x7]  }
0x1d: {  	s29 =	sor.u32 $0x1C03, s2;
	s17 =	rddreg [dreg:$0x6]  }
0x1e: {  	[sflag:s26] =	ssyncset.done $0x0;
	[dreg:$0xf] =	wrdreg s29;
	s15 =	sshrl.u32 s16, $0x3  }
0x1f: {  	[sflag:s26] =	ssyncadd.s32 $0xFFFFFF80;
	[dreg:$0x10] =	wrdreg s15  }
0x20: {  	[spmem:s15], [sflag:s29] =	dma.local [hbm:s17], $0x2800  }
0x21: {  	_ =	swait.ge [sflag:s26], $0x2800  }
0x22: {  	[sflag:s26] =	ssyncset.done $0x0  }
0x23: {  	[sflag:s26] =	ssyncadd.s32 $0xFFFFD800  }
0x24: {  	[bflag:$0x0] =	sbarrier.arrive $0xFFFF  }
0x25: {  	v0 =	vld [tilespmem:$0xB800]  }
0x26: {  	v1 =	vld [tilespmem:$0xB810]  }
0x27: {  	v2 =	vld [tilespmem:$0xB820];
	s19 =	rddreg [dreg:$0x8]  }
0x28: {  	v3 =	vld [tilespmem:$0xB830];
	[tilespmem:s4], [sflag:$0x1] =	stream.linear.gather [hbm4b:s19+s4], $0x28, $0x38  }
0x29: {  	s1 =	simm.s32 $0x80;
	s21 =	rddreg [dreg:$0x9]  }
0x2a: {  	[tilespmem:s1], [sflag:$0x1] =	stream.linear.gather [hbm4b:s21+s4], $0x28, $0x38;
	[tilespmem:$0x1F880] =	vst v63  }
0x2b: {  	s29 =	simm.s32 $0x100;
	s28 =	rddreg [dreg:$0xa]  }
0x2c: {  	[tilespmem:s29], [sflag:$0x1] =	stream.linear.gather [hbm4b:s28+s4], $0x28, $0x38;
	[tilespmem:$0x1F880] =	vst v63  }
0x2d: {  	s16 =	simm.s32 $0x180;
	s17 =	rddreg [dreg:$0xb]  }
0x2e: {  	[tilespmem:s16], [sflag:$0x1] =	stream.linear.gather [hbm4b:s17+s4], $0x28, $0x38;
	[tilespmem:$0x1F880] =	vst v63  }
0x2f: {  	_ =	swait.ge [sflag:s31], $0x28  }
0x30: {  	[sflag:s31] =	ssyncset.done $0x0  }
0x31: {  	[sflag:s31] =	ssyncadd.s32 $0xFFFFFFD8  }
0x32: {  	_ =	swait.ge [sflag:s31], $0x28  }
0x33: {  	[sflag:s31] =	ssyncset.done $0x0  }
0x34: {  	[sflag:s31] =	ssyncadd.s32 $0xFFFFFFD8  }
0x35: {  	_ =	swait.ge [sflag:s31], $0x28  }
0x36: {  	[sflag:s31] =	ssyncset.done $0x0  }
0x37: {  	[sflag:s31] =	ssyncadd.s32 $0xFFFFFFD8  }
0x38: {  	_ =	swait.ge [sflag:s31], $0x28  }
0x39: {  	[sflag:s31] =	ssyncset.done $0x0  }
0x3a: {  	s19 =	simm.s32 $0x200;
	[sflag:s31] =	ssyncadd.s32 $0xFFFFFFD8  }
0x3b: {  	[tilespmem:s19], [sflag:$0x1] =	stream.indirect.gather [hbm4b:s30+s0], $0x80, s4, s0, $0xb8;
	[tilespmem:$0x1F880] =	vst v63  }
0x3c: {  	s21 =	simm.s32 $0x1600  }
0x3d: {  	[tilespmem:s21], [sflag:$0x1] =	stream.indirect.gather [hbm4b:s5+s0], $0x80, s29, s0, $0xb8;
	[tilespmem:$0x1F880] =	vst v63  }
0x3e: {  	s28 =	simm.s32 $0x2A00  }
0x3f: {  	[tilespmem:s28], [sflag:$0x1] =	stream.indirect.gather [hbm4b:s6+s0], $0x80, s16, s0, $0xb8;
	[tilespmem:$0x1F880] =	vst v63  }
0x40: {  	s15 =	simm.s32 $0x0;
	s29 =	simm.s32 $0x3E00  }
0x41: {  	[tilespmem:s29], [sflag:$0x1] =	stream.indirect.gather [hbm4b:s7+s0], $0x80, s1, s0, $0xb8;
	[tilespmem:$0x1F880] =	vst v63  }
.LBB2_2:
0x42: {  	s19 =	smul.u32 $0x50, s15;
	_ =	sdelay $0x1  }
0x43: {  	s2 =	sadd.s32 s19, s20  }
0x44: {  	s16 =	sshrl.u32 s2, $0x3  }
0x45: {  	s28 =	simm.s32 $0x0;
	s17 =	sadd.s32 s10, s16  }
0x46: {  	[tilespmem:s8], [sflag:$0x2] =	stream.linear.gather [hbm4b:s17+s28], $0x28, $0x38;
	[tilespmem:$0x1F880] =	vst v63  }
0x47: {  	s2 =	sadd.s32 s14, s2;
	s1 =	sadd.s32 s11, s16  }
0x48: {  	[tilespmem:s9], [sflag:$0x2] =	stream.linear.gather [hbm4b:s1+s28], $0x28, $0x38;
	[tilespmem:$0x1F880] =	vst v63  }
0x49: {  	s16 =	sadd.s32 s3, s16;
	s2 =	sshrl.u32 s2, $0x3  }
0x4a: {  	[tilespmem:s25], [sflag:$0x2] =	stream.linear.gather [hbm4b:s16+s28], $0x28, $0x38;
	[tilespmem:$0x1F880] =	vst v63  }
0x4b: {  	s2 =	sadd.s32 s12, s2  }
0x4c: {  	[tilespmem:s22], [sflag:$0x2] =	stream.linear.gather [hbm4b:s2+s28], $0x28, $0x38;
	[tilespmem:$0x1F880] =	vst v63  }
0x4d: {  	_ =	swait.ge [sflag:s13], $0x28  }
0x4e: {  	[sflag:s13] =	ssyncset.done $0x0  }
0x4f: {  	[sflag:s13] =	ssyncadd.s32 $0xFFFFFFD8  }
0x50: {  	_ =	swait.ge [sflag:s13], $0x28  }
0x51: {  	[sflag:s13] =	ssyncset.done $0x0  }
0x52: {  	[sflag:s13] =	ssyncadd.s32 $0xFFFFFFD8  }
0x53: {  	_ =	swait.ge [sflag:s13], $0x28  }
0x54: {  	[sflag:s13] =	ssyncset.done $0x0  }
0x55: {  	[sflag:s13] =	ssyncadd.s32 $0xFFFFFFD8  }
0x56: {  	_ =	swait.ge [sflag:s13], $0x28  }
0x57: {  	[sflag:s13] =	ssyncset.done $0x0  }
0x58: {  	s1 =	simm.s32 $0x5400;
	[sflag:s13] =	ssyncadd.s32 $0xFFFFFFD8  }
0x59: {  	[tilespmem:s1], [sflag:$0x2] =	stream.indirect.gather [hbm4b:s30+s0], $0x80, s8, s0, $0xb8;
	[tilespmem:$0x1F880] =	vst v63  }
0x5a: {  	s2 =	simm.s32 $0x6800  }
0x5b: {  	[tilespmem:s2], [sflag:$0x2] =	stream.indirect.gather [hbm4b:s5+s0], $0x80, s25, s0, $0xb8;
	[tilespmem:$0x1F880] =	vst v63  }
0x5c: {  	s16 =	simm.s32 $0x7C00  }
0x5d: {  	[tilespmem:s16], [sflag:$0x2] =	stream.indirect.gather [hbm4b:s6+s0], $0x80, s22, s0, $0xb8;
	[tilespmem:$0x1F880] =	vst v63  }
0x5e: {  	s17 =	simm.s32 $0x9000  }
0x5f: {  	[tilespmem:s17], [sflag:$0x2] =	stream.indirect.gather [hbm4b:s7+s0], $0x80, s9, s0, $0xb8;
	[tilespmem:$0x1F880] =	vst v63  }
0x60: {  	_ =	swait.ge [sflag:s31], $0x1400  }
0x61: {  	[sflag:s31] =	ssyncset.done $0x0  }
0x62: {  	[sflag:s31] =	ssyncadd.s32 $0xFFFFEC00  }
0x63: {  	_ =	swait.ge [sflag:s31], $0x1400  }
0x64: {  	[sflag:s31] =	ssyncset.done $0x0  }
0x65: {  	[sflag:s31] =	ssyncadd.s32 $0xFFFFEC00  }
0x66: {  	_ =	swait.ge [sflag:s31], $0x1400  }
0x67: {  	[sflag:s31] =	ssyncset.done $0x0  }
0x68: {  	[sflag:s31] =	ssyncadd.s32 $0xFFFFEC00  }
0x69: {  	_ =	swait.ge [sflag:s31], $0x1400  }
0x6a: {  	[sflag:s31] =	ssyncset.done $0x0  }
0x6b: {  	s17 =	simm.s32 $0x0;
	[sflag:s31] =	ssyncadd.s32 $0xFFFFEC00  }
0x6c: {  	v4 =	vld [tilespmem:s17+$0x230]  }
0x6d: {  	v5 =	vld [tilespmem:s17+$0x1630]  }
0x6e: {  	v6 =	vld [tilespmem:s17+$0x200]  }
0x6f: {  	v7 =	vld [tilespmem:s17+$0x2A30]  }
0x70: {  	v8 =	vld [tilespmem:s17+$0x1600]  }
0x71: {  	v9 =	vld [tilespmem:s17+$0x3E30]  }
0x72: {  	v10 =	vld [tilespmem:s17+$0x210];
	v4 =	vadd.f32 v5, v4  }
0x73: {  	v11 =	vld [tilespmem:s17+$0x220]  }
0x74: {  	v12 =	vld [tilespmem:s17+$0x2A00];
	v4 =	vadd.f32 v7, v4  }
0x75: {  	v13 =	vld [tilespmem:s17+$0x2A10]  }
0x76: {  	v14 =	vld [tilespmem:s17+$0x2A20];
	v9 =	vmul.f32 v4, v9  }
0x77: {  	v5 =	vld [tilespmem:s17+$0x1610]  }
0x78: {  	v15 =	vld [tilespmem:s17+$0x3E00];
	v9 =	vmul.f32 v9, v3  }
0x79: {  	v16 =	vld [tilespmem:s17+$0x3E10]  }
0x7a: {  	v7 =	vld [tilespmem:s17+$0x1620];
	v17 =	vmul.f32 $9.999999770e-03, v9  }
0x7b: {  	s16 =	simm.s32 $0x80;
	v18 =	vld [tilespmem:s17+$0x3E20];
	vm0 =	vgt.f32 v9, $0.0e+00  }
0x7c: {  	v19 =	vld [tilespmem:s16+$0x230];
	v6 =	vadd.f32 v8, v6;
	v5 =	vadd.f32 v5, v10;
	v9 =	vsel vm0, v9, v17  }
0x7d: {  	v22 =	vld [tilespmem:s16+$0x2A00];
	v8 =	vmul.f32 $1.442695020e+00, v9  }
0x7e: {  	v23 =	vld [tilespmem:s16+$0x2A10];
	v20 =	vadd.f32 v12, v6;
	v21 =	vadd.f32 v13, v5  }
0x7f: {  	v7 =	vadd.f32 v7, v11;
	v17 =	vld [tilespmem:s16+$0x1630];
	(erf) = vpow2.f32 v8  }
0x80: {  	v24 =	vld [tilespmem:s16+$0x3E00];
	v12 =	vmul.f32 v21, v16;
	v8 =	vmul.f32 v20, v15  }
0x81: {  	v10 =	vld [tilespmem:s16+$0x2A30];
	v7 =	vadd.f32 v14, v7  }
0x82: {  	v6 =	vld [tilespmem:s16+$0x1600];
	v12 =	vmul.f32 v12, v1;
	v8 =	vmul.f32 v8, v0  }
0x83: {  	v5 =	vld [tilespmem:s16+$0x3E30];
	v16 =	vmul.f32 v7, v18  }
0x84: {  	v11 =	vld [tilespmem:s16+$0x210];
	v17 =	vadd.f32 v17, v19;
	v19 =	vmul.f32 $9.999999770e-03, v12;
	v18 =	vmul.f32 $9.999999770e-03, v8  }
0x85: {  	v13 =	vld [tilespmem:s16+$0x1610];
	vm9 =	vgt.f32 v8, $0.0e+00  }
0x86: {  	v9 =	vld [tilespmem:s16+$0x200];
	v16 =	vmul.f32 v16, v2;
	v17 =	vadd.f32 v10, v17;
	v8 =	vsel vm9, v8, v18  }
0x87: {  	v14 =	vld [tilespmem:s16+$0x220];
	vm1 =	vgt.f32 v12, $0.0e+00;
	v8 =	vmul.f32 $1.442695020e+00, v8  }
0x88: {  	v15 =	vld [tilespmem:s16+$0x1620];
	v12 =	vsel vm1, v12, v19;
	v10 =	vmul.f32 $9.999999770e-03, v16;
	v5 =	vmul.f32 v17, v5;
	v19 =	vpop (erf)  }
0x89: {  	vm10 =	vgt.f32 v16, $0.0e+00;
	v18 =	vld [tilespmem:s16+$0x2A20];
	(erf) = vpow2.f32 v8;
	[tilespmem:s17+$0xA470] =	vst v19;
	v4 =	vmul.f32 v19, v4  }
0x8a: {  	v12 =	vmul.f32 $1.442695020e+00, v12;
	v10 =	vsel vm10, v16, v10;
	v8 =	vld [tilespmem:s16+$0x3E10]  }
0x8b: {  	v6 =	vadd.f32 v6, v9;
	v10 =	vmul.f32 $1.442695020e+00, v10;
	v16 =	vld [tilespmem:s16+$0x3E20];
	[tilespmem:s17+$0xA430] =	vst v4;
	v4 =	vmul.f32 v5, v3  }
0x8c: {  	s29 =	simm.s32 $0x100;
	(erf) = vpow2.f32 v12  }
0x8d: {  	v6 =	vadd.f32 v22, v6;
	(erf) = vpow2.f32 v10;
	v12 =	vld [tilespmem:s29+$0x230];
	v5 =	vmul.f32 $9.999999770e-03, v4  }
0x8e: {  	v10 =	vld [tilespmem:s29+$0x1630];
	vm11 =	vgt.f32 v4, $0.0e+00  }
0x8f: {  	v22 =	vmul.f32 v6, v24;
	v19 =	vld [tilespmem:s29+$0x200];
	v4 =	vsel vm11, v4, v5;
	v5 =	vadd.f32 v13, v11  }
0x90: {  	v9 =	vld [tilespmem:s29+$0x2A30];
	v11 =	vadd.f32 v15, v14;
	v4 =	vmul.f32 $1.442695020e+00, v4  }
0x91: {  	v22 =	vmul.f32 v22, v0;
	v25 =	vld [tilespmem:s29+$0x1600];
	v5 =	vadd.f32 v23, v5  }
0x92: {  	v13 =	vld [tilespmem:s29+$0x3E30];
	v15 =	vpop (erf);
	(erf) = vpow2.f32 v4;
	v4 =	vadd.f32 v18, v11  }
0x93: {  	v14 =	vld [tilespmem:s29+$0x210];
	v10 =	vadd.f32 v10, v12;
	v12 =	vmul.f32 $9.999999770e-03, v22;
	[tilespmem:s17+$0xA440] =	vst v15;
	v8 =	vmul.f32 v5, v8  }
0x94: {  	vm12 =	vgt.f32 v22, $0.0e+00;
	v18 =	vld [tilespmem:s29+$0x1610];
	v16 =	vmul.f32 v4, v16  }
0x95: {  	v23 =	vpop (erf);
	v10 =	vadd.f32 v9, v10;
	v9 =	vsel vm12, v22, v12;
	v8 =	vmul.f32 v8, v1  }
0x96: {  	[tilespmem:s17+$0xA450] =	vst v23;
	v11 =	vpop (erf);
	v9 =	vmul.f32 $1.442695020e+00, v9;
	v16 =	vmul.f32 v16, v2  }
0x97: {  	v59 =	vld [tilespmem:s29+$0x220];
	[tilespmem:s17+$0xA460] =	vst v11;
	v60 =	vmul.f32 v10, v13;
	v27 =	vmul.f32 $9.999999770e-03, v8  }
0x98: {  	v26 =	vld [tilespmem:s29+$0x1620];
	(erf) = vpow2.f32 v9;
	vm13 =	vgt.f32 v8, $0.0e+00;
	v28 =	vmul.f32 $9.999999770e-03, v16  }
0x99: {  	v22 =	vld [tilespmem:s29+$0x2A00];
	vm14 =	vgt.f32 v16, $0.0e+00;
	v62 =	vadd.f32 v18, v14;
	v8 =	vsel vm13, v8, v27  }
0x9a: {  	v29 =	vld [tilespmem:s29+$0x2A10];
	v18 =	vmul.f32 v15, v20;
	v16 =	vsel vm14, v16, v28;
	v8 =	vmul.f32 $1.442695020e+00, v8  }
0x9b: {  	v12 =	vld [tilespmem:s29+$0x2A20];
	v27 =	vmul.f32 v60, v3;
	v9 =	vpop (erf);
	v61 =	vmul.f32 $1.442695020e+00, v16  }
0x9c: {  	v19 =	vadd.f32 v25, v19;
	v13 =	vld [tilespmem:s29+$0x3E00];
	[tilespmem:s16+$0xA470] =	vst v9;
	v9 =	vmul.f32 v9, v17;
	(erf) = vpow2.f32 v8  }
0x9d: {  	v63 =	vmul.f32 $9.999999770e-03, v27;
	v16 =	vld [tilespmem:s29+$0x3E10];
	(erf) = vpow2.f32 v61  }
0x9e: {  	s21 =	smov.u32 s30;
	s30 =	simm.s32 $0x180;
	vm15 =	vgt.f32 v27, $0.0e+00;
	v17 =	vadd.f32 v26, v59;
	v8 =	vadd.f32 v22, v19;
	v14 =	vld [tilespmem:s29+$0x3E20];
	[tilespmem:s16+$0xA430] =	vst v9  }
0x9f: {  	s28 =	simm.s32 $0x800;
	v19 =	vmul.f32 v23, v21;
	v20 =	vsel vm15, v27, v63;
	v9 =	vadd.f32 v29, v62;
	v15 =	vld [tilespmem:s30+$0x230]  }
.LBB2_3:
0xa0: {  	p0 =	sne.s32 s28, $0x4E00;
	v21 =	vld [tilespmem:s30+$0x1630];
	v20 =	vmul.f32 $1.442695020e+00, v20;
	[tilespmem:s17+$0xA400] =	vst v18;
	v11 =	vmul.f32 v11, v7;
	v7 =	vmovc v4;
	v4 =	vadd.f32 v12, v17  }
0xa1: {  	v12 =	vld [tilespmem:s30+$0x200];
	v13 =	vmul.f32 v8, v13;
	[tilespmem:s17+$0xA410] =	vst v19  }
0xa2: {  	v17 =	vld [tilespmem:s30+$0x2A30];
	v16 =	vmul.f32 v9, v16;
	(erf) = vpow2.f32 v20;
	[tilespmem:s17+$0xA420] =	vst v11;
	s17 =	smov.u32 s16;
	s16 =	smov.u32 s29;
	s29 =	smov.u32 s30  }
0xa3: {  	v18 =	vld [tilespmem:s29+$0x1600];
	v13 =	vmul.f32 v13, v0;
	v26 =	vmul.f32 v4, v14  }
0xa4: {  	v14 =	vld [tilespmem:s29+$0x3E30];
	v16 =	vmul.f32 v16, v1;
	v19 =	vpop (erf)  }
0xa5: {  	v20 =	vld [tilespmem:s29+$0x210];
	v15 =	vadd.f32 v21, v15;
	v21 =	vmul.f32 $9.999999770e-03, v13;
	v22 =	vmul.f32 v26, v2;
	[tilespmem:s17+$0xA440] =	vst v19;
	v23 =	vpop (erf)  }
0xa6: {  	vm0 =	vgt.f32 v13, $0.0e+00;
	v24 =	vld [tilespmem:s29+$0x1610];
	vm1 =	vgt.f32 v16, $0.0e+00;
	v25 =	vmul.f32 $9.999999770e-03, v16;
	[tilespmem:s17+$0xA450] =	vst v23;
	v11 =	vpop (erf)  }
0xa7: {  	v26 =	vld [tilespmem:s29+$0x220];
	v15 =	vadd.f32 v17, v15;
	vm2 =	vgt.f32 v22, $0.0e+00;
	v17 =	vmul.f32 $9.999999770e-03, v22;
	[tilespmem:s17+$0xA460] =	vst v11  }
0xa8: {  	v27 =	vadd.f32 v18, v12;
	v18 =	vld [tilespmem:s29+$0x1620];
	v12 =	vsel vm0, v13, v21;
	v13 =	vsel vm1, v16, v25  }
0xa9: {  	v21 =	vld [tilespmem:s29+$0x2A00];
	v28 =	vmul.f32 v15, v14;
	v16 =	vmul.f32 $1.442695020e+00, v12;
	v12 =	vsel vm2, v22, v17  }
0xaa: {  	v17 =	vmul.f32 $1.442695020e+00, v13;
	v22 =	vld [tilespmem:s29+$0x2A10];
	v25 =	vmul.f32 $1.442695020e+00, v12  }
.Ltmp0:
0xab: {  	v24 =	vadd.f32 v24, v20;
	v12 =	vld [tilespmem:s29+$0x2A20];
	v20 =	vmul.f32 v28, v3;
	(erf) = vpow2.f32 v16;
	v14 =	vpop (erf);
	(pc) =	sbr.rel @p0 .LBB2_3-.Ltmp0, $4  }
0xac: {  	v13 =	vld [tilespmem:s29+$0x3E00];
	v28 =	vmul.f32 v14, v10;
	[tilespmem:s16+$0xA470] =	vst v14;
	(erf) = vpow2.f32 v17;
	v10 =	vmov v15  }
0xad: {  	v16 =	vld [tilespmem:s29+$0x3E10];
	v17 =	vadd.f32 v18, v26;
	v26 =	vmul.f32 $9.999999770e-03, v20;
	(erf) = vpow2.f32 v25  }
0xae: {  	s30 =	sshra.s32 s28, $0x2;
	vm0 =	vgt.f32 v20, $0.0e+00;
	v18 =	vmul.f32 v19, v6;
	v6 =	vmovc v8;
	v14 =	vld [tilespmem:s29+$0x3E20];
	[tilespmem:s16+$0xA430] =	vst v28;
	v8 =	vadd.f32 v21, v27  }
0xaf: {  	s28 =	sadd.s32 $0x200, s28;
	v19 =	vmul.f32 v23, v5;
	v5 =	vmovc v9;
	v15 =	vld [tilespmem:s30+$0x230];
	v20 =	vsel vm0, v20, v26;
	v9 =	vadd.f32 v22, v24  }
0xb0: {  	v21 =	vld [tilespmem:s30+$0x1630];
	[tilespmem:s17+$0xA400] =	vst v18  }
0xb1: {  	v7 =	vmul.f32 v11, v7;
	v18 =	vld [tilespmem:s30+$0x200];
	[tilespmem:s17+$0xA410] =	vst v19;
	v19 =	vmul.f32 $1.442695020e+00, v20  }
0xb2: {  	v12 =	vadd.f32 v12, v17  }
0xb3: {  	v11 =	vld [tilespmem:s30+$0x2A30];
	[tilespmem:s17+$0xA420] =	vst v7;
	(erf) = vpow2.f32 v19  }
0xb4: {  	v7 =	vld [tilespmem:s30+$0x1600];
	v14 =	vmul.f32 v12, v14  }
0xb5: {  	v13 =	vmul.f32 v8, v13;
	v20 =	vld [tilespmem:s30+$0x3E30];
	v22 =	vpop (erf)  }
0xb6: {  	v16 =	vmul.f32 v9, v16;
	v23 =	vld [tilespmem:s30+$0x210];
	[tilespmem:s16+$0xA440] =	vst v22;
	v17 =	vpop (erf);
	v15 =	vadd.f32 v21, v15;
	v14 =	vmul.f32 v14, v2  }
0xb7: {  	v13 =	vmul.f32 v13, v0;
	v19 =	vld [tilespmem:s30+$0x1610];
	[tilespmem:s16+$0xA450] =	vst v17;
	v24 =	vpop (erf)  }
0xb8: {  	v16 =	vmul.f32 v16, v1;
	v25 =	vld [tilespmem:s30+$0x220];
	[tilespmem:s16+$0xA460] =	vst v24;
	v11 =	vadd.f32 v11, v15;
	v15 =	vmul.f32 $9.999999770e-03, v14  }
0xb9: {  	v26 =	vmul.f32 $9.999999770e-03, v13;
	v21 =	vld [tilespmem:s30+$0x1620]  }
0xba: {  	vm0 =	vgt.f32 v13, $0.0e+00;
	v6 =	vmul.f32 v22, v6;
	v27 =	vmul.f32 $9.999999770e-03, v16;
	v28 =	vld [tilespmem:s30+$0x2A00]  }
0xbb: {  	vm1 =	vgt.f32 v16, $0.0e+00;
	v13 =	vsel vm0, v13, v26;
	vm14 =	vgt.f32 v14, $0.0e+00;
	v29 =	vld [tilespmem:s30+$0x2A10]  }
0xbc: {  	v16 =	vsel vm1, v16, v27;
	v51 =	vld [tilespmem:s30+$0x2A20];
	v13 =	vmul.f32 $1.442695020e+00, v13;
	v14 =	vsel vm14, v14, v15;
	v15 =	vpop (erf)  }
0xbd: {  	v52 =	vld [tilespmem:s30+$0x3E00];
	v20 =	vmul.f32 v11, v20;
	v16 =	vmul.f32 $1.442695020e+00, v16;
	[tilespmem:s29+$0xA470] =	vst v15  }
0xbe: {  	v7 =	vadd.f32 v7, v18;
	v14 =	vmul.f32 $1.442695020e+00, v14;
	(erf) = vpow2.f32 v13;
	v13 =	vld [tilespmem:s30+$0x3E10]  }
0xbf: {  	v18 =	vadd.f32 v19, v23;
	v19 =	vmul.f32 v20, v3;
	(erf) = vpow2.f32 v16;
	v16 =	vld [tilespmem:s30+$0x3E20]  }
0xc0: {  	(erf) = vpow2.f32 v14;
	v10 =	vmul.f32 v15, v10;
	v15 =	vadd.f32 v21, v25  }
0xc1: {  	v20 =	vmul.f32 $9.999999770e-03, v19;
	v7 =	vadd.f32 v28, v7;
	v14 =	vadd.f32 v29, v18  }
0xc2: {  	v5 =	vmul.f32 v17, v5;
	vm15 =	vgt.f32 v19, $0.0e+00;
	v15 =	vadd.f32 v51, v15  }
0xc3: {  	v18 =	vsel vm15, v19, v20;
	v19 =	vmul.f32 v7, v52;
	v13 =	vmul.f32 v14, v13  }
0xc4: {  	v18 =	vmul.f32 $1.442695020e+00, v18;
	v16 =	vmul.f32 v15, v16  }
0xc5: {  	v19 =	vmul.f32 v19, v0;
	v13 =	vmul.f32 v13, v1  }
0xc6: {  	(erf) = vpow2.f32 v18;
	v16 =	vmul.f32 v16, v2  }
0xc7: {  	v4 =	vmul.f32 v24, v4;
	v17 =	vmul.f32 $9.999999770e-03, v13  }
0xc8: {  	v18 =	vmul.f32 $9.999999770e-03, v19;
	vm5 =	vgt.f32 v13, $0.0e+00;
	v20 =	vmul.f32 $9.999999770e-03, v16  }
0xc9: {  	[tilespmem:s29+$0xA430] =	vst v10;
	vm4 =	vgt.f32 v19, $0.0e+00;
	vm6 =	vgt.f32 v16, $0.0e+00;
	v10 =	vsel vm5, v13, v17  }
0xca: {  	[tilespmem:s16+$0xA400] =	vst v6;
	v18 =	vsel vm4, v19, v18;
	v6 =	vsel vm6, v16, v20;
	v10 =	vmul.f32 $1.442695020e+00, v10  }
0xcb: {  	v13 =	vmul.f32 $1.442695020e+00, v18;
	v6 =	vmul.f32 $1.442695020e+00, v6  }
0xcc: {  	[tilespmem:s16+$0xA410] =	vst v5;
	v5 =	vpop (erf)  }
0xcd: {  	[tilespmem:s16+$0xA420] =	vst v4;
	v4 =	vpop (erf);
	(erf) = vpow2.f32 v13  }
0xce: {  	[tilespmem:s29+$0xA440] =	vst v5;
	(erf) = vpow2.f32 v10;
	v10 =	vpop (erf)  }
0xcf: {  	[tilespmem:s29+$0xA450] =	vst v4;
	(erf) = vpow2.f32 v6;
	v6 =	vpop (erf)  }
0xd0: {  	[tilespmem:s29+$0xA460] =	vst v10;
	v11 =	vmul.f32 v6, v11  }
0xd1: {  	v5 =	vmul.f32 v5, v8;
	[tilespmem:s30+$0xA470] =	vst v6  }
0xd2: {  	v4 =	vmul.f32 v4, v9;
	[tilespmem:s30+$0xA430] =	vst v11  }
0xd3: {  	[tilespmem:s29+$0xA400] =	vst v5;
	v5 =	vmul.f32 v10, v12;
	_ =	sdelay $0x1  }
0xd4: {  	[tilespmem:s29+$0xA410] =	vst v4  }
0xd5: {  	v4 =	vpop (erf);
	[tilespmem:s29+$0xA420] =	vst v5  }
0xd6: {  	[tilespmem:s30+$0xA440] =	vst v4;
	v4 =	vmul.f32 v4, v7;
	v5 =	vpop (erf)  }
0xd7: {  	[tilespmem:s30+$0xA450] =	vst v5  }
0xd8: {  	v6 =	vpop (erf);
	v5 =	vmul.f32 v5, v14;
	[tilespmem:s30+$0xA400] =	vst v4  }
0xd9: {  	[tilespmem:s30+$0xA460] =	vst v6;
	v4 =	vmul.f32 v6, v15  }
0xda: {  	[tilespmem:s30+$0xA410] =	vst v5  }
0xdb: {  	s1 =	rddreg [dreg:$0x3];
	s2 =	simm.s32 $0x80;
	[tilespmem:s30+$0xA420] =	vst v4  }
0xdc: {  	[spmem:s1] =	stream.indirect.scatter.add.f32 [tilespmem:s18], [sflag:$0x3], $0x80, s2, s0, $0xb8;
	[tilespmem:$0x1F880] =	vst v63  }
0xdd: {  	_ =	swait.ge [sflag:s26], $0x1400  }
0xde: {  	p0 =	seq.s32 s15, $0x7C;
	s1 =	rddreg [dreg:$0xc]  }
0xdf: {  	s2 =	sadd.s32 @!p0 s19, s1  }
0xe0: {  	[sflag:s26] =	ssyncset.done $0x0;
	s16 =	sshrl.u32 @!p0 s2, $0x3  }
0xe1: {  	[sflag:s26] =	ssyncadd.s32 $0xFFFFEC00;
	s19 =	simm.s32 @!p0 $0x0;
	s17 =	sadd.s32 @!p0 s10, s16  }
0xe2: {  	[tilespmem:s19], [sflag:$0x1] =	stream.linear.gather @!p0 [hbm4b:s17+s19], $0x28, $0x38;
	[tilespmem:$0x1F880] =	vst v63  }
0xe3: {  	s28 =	simm.s32 @!p0 $0x80;
	s2 =	sadd.s32 @!p0 s14, s2;
	s17 =	sadd.s32 @!p0 s11, s16  }
0xe4: {  	[tilespmem:s28], [sflag:$0x1] =	stream.linear.gather @!p0 [hbm4b:s17+s19], $0x28, $0x38;
	[tilespmem:$0x1F880] =	vst v63  }
0xe5: {  	s2 =	sshrl.u32 @!p0 s2, $0x3;
	s16 =	sadd.s32 @!p0 s3, s16;
	s17 =	simm.s32 @!p0 $0x100  }
0xe6: {  	[tilespmem:s17], [sflag:$0x1] =	stream.linear.gather @!p0 [hbm4b:s16+s19], $0x28, $0x38;
	[tilespmem:$0x1F880] =	vst v63  }
0xe7: {  	s2 =	sadd.s32 @!p0 s12, s2;
	s16 =	simm.s32 @!p0 $0x180  }
0xe8: {  	[tilespmem:s16], [sflag:$0x1] =	stream.linear.gather @!p0 [hbm4b:s2+s19], $0x28, $0x38;
	[tilespmem:$0x1F880] =	vst v63  }
0xe9: {  	s2 =	simm.s32 @!p0 $0x1  }
0xea: {  	_ =	swait.ge @!p0 [sflag:s2], $0x28  }
0xeb: {  	[sflag:s2] =	ssyncset.done @!p0 $0x0  }
0xec: {  	[sflag:s2] =	ssyncadd.s32 @!p0 $0xFFFFFFD8  }
0xed: {  	_ =	swait.ge @!p0 [sflag:s2], $0x28  }
0xee: {  	[sflag:s2] =	ssyncset.done @!p0 $0x0  }
0xef: {  	[sflag:s2] =	ssyncadd.s32 @!p0 $0xFFFFFFD8  }
0xf0: {  	_ =	swait.ge @!p0 [sflag:s2], $0x28  }
0xf1: {  	[sflag:s2] =	ssyncset.done @!p0 $0x0  }
0xf2: {  	[sflag:s2] =	ssyncadd.s32 @!p0 $0xFFFFFFD8  }
0xf3: {  	_ =	swait.ge @!p0 [sflag:s2], $0x28  }
0xf4: {  	[sflag:s2] =	ssyncset.done @!p0 $0x0  }
0xf5: {  	s29 =	simm.s32 @!p0 $0x200;
	[sflag:s2] =	ssyncadd.s32 @!p0 $0xFFFFFFD8;
	s2 =	simm.s32 @!p0 $0x28  }
0xf6: {  	[tilespmem:s29], [sflag:$0x1] =	stream.indirect.gather @!p0 [hbm4b:s21+s2], $0x80, s19, s2, $0xb8;
	[tilespmem:$0x1F880] =	vst v63  }
0xf7: {  	s19 =	simm.s32 @!p0 $0x1600  }
0xf8: {  	[tilespmem:s19], [sflag:$0x1] =	stream.indirect.gather @!p0 [hbm4b:s5+s2], $0x80, s17, s2, $0xb8;
	[tilespmem:$0x1F880] =	vst v63  }
0xf9: {  	s17 =	simm.s32 @!p0 $0x2A00  }
0xfa: {  	[tilespmem:s17], [sflag:$0x1] =	stream.indirect.gather @!p0 [hbm4b:s6+s2], $0x80, s16, s2, $0xb8;
	[tilespmem:$0x1F880] =	vst v63  }
0xfb: {  	s16 =	simm.s32 @!p0 $0x3E00  }
0xfc: {  	[tilespmem:s16], [sflag:$0x1] =	stream.indirect.gather @!p0 [hbm4b:s7+s2], $0x80, s28, s2, $0xb8;
	[tilespmem:$0x1F880] =	vst v63  }
0xfd: {  	_ =	swait.ge [sflag:s13], $0x1400  }
0xfe: {  	[sflag:s13] =	ssyncset.done $0x0  }
0xff: {  	[sflag:s13] =	ssyncadd.s32 $0xFFFFEC00  }
0x100: {  	_ =	swait.ge [sflag:s13], $0x1400  }
0x101: {  	[sflag:s13] =	ssyncset.done $0x0  }
0x102: {  	[sflag:s13] =	ssyncadd.s32 $0xFFFFEC00  }
0x103: {  	_ =	swait.ge [sflag:s13], $0x1400  }
0x104: {  	[sflag:s13] =	ssyncset.done $0x0  }
0x105: {  	[sflag:s13] =	ssyncadd.s32 $0xFFFFEC00  }
0x106: {  	_ =	swait.ge [sflag:s13], $0x1400  }
0x107: {  	[sflag:s13] =	ssyncset.done $0x0  }
0x108: {  	s17 =	simm.s32 $0x0;
	[sflag:s13] =	ssyncadd.s32 $0xFFFFEC00  }
0x109: {  	v4 =	vld [tilespmem:s17+$0x5430]  }
0x10a: {  	v5 =	vld [tilespmem:s17+$0x6830]  }
0x10b: {  	v6 =	vld [tilespmem:s17+$0x5400]  }
0x10c: {  	v7 =	vld [tilespmem:s17+$0x7C30]  }
0x10d: {  	v8 =	vld [tilespmem:s17+$0x6800]  }
0x10e: {  	v9 =	vld [tilespmem:s17+$0x9030]  }
0x10f: {  	v10 =	vld [tilespmem:s17+$0x5410];
	v4 =	vadd.f32 v5, v4  }
0x110: {  	v11 =	vld [tilespmem:s17+$0x5420]  }
0x111: {  	v12 =	vld [tilespmem:s17+$0x7C00];
	v4 =	vadd.f32 v7, v4  }
0x112: {  	v13 =	vld [tilespmem:s17+$0x7C10]  }
0x113: {  	v14 =	vld [tilespmem:s17+$0x7C20];
	v9 =	vmul.f32 v4, v9  }
0x114: {  	v5 =	vld [tilespmem:s17+$0x6810]  }
0x115: {  	v15 =	vld [tilespmem:s17+$0x9000];
	v9 =	vmul.f32 v9, v3  }
0x116: {  	v16 =	vld [tilespmem:s17+$0x9010]  }
0x117: {  	v7 =	vld [tilespmem:s17+$0x6820];
	v17 =	vmul.f32 $9.999999770e-03, v9  }
0x118: {  	s16 =	simm.s32 $0x80;
	v18 =	vld [tilespmem:s17+$0x9020];
	vm7 =	vgt.f32 v9, $0.0e+00  }
0x119: {  	v19 =	vld [tilespmem:s16+$0x5430];
	v6 =	vadd.f32 v8, v6;
	v5 =	vadd.f32 v5, v10;
	v9 =	vsel vm7, v9, v17  }
0x11a: {  	v22 =	vld [tilespmem:s16+$0x7C00];
	v8 =	vmul.f32 $1.442695020e+00, v9  }
0x11b: {  	v23 =	vld [tilespmem:s16+$0x7C10];
	v20 =	vadd.f32 v12, v6;
	v21 =	vadd.f32 v13, v5  }
0x11c: {  	v7 =	vadd.f32 v7, v11;
	v17 =	vld [tilespmem:s16+$0x6830];
	(erf) = vpow2.f32 v8  }
0x11d: {  	v53 =	vld [tilespmem:s16+$0x9000];
	v12 =	vmul.f32 v21, v16;
	v8 =	vmul.f32 v20, v15  }
0x11e: {  	v10 =	vld [tilespmem:s16+$0x7C30];
	v7 =	vadd.f32 v14, v7  }
0x11f: {  	v6 =	vld [tilespmem:s16+$0x6800];
	v12 =	vmul.f32 v12, v1;
	v8 =	vmul.f32 v8, v0  }
0x120: {  	v5 =	vld [tilespmem:s16+$0x9030];
	v16 =	vmul.f32 v7, v18  }
0x121: {  	v11 =	vld [tilespmem:s16+$0x5410];
	v17 =	vadd.f32 v17, v19;
	v19 =	vmul.f32 $9.999999770e-03, v12;
	v18 =	vmul.f32 $9.999999770e-03, v8  }
0x122: {  	v13 =	vld [tilespmem:s16+$0x6810];
	vm8 =	vgt.f32 v8, $0.0e+00  }
0x123: {  	v9 =	vld [tilespmem:s16+$0x5400];
	v16 =	vmul.f32 v16, v2;
	v17 =	vadd.f32 v10, v17;
	v8 =	vsel vm8, v8, v18  }
0x124: {  	v14 =	vld [tilespmem:s16+$0x5420];
	vm9 =	vgt.f32 v12, $0.0e+00;
	v8 =	vmul.f32 $1.442695020e+00, v8  }
0x125: {  	v15 =	vld [tilespmem:s16+$0x6820];
	v12 =	vsel vm9, v12, v19;
	v10 =	vmul.f32 $9.999999770e-03, v16;
	v5 =	vmul.f32 v17, v5;
	v19 =	vpop (erf)  }
0x126: {  	vm10 =	vgt.f32 v16, $0.0e+00;
	v18 =	vld [tilespmem:s16+$0x7C20];
	(erf) = vpow2.f32 v8;
	[tilespmem:s17+$0xA470] =	vst v19;
	v4 =	vmul.f32 v19, v4  }
0x127: {  	v12 =	vmul.f32 $1.442695020e+00, v12;
	v10 =	vsel vm10, v16, v10;
	v8 =	vld [tilespmem:s16+$0x9010]  }
0x128: {  	v6 =	vadd.f32 v6, v9;
	v10 =	vmul.f32 $1.442695020e+00, v10;
	v16 =	vld [tilespmem:s16+$0x9020];
	[tilespmem:s17+$0xA430] =	vst v4;
	v4 =	vmul.f32 v5, v3  }
0x129: {  	s19 =	simm.s32 $0x100;
	(erf) = vpow2.f32 v12  }
0x12a: {  	v6 =	vadd.f32 v22, v6;
	(erf) = vpow2.f32 v10;
	v12 =	vld [tilespmem:s19+$0x5430];
	v5 =	vmul.f32 $9.999999770e-03, v4  }
0x12b: {  	v10 =	vld [tilespmem:s19+$0x6830];
	vm11 =	vgt.f32 v4, $0.0e+00  }
0x12c: {  	v22 =	vmul.f32 v6, v53;
	v4 =	vsel vm11, v4, v5;
	v5 =	vadd.f32 v13, v11  }
0x12d: {  	v9 =	vld [tilespmem:s19+$0x7C30];
	v11 =	vadd.f32 v15, v14;
	v4 =	vmul.f32 $1.442695020e+00, v4  }
0x12e: {  	v22 =	vmul.f32 v22, v0;
	v5 =	vadd.f32 v23, v5  }
0x12f: {  	v13 =	vld [tilespmem:s19+$0x9030];
	v15 =	vpop (erf);
	(erf) = vpow2.f32 v4;
	v4 =	vadd.f32 v18, v11  }
0x130: {  	v19 =	vld [tilespmem:s19+$0x5400];
	v10 =	vadd.f32 v10, v12;
	v12 =	vmul.f32 $9.999999770e-03, v22;
	v8 =	vmul.f32 v5, v8  }
0x131: {  	vm12 =	vgt.f32 v22, $0.0e+00;
	v54 =	vld [tilespmem:s19+$0x6800];
	v16 =	vmul.f32 v4, v16  }
0x132: {  	v14 =	vld [tilespmem:s19+$0x5410];
	[tilespmem:s17+$0xA440] =	vst v15;
	v23 =	vpop (erf);
	v10 =	vadd.f32 v9, v10;
	v9 =	vsel vm12, v22, v12;
	v8 =	vmul.f32 v8, v1  }
0x133: {  	v18 =	vld [tilespmem:s19+$0x6810];
	[tilespmem:s17+$0xA450] =	vst v23;
	v11 =	vpop (erf);
	v9 =	vmul.f32 $1.442695020e+00, v9;
	v16 =	vmul.f32 v16, v2  }
0x134: {  	v55 =	vld [tilespmem:s19+$0x5420];
	[tilespmem:s17+$0xA460] =	vst v11;
	v60 =	vmul.f32 v10, v13;
	v57 =	vmul.f32 $9.999999770e-03, v8  }
0x135: {  	v56 =	vld [tilespmem:s19+$0x6820];
	vm13 =	vgt.f32 v8, $0.0e+00;
	v58 =	vmul.f32 $9.999999770e-03, v16  }
0x136: {  	v22 =	vld [tilespmem:s19+$0x7C00];
	v27 =	vmul.f32 v60, v3;
	vm14 =	vgt.f32 v16, $0.0e+00;
	v8 =	vsel vm13, v8, v57  }
0x137: {  	v59 =	vld [tilespmem:s19+$0x7C10];
	(erf) = vpow2.f32 v9;
	v16 =	vsel vm14, v16, v58;
	v8 =	vmul.f32 $1.442695020e+00, v8  }
0x138: {  	v12 =	vld [tilespmem:s19+$0x7C20];
	v63 =	vmul.f32 $9.999999770e-03, v27;
	v9 =	vpop (erf);
	v61 =	vmul.f32 $1.442695020e+00, v16  }
0x139: {  	v19 =	vadd.f32 v54, v19;
	v13 =	vld [tilespmem:s19+$0x9000];
	[tilespmem:s16+$0xA470] =	vst v9;
	v9 =	vmul.f32 v9, v17;
	(erf) = vpow2.f32 v8  }
0x13a: {  	v62 =	vadd.f32 v18, v14;
	vm15 =	vgt.f32 v27, $0.0e+00;
	v16 =	vld [tilespmem:s19+$0x9010];
	(erf) = vpow2.f32 v61  }
0x13b: {  	s29 =	simm.s32 $0x180;
	v18 =	vmul.f32 v15, v20;
	v20 =	vsel vm15, v27, v63;
	v17 =	vadd.f32 v56, v55;
	v14 =	vld [tilespmem:s19+$0x9020];
	[tilespmem:s16+$0xA430] =	vst v9  }
0x13c: {  	s30 =	smov.u32 s21;
	s28 =	simm.s32 $0x800;
	v8 =	vadd.f32 v22, v19;
	v19 =	vmul.f32 v23, v21;
	v9 =	vadd.f32 v59, v62;
	v15 =	vld [tilespmem:s29+$0x5430]  }
.LBB2_5:
0x13d: {  	p0 =	sne.s32 s28, $0x4E00;
	v21 =	vld [tilespmem:s29+$0x6830];
	v20 =	vmul.f32 $1.442695020e+00, v20;
	[tilespmem:s17+$0xA400] =	vst v18;
	v11 =	vmul.f32 v11, v7;
	v7 =	vmovc v4;
	v4 =	vadd.f32 v12, v17  }
0x13e: {  	v12 =	vld [tilespmem:s29+$0x5400];
	v13 =	vmul.f32 v8, v13;
	[tilespmem:s17+$0xA410] =	vst v19  }
0x13f: {  	v17 =	vld [tilespmem:s29+$0x7C30];
	v16 =	vmul.f32 v9, v16;
	(erf) = vpow2.f32 v20;
	[tilespmem:s17+$0xA420] =	vst v11;
	s17 =	smov.u32 s16;
	s16 =	smov.u32 s19;
	s19 =	smov.u32 s29  }
0x140: {  	v18 =	vld [tilespmem:s19+$0x6800];
	v13 =	vmul.f32 v13, v0;
	v26 =	vmul.f32 v4, v14  }
0x141: {  	v14 =	vld [tilespmem:s19+$0x9030];
	v16 =	vmul.f32 v16, v1;
	v19 =	vpop (erf)  }
0x142: {  	v20 =	vld [tilespmem:s19+$0x5410];
	v15 =	vadd.f32 v21, v15;
	v21 =	vmul.f32 $9.999999770e-03, v13;
	v22 =	vmul.f32 v26, v2;
	[tilespmem:s17+$0xA440] =	vst v19;
	v23 =	vpop (erf)  }
0x143: {  	vm0 =	vgt.f32 v13, $0.0e+00;
	v24 =	vld [tilespmem:s19+$0x6810];
	vm1 =	vgt.f32 v16, $0.0e+00;
	v25 =	vmul.f32 $9.999999770e-03, v16;
	[tilespmem:s17+$0xA450] =	vst v23;
	v11 =	vpop (erf)  }
0x144: {  	v26 =	vld [tilespmem:s19+$0x5420];
	v15 =	vadd.f32 v17, v15;
	vm2 =	vgt.f32 v22, $0.0e+00;
	v17 =	vmul.f32 $9.999999770e-03, v22;
	[tilespmem:s17+$0xA460] =	vst v11  }
0x145: {  	v27 =	vadd.f32 v18, v12;
	v18 =	vld [tilespmem:s19+$0x6820];
	v12 =	vsel vm0, v13, v21;
	v13 =	vsel vm1, v16, v25  }
0x146: {  	v21 =	vld [tilespmem:s19+$0x7C00];
	v28 =	vmul.f32 v15, v14;
	v16 =	vmul.f32 $1.442695020e+00, v12;
	v12 =	vsel vm2, v22, v17  }
0x147: {  	v17 =	vmul.f32 $1.442695020e+00, v13;
	v22 =	vld [tilespmem:s19+$0x7C10];
	v25 =	vmul.f32 $1.442695020e+00, v12  }
.Ltmp1:
0x148: {  	v24 =	vadd.f32 v24, v20;
	v12 =	vld [tilespmem:s19+$0x7C20];
	v20 =	vmul.f32 v28, v3;
	(erf) = vpow2.f32 v16;
	v14 =	vpop (erf);
	(pc) =	sbr.rel @p0 .LBB2_5-.Ltmp1, $4  }
0x149: {  	v13 =	vld [tilespmem:s19+$0x9000];
	v28 =	vmul.f32 v14, v10;
	[tilespmem:s16+$0xA470] =	vst v14;
	(erf) = vpow2.f32 v17;
	v10 =	vmov v15  }
0x14a: {  	v16 =	vld [tilespmem:s19+$0x9010];
	v17 =	vadd.f32 v18, v26;
	v26 =	vmul.f32 $9.999999770e-03, v20;
	(erf) = vpow2.f32 v25  }
0x14b: {  	s29 =	sshra.s32 s28, $0x2;
	vm0 =	vgt.f32 v20, $0.0e+00;
	v18 =	vmul.f32 v19, v6;
	v6 =	vmovc v8;
	v14 =	vld [tilespmem:s19+$0x9020];
	[tilespmem:s16+$0xA430] =	vst v28;
	v8 =	vadd.f32 v21, v27  }
0x14c: {  	s28 =	sadd.s32 $0x200, s28;
	v19 =	vmul.f32 v23, v5;
	v5 =	vmovc v9;
	v15 =	vld [tilespmem:s29+$0x5430];
	v20 =	vsel vm0, v20, v26;
	v9 =	vadd.f32 v22, v24  }
0x14d: {  	v21 =	vld [tilespmem:s29+$0x6830];
	[tilespmem:s17+$0xA400] =	vst v18;
	v7 =	vmul.f32 v11, v7;
	v38 =	vmul.f32 $1.442695020e+00, v20  }
0x14e: {  	v18 =	vld [tilespmem:s29+$0x5400];
	[tilespmem:s17+$0xA410] =	vst v19  }
0x14f: {  	v37 =	vld [tilespmem:s29+$0x7C30];
	[tilespmem:s17+$0xA420] =	vst v7;
	(erf) = vpow2.f32 v38  }
0x150: {  	v12 =	vadd.f32 v12, v17;
	v13 =	vmul.f32 v8, v13;
	v7 =	vld [tilespmem:s29+$0x6800]  }
0x151: {  	v16 =	vmul.f32 v9, v16;
	v39 =	vld [tilespmem:s29+$0x9030];
	v22 =	vpop (erf)  }
0x152: {  	v23 =	vld [tilespmem:s29+$0x5410];
	v14 =	vmul.f32 v12, v14;
	v13 =	vmul.f32 v13, v0;
	[tilespmem:s16+$0xA440] =	vst v22;
	v40 =	vpop (erf);
	v15 =	vadd.f32 v21, v15  }
0x153: {  	v16 =	vmul.f32 v16, v1;
	v41 =	vld [tilespmem:s29+$0x6810];
	[tilespmem:s16+$0xA450] =	vst v40;
	v24 =	vpop (erf)  }
0x154: {  	v14 =	vmul.f32 v14, v2;
	v26 =	vmul.f32 $9.999999770e-03, v13;
	v25 =	vld [tilespmem:s29+$0x5420];
	[tilespmem:s16+$0xA460] =	vst v24;
	v11 =	vadd.f32 v37, v15  }
0x155: {  	vm0 =	vgt.f32 v13, $0.0e+00;
	v6 =	vmul.f32 v22, v6;
	v27 =	vmul.f32 $9.999999770e-03, v16;
	v28 =	vld [tilespmem:s29+$0x7C00]  }
0x156: {  	vm1 =	vgt.f32 v16, $0.0e+00;
	v5 =	vmul.f32 v40, v5;
	v42 =	vld [tilespmem:s29+$0x6820];
	v20 =	vmul.f32 v11, v39  }
0x157: {  	v43 =	vmul.f32 $9.999999770e-03, v14;
	v13 =	vsel vm0, v13, v26;
	vm11 =	vgt.f32 v14, $0.0e+00;
	v46 =	vld [tilespmem:s29+$0x9000]  }
0x158: {  	v29 =	vld [tilespmem:s29+$0x7C10];
	v16 =	vsel vm1, v16, v27;
	v7 =	vadd.f32 v7, v18;
	v45 =	vpop (erf);
	v48 =	vmul.f32 v20, v3  }
0x159: {  	v44 =	vld [tilespmem:s29+$0x7C20];
	v13 =	vmul.f32 $1.442695020e+00, v13;
	v14 =	vsel vm11, v14, v43;
	v16 =	vmul.f32 $1.442695020e+00, v16;
	[tilespmem:s19+$0xA470] =	vst v45  }
0x15a: {  	v14 =	vmul.f32 $1.442695020e+00, v14;
	v49 =	vld [tilespmem:s29+$0x9010];
	v20 =	vmul.f32 $9.999999770e-03, v48;
	v7 =	vadd.f32 v28, v7  }
0x15b: {  	(erf) = vpow2.f32 v13;
	v47 =	vadd.f32 v41, v23;
	v51 =	vld [tilespmem:s29+$0x9020];
	vm12 =	vgt.f32 v48, $0.0e+00  }
0x15c: {  	v50 =	vadd.f32 v42, v25;
	v53 =	vsel vm12, v48, v20;
	v54 =	vmul.f32 v7, v46  }
0x15d: {  	(erf) = vpow2.f32 v16;
	v52 =	vadd.f32 v29, v47;
	v18 =	vmul.f32 $1.442695020e+00, v53  }
0x15e: {  	(erf) = vpow2.f32 v14;
	v15 =	vadd.f32 v44, v50;
	v19 =	vmul.f32 v54, v0  }
0x15f: {  	v13 =	vmul.f32 v52, v49;
	(erf) = vpow2.f32 v18  }
0x160: {  	v16 =	vmul.f32 v15, v51;
	v55 =	vmul.f32 $9.999999770e-03, v19  }
0x161: {  	v10 =	vmul.f32 v45, v10;
	vm13 =	vgt.f32 v19, $0.0e+00;
	v13 =	vmul.f32 v13, v1  }
0x162: {  	v4 =	vmul.f32 v24, v4;
	v16 =	vmul.f32 v16, v2;
	v18 =	vsel vm13, v19, v55  }
0x163: {  	[tilespmem:s19+$0xA430] =	vst v10;
	v56 =	vmul.f32 $9.999999770e-03, v13;
	v59 =	vmul.f32 $1.442695020e+00, v18  }
0x164: {  	[tilespmem:s16+$0xA400] =	vst v6;
	vm14 =	vgt.f32 v13, $0.0e+00;
	v57 =	vmul.f32 $9.999999770e-03, v16  }
0x165: {  	[tilespmem:s16+$0xA410] =	vst v5;
	v5 =	vpop (erf);
	vm15 =	vgt.f32 v16, $0.0e+00;
	v58 =	vsel vm14, v13, v56;
	(erf) = vpow2.f32 v59  }
0x166: {  	[tilespmem:s16+$0xA420] =	vst v4;
	v4 =	vpop (erf);
	v60 =	vsel vm15, v16, v57;
	v10 =	vmul.f32 $1.442695020e+00, v58  }
0x167: {  	[tilespmem:s19+$0xA440] =	vst v5;
	v61 =	vpop (erf);
	v6 =	vmul.f32 $1.442695020e+00, v60  }
0x168: {  	[tilespmem:s19+$0xA450] =	vst v4;
	(erf) = vpow2.f32 v10;
	v62 =	vpop (erf)  }
0x169: {  	[tilespmem:s19+$0xA460] =	vst v61;
	(erf) = vpow2.f32 v6;
	v11 =	vmul.f32 v62, v11  }
0x16a: {  	v5 =	vmul.f32 v5, v8;
	v4 =	vmul.f32 v4, v9;
	[tilespmem:s29+$0xA470] =	vst v62  }
0x16b: {  	[tilespmem:s29+$0xA430] =	vst v11  }
0x16c: {  	[tilespmem:s19+$0xA400] =	vst v5;
	v5 =	vmul.f32 v61, v12  }
0x16d: {  	[tilespmem:s19+$0xA410] =	vst v4  }
0x16e: {  	[tilespmem:s19+$0xA420] =	vst v5;
	v4 =	vpop (erf)  }
0x16f: {  	[tilespmem:s29+$0xA440] =	vst v4;
	v4 =	vmul.f32 v4, v7;
	_ =	sdelay $0x1  }
0x170: {  	v5 =	vpop (erf);
	[tilespmem:s29+$0xA400] =	vst v4  }
0x171: {  	[tilespmem:s29+$0xA450] =	vst v5;
	v63 =	vpop (erf);
	v5 =	vmul.f32 v5, v52  }
0x172: {  	s15 =	sadd.s32 $0x1, s15;
	[tilespmem:s29+$0xA460] =	vst v63;
	v4 =	vmul.f32 v63, v15  }
0x173: {  	p0 =	sne.s32 s15, $0x7D;
	[tilespmem:s29+$0xA410] =	vst v5  }
.Ltmp2:
0x174: {  	s1 =	rddreg [dreg:$0x3];
	[tilespmem:s29+$0xA420] =	vst v4;
	(pc) =	sbr.rel @p0 .LBB2_2-.Ltmp2, $4  }
0x175: {  	[spmem:s1] =	stream.indirect.scatter.add.f32 [tilespmem:s18], [sflag:$0x3], $0x80, s9, s0, $0xb8;
	[tilespmem:$0x1F880] =	vst v63  }
0x176: {  	_ =	swait.ge [sflag:s26], $0x1400  }
0x177: {  	[sflag:s26] =	ssyncset.done $0x0  }
0x178: {  	[sflag:s26] =	ssyncadd.s32 $0xFFFFEC00  }
0x179: {  	[bflag:$0x0] =	sbarrier.arrive $0xFFFF  }
0x17a: {  	s15 =	rddreg [dreg:$0x7]  }
0x17b: {  	[tilespmem:s18], [sflag:$0x3] =	stream.linear.gather [spmem:s15], $0x1400, $0x38;
	[tilespmem:$0x1F880] =	vst v63  }
0x17c: {  	_ =	swait.ge [sflag:s26], $0x1400  }
0x17d: {  	[sflag:s26] =	ssyncset.done $0x0  }
0x17e: {  	s2 =	sadd.s32 $0x0, s23;
	[sflag:s26] =	ssyncadd.s32 $0xFFFFEC00  }
0x17f: {  	[hbm4b:s2+s4] =	stream.linear.scatter [tilespmem:s18], [sflag:$0x3], $0x1400, $0x38;
	[tilespmem:$0x1F880] =	vst v63  }
0x180: {  	_ =	swait.ge [sflag:s26], $0x1400  }
0x181: {  	s2 =	simm.s32 $0x280;
	[sflag:s26] =	ssyncset.done $0x0  }
.LBB2_8:
0x182: {  	p0 =	sne.s32 s2, $0x2580;
	[sflag:s26] =	ssyncadd.s32 $0xFFFFEC00;
	s15 =	sadd.s32 $0x1400, s15  }
0x183: {  	[tilespmem:s18], [sflag:$0x3] =	stream.linear.gather [spmem:s15], $0x1400, $0x38;
	[tilespmem:$0x1F880] =	vst v63  }
0x184: {  	s16 =	smov.u32 s2;
	s2 =	sadd.s32 $0x280, s2;
	_ =	swait.ge [sflag:s26], $0x1400  }
.Ltmp3:
0x185: {  	[sflag:s26] =	ssyncset.done $0x0;
	(pc) =	sbr.rel @p0 .LBB2_8-.Ltmp3, $4  }
0x186: {  	s16 =	sadd.s32 s16, s23;
	[sflag:s26] =	ssyncadd.s32 $0xFFFFEC00  }
0x187: {  	[hbm4b:s16+s4] =	stream.linear.scatter [tilespmem:s18], [sflag:$0x3], $0x1400, $0x38;
	[tilespmem:$0x1F880] =	vst v63  }
0x188: {  	_ =	swait.ge [sflag:s26], $0x1400  }
0x189: {  	[sflag:s26] =	ssyncset.done $0x0  }
0x18a: {  	[sflag:s26] =	ssyncadd.s32 $0xFFFFEC00  }
0x18b: {  	[bflag:$0x0] =	sbarrier.arrive $0xFFFF  }
0x18c: {  	s2 =	rddreg [dreg:$0x6]  }
0x18d: {  	s1 =	rddreg [dreg:$0xf]  }
0x18e: {  	s15 =	rddreg [dreg:$0x10]  }
0x18f: {  	[spmem:s15], [sflag:s1] =	dma.local [hbm:s2], $0x2800  }
0x190: {  	_ =	swait.ge [sflag:s26], $0x2800  }
0x191: {  	[sflag:s26] =	ssyncset.done $0x0  }
0x192: {  	[sflag:s26] =	ssyncadd.s32 $0xFFFFD800  }
0x193: {  	[bflag:$0x0] =	sbarrier.arrive $0xFFFF  }
0x194: {  	v0 =	vld [tilespmem:$0xB840]  }
0x195: {  	v1 =	vld [tilespmem:$0xB850]  }
0x196: {  	s15 =	simm.s32 $0x0;
	v2 =	vld [tilespmem:$0xB860];
	s16 =	rddreg [dreg:$0x8]  }
0x197: {  	v3 =	vld [tilespmem:$0xB870];
	[tilespmem:s15], [sflag:$0x1] =	stream.linear.gather [hbm4b:s16+s15], $0x28, $0x38  }
0x198: {  	s1 =	simm.s32 $0x80;
	s17 =	rddreg [dreg:$0x9]  }
0x199: {  	[tilespmem:s1], [sflag:$0x1] =	stream.linear.gather [hbm4b:s17+s15], $0x28, $0x38;
	[tilespmem:$0x1F880] =	vst v63  }
0x19a: {  	s19 =	rddreg [dreg:$0xa];
	s16 =	simm.s32 $0x100  }
0x19b: {  	[tilespmem:s16], [sflag:$0x1] =	stream.linear.gather [hbm4b:s19+s15], $0x28, $0x38;
	[tilespmem:$0x1F880] =	vst v63  }
0x19c: {  	s28 =	rddreg [dreg:$0xb];
	s17 =	simm.s32 $0x180  }
0x19d: {  	[tilespmem:s17], [sflag:$0x1] =	stream.linear.gather [hbm4b:s28+s15], $0x28, $0x38;
	[tilespmem:$0x1F880] =	vst v63  }
0x19e: {  	_ =	swait.ge [sflag:s31], $0x28  }
0x19f: {  	[sflag:s31] =	ssyncset.done $0x0  }
0x1a0: {  	[sflag:s31] =	ssyncadd.s32 $0xFFFFFFD8  }
0x1a1: {  	_ =	swait.ge [sflag:s31], $0x28  }
0x1a2: {  	[sflag:s31] =	ssyncset.done $0x0  }
0x1a3: {  	[sflag:s31] =	ssyncadd.s32 $0xFFFFFFD8  }
0x1a4: {  	_ =	swait.ge [sflag:s31], $0x28  }
0x1a5: {  	[sflag:s31] =	ssyncset.done $0x0  }
0x1a6: {  	[sflag:s31] =	ssyncadd.s32 $0xFFFFFFD8  }
0x1a7: {  	_ =	swait.ge [sflag:s31], $0x28  }
0x1a8: {  	[sflag:s31] =	ssyncset.done $0x0  }
0x1a9: {  	s29 =	simm.s32 $0x200;
	[sflag:s31] =	ssyncadd.s32 $0xFFFFFFD8  }
0x1aa: {  	[tilespmem:s29], [sflag:$0x1] =	stream.indirect.gather [hbm4b:s30+s0], $0x80, s15, s0, $0xb8;
	[tilespmem:$0x1F880] =	vst v63  }
0x1ab: {  	s19 =	simm.s32 $0x1600  }
0x1ac: {  	[tilespmem:s19], [sflag:$0x1] =	stream.indirect.gather [hbm4b:s5+s0], $0x80, s16, s0, $0xb8;
	[tilespmem:$0x1F880] =	vst v63  }
0x1ad: {  	s28 =	simm.s32 $0x2A00  }
0x1ae: {  	[tilespmem:s28], [sflag:$0x1] =	stream.indirect.gather [hbm4b:s6+s0], $0x80, s17, s0, $0xb8;
	[tilespmem:$0x1F880] =	vst v63  }
0x1af: {  	s29 =	simm.s32 $0x3E00;
	s19 =	simm.s32 $0x0  }
0x1b0: {  	[tilespmem:s29], [sflag:$0x1] =	stream.indirect.gather [hbm4b:s7+s0], $0x80, s1, s0, $0xb8;
	[tilespmem:$0x1F880] =	vst v63  }
.LBB2_10:
0x1b1: {  	s16 =	smul.u32 $0x50, s19;
	_ =	sdelay $0x1  }
0x1b2: {  	s2 =	sadd.s32 s16, s20  }
0x1b3: {  	s17 =	sshrl.u32 s2, $0x3  }
0x1b4: {  	s28 =	sadd.s32 s10, s17  }
0x1b5: {  	[tilespmem:s8], [sflag:$0x2] =	stream.linear.gather [hbm4b:s28+s15], $0x28, $0x38;
	[tilespmem:$0x1F880] =	vst v63  }
0x1b6: {  	s2 =	sadd.s32 s14, s2;
	s28 =	sadd.s32 s11, s17  }
0x1b7: {  	[tilespmem:s9], [sflag:$0x2] =	stream.linear.gather [hbm4b:s28+s15], $0x28, $0x38;
	[tilespmem:$0x1F880] =	vst v63  }
0x1b8: {  	s2 =	sshrl.u32 s2, $0x3;
	s17 =	sadd.s32 s3, s17  }
0x1b9: {  	[tilespmem:s25], [sflag:$0x2] =	stream.linear.gather [hbm4b:s17+s15], $0x28, $0x38;
	[tilespmem:$0x1F880] =	vst v63  }
0x1ba: {  	s2 =	sadd.s32 s12, s2  }
0x1bb: {  	[tilespmem:s22], [sflag:$0x2] =	stream.linear.gather [hbm4b:s2+s15], $0x28, $0x38;
	[tilespmem:$0x1F880] =	vst v63  }
0x1bc: {  	_ =	swait.ge [sflag:s13], $0x28  }
0x1bd: {  	[sflag:s13] =	ssyncset.done $0x0  }
0x1be: {  	[sflag:s13] =	ssyncadd.s32 $0xFFFFFFD8  }
0x1bf: {  	_ =	swait.ge [sflag:s13], $0x28  }
0x1c0: {  	[sflag:s13] =	ssyncset.done $0x0  }
0x1c1: {  	[sflag:s13] =	ssyncadd.s32 $0xFFFFFFD8  }
0x1c2: {  	_ =	swait.ge [sflag:s13], $0x28  }
0x1c3: {  	[sflag:s13] =	ssyncset.done $0x0  }
0x1c4: {  	[sflag:s13] =	ssyncadd.s32 $0xFFFFFFD8  }
0x1c5: {  	_ =	swait.ge [sflag:s13], $0x28  }
0x1c6: {  	[sflag:s13] =	ssyncset.done $0x0  }
0x1c7: {  	s17 =	simm.s32 $0x5400;
	[sflag:s13] =	ssyncadd.s32 $0xFFFFFFD8  }
0x1c8: {  	[tilespmem:s17], [sflag:$0x2] =	stream.indirect.gather [hbm4b:s30+s0], $0x80, s8, s0, $0xb8;
	[tilespmem:$0x1F880] =	vst v63  }
0x1c9: {  	s1 =	smov.u32 s20;
	s20 =	simm.s32 $0x6800  }
0x1ca: {  	[tilespmem:s20], [sflag:$0x2] =	stream.indirect.gather [hbm4b:s5+s0], $0x80, s25, s0, $0xb8;
	[tilespmem:$0x1F880] =	vst v63  }
0x1cb: {  	s17 =	simm.s32 $0x7C00  }
0x1cc: {  	[tilespmem:s17], [sflag:$0x2] =	stream.indirect.gather [hbm4b:s6+s0], $0x80, s22, s0, $0xb8;
	[tilespmem:$0x1F880] =	vst v63  }
0x1cd: {  	s20 =	simm.s32 $0x9000  }
0x1ce: {  	[tilespmem:s20], [sflag:$0x2] =	stream.indirect.gather [hbm4b:s7+s0], $0x80, s9, s0, $0xb8;
	[tilespmem:$0x1F880] =	vst v63  }
0x1cf: {  	_ =	swait.ge [sflag:s31], $0x1400  }
0x1d0: {  	[sflag:s31] =	ssyncset.done $0x0  }
0x1d1: {  	[sflag:s31] =	ssyncadd.s32 $0xFFFFEC00  }
0x1d2: {  	_ =	swait.ge [sflag:s31], $0x1400  }
0x1d3: {  	[sflag:s31] =	ssyncset.done $0x0  }
0x1d4: {  	[sflag:s31] =	ssyncadd.s32 $0xFFFFEC00  }
0x1d5: {  	_ =	swait.ge [sflag:s31], $0x1400  }
0x1d6: {  	[sflag:s31] =	ssyncset.done $0x0  }
0x1d7: {  	[sflag:s31] =	ssyncadd.s32 $0xFFFFEC00  }
0x1d8: {  	_ =	swait.ge [sflag:s31], $0x1400  }
0x1d9: {  	[sflag:s31] =	ssyncset.done $0x0  }
0x1da: {  	s30 =	simm.s32 $0x0;
	[sflag:s31] =	ssyncadd.s32 $0xFFFFEC00  }
0x1db: {  	v4 =	vld [tilespmem:s30+$0x270]  }
0x1dc: {  	v5 =	vld [tilespmem:s30+$0x1670]  }
0x1dd: {  	v6 =	vld [tilespmem:s30+$0x240]  }
0x1de: {  	v7 =	vld [tilespmem:s30+$0x2A70]  }
0x1df: {  	v8 =	vld [tilespmem:s30+$0x1640]  }
0x1e0: {  	v9 =	vld [tilespmem:s30+$0x3E70]  }
0x1e1: {  	v10 =	vld [tilespmem:s30+$0x250];
	v4 =	vadd.f32 v5, v4  }
0x1e2: {  	v11 =	vld [tilespmem:s30+$0x260]  }
0x1e3: {  	v12 =	vld [tilespmem:s30+$0x2A40];
	v4 =	vadd.f32 v7, v4  }
0x1e4: {  	v13 =	vld [tilespmem:s30+$0x2A50]  }
0x1e5: {  	v14 =	vld [tilespmem:s30+$0x2A60];
	v9 =	vmul.f32 v4, v9  }
0x1e6: {  	v5 =	vld [tilespmem:s30+$0x1650]  }
0x1e7: {  	v15 =	vld [tilespmem:s30+$0x3E40];
	v9 =	vmul.f32 v9, v3  }
0x1e8: {  	v16 =	vld [tilespmem:s30+$0x3E50]  }
0x1e9: {  	v7 =	vld [tilespmem:s30+$0x1660];
	v17 =	vmul.f32 $9.999999770e-03, v9  }
0x1ea: {  	s29 =	simm.s32 $0x80;
	v18 =	vld [tilespmem:s30+$0x3E60];
	vm0 =	vgt.f32 v9, $0.0e+00  }
0x1eb: {  	v19 =	vld [tilespmem:s29+$0x270];
	v6 =	vadd.f32 v8, v6;
	v5 =	vadd.f32 v5, v10;
	v9 =	vsel vm0, v9, v17  }
0x1ec: {  	v22 =	vld [tilespmem:s29+$0x2A40];
	v8 =	vmul.f32 $1.442695020e+00, v9  }
0x1ed: {  	v23 =	vld [tilespmem:s29+$0x2A50];
	v20 =	vadd.f32 v12, v6;
	v21 =	vadd.f32 v13, v5  }
0x1ee: {  	v7 =	vadd.f32 v7, v11;
	v17 =	vld [tilespmem:s29+$0x1670];
	(erf) = vpow2.f32 v8  }
0x1ef: {  	v24 =	vld [tilespmem:s29+$0x3E40];
	v12 =	vmul.f32 v21, v16;
	v8 =	vmul.f32 v20, v15  }
0x1f0: {  	v10 =	vld [tilespmem:s29+$0x2A70];
	v7 =	vadd.f32 v14, v7  }
0x1f1: {  	v6 =	vld [tilespmem:s29+$0x1640];
	v12 =	vmul.f32 v12, v1;
	v8 =	vmul.f32 v8, v0  }
0x1f2: {  	v5 =	vld [tilespmem:s29+$0x3E70];
	v16 =	vmul.f32 v7, v18  }
0x1f3: {  	v11 =	vld [tilespmem:s29+$0x250];
	v17 =	vadd.f32 v17, v19;
	v19 =	vmul.f32 $9.999999770e-03, v12;
	v18 =	vmul.f32 $9.999999770e-03, v8  }
0x1f4: {  	v13 =	vld [tilespmem:s29+$0x1650];
	vm9 =	vgt.f32 v8, $0.0e+00  }
0x1f5: {  	v9 =	vld [tilespmem:s29+$0x240];
	v16 =	vmul.f32 v16, v2;
	v17 =	vadd.f32 v10, v17;
	v8 =	vsel vm9, v8, v18  }
0x1f6: {  	v14 =	vld [tilespmem:s29+$0x260];
	vm1 =	vgt.f32 v12, $0.0e+00;
	v8 =	vmul.f32 $1.442695020e+00, v8  }
0x1f7: {  	v15 =	vld [tilespmem:s29+$0x1660];
	v12 =	vsel vm1, v12, v19;
	v10 =	vmul.f32 $9.999999770e-03, v16;
	v5 =	vmul.f32 v17, v5;
	v19 =	vpop (erf)  }
0x1f8: {  	vm10 =	vgt.f32 v16, $0.0e+00;
	v18 =	vld [tilespmem:s29+$0x2A60];
	(erf) = vpow2.f32 v8;
	[tilespmem:s30+$0xA470] =	vst v19;
	v4 =	vmul.f32 v19, v4  }
0x1f9: {  	v12 =	vmul.f32 $1.442695020e+00, v12;
	v10 =	vsel vm10, v16, v10;
	v8 =	vld [tilespmem:s29+$0x3E50]  }
0x1fa: {  	v6 =	vadd.f32 v6, v9;
	v10 =	vmul.f32 $1.442695020e+00, v10;
	v16 =	vld [tilespmem:s29+$0x3E60];
	[tilespmem:s30+$0xA430] =	vst v4;
	v4 =	vmul.f32 v5, v3  }
0x1fb: {  	s17 =	simm.s32 $0x100;
	(erf) = vpow2.f32 v12  }
0x1fc: {  	v6 =	vadd.f32 v22, v6;
	(erf) = vpow2.f32 v10;
	v12 =	vld [tilespmem:s17+$0x270];
	v5 =	vmul.f32 $9.999999770e-03, v4  }
0x1fd: {  	v10 =	vld [tilespmem:s17+$0x1670];
	vm11 =	vgt.f32 v4, $0.0e+00  }
0x1fe: {  	v22 =	vmul.f32 v6, v24;
	v19 =	vld [tilespmem:s17+$0x240];
	v4 =	vsel vm11, v4, v5;
	v5 =	vadd.f32 v13, v11  }
0x1ff: {  	v9 =	vld [tilespmem:s17+$0x2A70];
	v11 =	vadd.f32 v15, v14;
	v4 =	vmul.f32 $1.442695020e+00, v4  }
0x200: {  	v22 =	vmul.f32 v22, v0;
	v25 =	vld [tilespmem:s17+$0x1640];
	v5 =	vadd.f32 v23, v5  }
0x201: {  	v13 =	vld [tilespmem:s17+$0x3E70];
	v15 =	vpop (erf);
	(erf) = vpow2.f32 v4;
	v4 =	vadd.f32 v18, v11  }
0x202: {  	v14 =	vld [tilespmem:s17+$0x250];
	v10 =	vadd.f32 v10, v12;
	v12 =	vmul.f32 $9.999999770e-03, v22;
	[tilespmem:s30+$0xA440] =	vst v15;
	v8 =	vmul.f32 v5, v8  }
0x203: {  	vm12 =	vgt.f32 v22, $0.0e+00;
	v18 =	vld [tilespmem:s17+$0x1650];
	v16 =	vmul.f32 v4, v16  }
0x204: {  	v23 =	vpop (erf);
	v10 =	vadd.f32 v9, v10;
	v9 =	vsel vm12, v22, v12;
	v8 =	vmul.f32 v8, v1  }
0x205: {  	[tilespmem:s30+$0xA450] =	vst v23;
	v11 =	vpop (erf);
	v9 =	vmul.f32 $1.442695020e+00, v9;
	v16 =	vmul.f32 v16, v2  }
0x206: {  	v59 =	vld [tilespmem:s17+$0x260];
	[tilespmem:s30+$0xA460] =	vst v11;
	v60 =	vmul.f32 v10, v13;
	v27 =	vmul.f32 $9.999999770e-03, v8  }
0x207: {  	v26 =	vld [tilespmem:s17+$0x1660];
	(erf) = vpow2.f32 v9;
	vm13 =	vgt.f32 v8, $0.0e+00;
	v28 =	vmul.f32 $9.999999770e-03, v16  }
0x208: {  	v22 =	vld [tilespmem:s17+$0x2A40];
	vm14 =	vgt.f32 v16, $0.0e+00;
	v62 =	vadd.f32 v18, v14;
	v8 =	vsel vm13, v8, v27  }
0x209: {  	v29 =	vld [tilespmem:s17+$0x2A50];
	v18 =	vmul.f32 v15, v20;
	v16 =	vsel vm14, v16, v28;
	v8 =	vmul.f32 $1.442695020e+00, v8  }
0x20a: {  	v12 =	vld [tilespmem:s17+$0x2A60];
	v27 =	vmul.f32 v60, v3;
	v9 =	vpop (erf);
	v61 =	vmul.f32 $1.442695020e+00, v16  }
0x20b: {  	v19 =	vadd.f32 v25, v19;
	v13 =	vld [tilespmem:s17+$0x3E40];
	[tilespmem:s29+$0xA470] =	vst v9;
	v9 =	vmul.f32 v9, v17;
	(erf) = vpow2.f32 v8  }
0x20c: {  	v63 =	vmul.f32 $9.999999770e-03, v27;
	v16 =	vld [tilespmem:s17+$0x3E50];
	(erf) = vpow2.f32 v61  }
0x20d: {  	s28 =	simm.s32 $0x180;
	vm15 =	vgt.f32 v27, $0.0e+00;
	v17 =	vadd.f32 v26, v59;
	v8 =	vadd.f32 v22, v19;
	v14 =	vld [tilespmem:s17+$0x3E60];
	[tilespmem:s29+$0xA430] =	vst v9  }
0x20e: {  	s2 =	simm.s32 $0x800;
	v19 =	vmul.f32 v23, v21;
	v20 =	vsel vm15, v27, v63;
	v9 =	vadd.f32 v29, v62;
	v15 =	vld [tilespmem:s28+$0x270]  }
.LBB2_11:
0x20f: {  	p0 =	sne.s32 s2, $0x4E00;
	v21 =	vld [tilespmem:s28+$0x1670];
	v20 =	vmul.f32 $1.442695020e+00, v20;
	[tilespmem:s30+$0xA400] =	vst v18;
	v11 =	vmul.f32 v11, v7;
	v7 =	vmovc v4;
	v4 =	vadd.f32 v12, v17  }
0x210: {  	v12 =	vld [tilespmem:s28+$0x240];
	v13 =	vmul.f32 v8, v13;
	[tilespmem:s30+$0xA410] =	vst v19  }
0x211: {  	v17 =	vld [tilespmem:s28+$0x2A70];
	v16 =	vmul.f32 v9, v16;
	(erf) = vpow2.f32 v20;
	[tilespmem:s30+$0xA420] =	vst v11;
	s30 =	smov.u32 s29;
	s29 =	smov.u32 s17;
	s17 =	smov.u32 s28  }
0x212: {  	v18 =	vld [tilespmem:s17+$0x1640];
	v13 =	vmul.f32 v13, v0;
	v26 =	vmul.f32 v4, v14  }
0x213: {  	v14 =	vld [tilespmem:s17+$0x3E70];
	v16 =	vmul.f32 v16, v1;
	v19 =	vpop (erf)  }
0x214: {  	v20 =	vld [tilespmem:s17+$0x250];
	v15 =	vadd.f32 v21, v15;
	v21 =	vmul.f32 $9.999999770e-03, v13;
	v22 =	vmul.f32 v26, v2;
	[tilespmem:s30+$0xA440] =	vst v19;
	v23 =	vpop (erf)  }
0x215: {  	vm0 =	vgt.f32 v13, $0.0e+00;
	v24 =	vld [tilespmem:s17+$0x1650];
	vm1 =	vgt.f32 v16, $0.0e+00;
	v25 =	vmul.f32 $9.999999770e-03, v16;
	[tilespmem:s30+$0xA450] =	vst v23;
	v11 =	vpop (erf)  }
0x216: {  	v26 =	vld [tilespmem:s17+$0x260];
	v15 =	vadd.f32 v17, v15;
	vm2 =	vgt.f32 v22, $0.0e+00;
	v17 =	vmul.f32 $9.999999770e-03, v22;
	[tilespmem:s30+$0xA460] =	vst v11  }
0x217: {  	v27 =	vadd.f32 v18, v12;
	v18 =	vld [tilespmem:s17+$0x1660];
	v12 =	vsel vm0, v13, v21;
	v13 =	vsel vm1, v16, v25  }
0x218: {  	v21 =	vld [tilespmem:s17+$0x2A40];
	v28 =	vmul.f32 v15, v14;
	v16 =	vmul.f32 $1.442695020e+00, v12;
	v12 =	vsel vm2, v22, v17  }
0x219: {  	v17 =	vmul.f32 $1.442695020e+00, v13;
	v22 =	vld [tilespmem:s17+$0x2A50];
	v25 =	vmul.f32 $1.442695020e+00, v12  }
.Ltmp4:
0x21a: {  	v24 =	vadd.f32 v24, v20;
	v12 =	vld [tilespmem:s17+$0x2A60];
	v20 =	vmul.f32 v28, v3;
	(erf) = vpow2.f32 v16;
	v14 =	vpop (erf);
	(pc) =	sbr.rel @p0 .LBB2_11-.Ltmp4, $4  }
0x21b: {  	v13 =	vld [tilespmem:s17+$0x3E40];
	v28 =	vmul.f32 v14, v10;
	[tilespmem:s29+$0xA470] =	vst v14;
	(erf) = vpow2.f32 v17;
	v10 =	vmov v15  }
0x21c: {  	v16 =	vld [tilespmem:s17+$0x3E50];
	v17 =	vadd.f32 v18, v26;
	v26 =	vmul.f32 $9.999999770e-03, v20;
	(erf) = vpow2.f32 v25  }
0x21d: {  	s28 =	sshra.s32 s2, $0x2;
	vm0 =	vgt.f32 v20, $0.0e+00;
	v18 =	vmul.f32 v19, v6;
	v6 =	vmovc v8;
	v14 =	vld [tilespmem:s17+$0x3E60];
	[tilespmem:s29+$0xA430] =	vst v28;
	v8 =	vadd.f32 v21, v27  }
0x21e: {  	s2 =	sadd.s32 $0x200, s2;
	v19 =	vmul.f32 v23, v5;
	v5 =	vmovc v9;
	v15 =	vld [tilespmem:s28+$0x270];
	v20 =	vsel vm0, v20, v26;
	v9 =	vadd.f32 v22, v24  }
0x21f: {  	v21 =	vld [tilespmem:s28+$0x1670];
	[tilespmem:s30+$0xA400] =	vst v18  }
0x220: {  	v7 =	vmul.f32 v11, v7;
	v18 =	vld [tilespmem:s28+$0x240];
	[tilespmem:s30+$0xA410] =	vst v19;
	v19 =	vmul.f32 $1.442695020e+00, v20  }
0x221: {  	v12 =	vadd.f32 v12, v17  }
0x222: {  	v11 =	vld [tilespmem:s28+$0x2A70];
	[tilespmem:s30+$0xA420] =	vst v7;
	(erf) = vpow2.f32 v19  }
0x223: {  	v7 =	vld [tilespmem:s28+$0x1640];
	v14 =	vmul.f32 v12, v14  }
0x224: {  	v13 =	vmul.f32 v8, v13;
	v20 =	vld [tilespmem:s28+$0x3E70];
	v22 =	vpop (erf)  }
0x225: {  	v16 =	vmul.f32 v9, v16;
	v23 =	vld [tilespmem:s28+$0x250];
	[tilespmem:s29+$0xA440] =	vst v22;
	v17 =	vpop (erf);
	v15 =	vadd.f32 v21, v15;
	v14 =	vmul.f32 v14, v2  }
0x226: {  	v13 =	vmul.f32 v13, v0;
	v19 =	vld [tilespmem:s28+$0x1650];
	[tilespmem:s29+$0xA450] =	vst v17;
	v24 =	vpop (erf)  }
0x227: {  	v16 =	vmul.f32 v16, v1;
	v25 =	vld [tilespmem:s28+$0x260];
	[tilespmem:s29+$0xA460] =	vst v24;
	v11 =	vadd.f32 v11, v15;
	v15 =	vmul.f32 $9.999999770e-03, v14  }
0x228: {  	v26 =	vmul.f32 $9.999999770e-03, v13;
	v21 =	vld [tilespmem:s28+$0x1660]  }
0x229: {  	vm0 =	vgt.f32 v13, $0.0e+00;
	v6 =	vmul.f32 v22, v6;
	v27 =	vmul.f32 $9.999999770e-03, v16;
	v28 =	vld [tilespmem:s28+$0x2A40]  }
0x22a: {  	vm1 =	vgt.f32 v16, $0.0e+00;
	v13 =	vsel vm0, v13, v26;
	vm14 =	vgt.f32 v14, $0.0e+00;
	v29 =	vld [tilespmem:s28+$0x2A50]  }
0x22b: {  	v16 =	vsel vm1, v16, v27;
	v51 =	vld [tilespmem:s28+$0x2A60];
	v13 =	vmul.f32 $1.442695020e+00, v13;
	v14 =	vsel vm14, v14, v15;
	v15 =	vpop (erf)  }
0x22c: {  	v52 =	vld [tilespmem:s28+$0x3E40];
	v20 =	vmul.f32 v11, v20;
	v16 =	vmul.f32 $1.442695020e+00, v16;
	[tilespmem:s17+$0xA470] =	vst v15  }
0x22d: {  	v7 =	vadd.f32 v7, v18;
	v14 =	vmul.f32 $1.442695020e+00, v14;
	(erf) = vpow2.f32 v13;
	v13 =	vld [tilespmem:s28+$0x3E50]  }
0x22e: {  	v18 =	vadd.f32 v19, v23;
	v19 =	vmul.f32 v20, v3;
	(erf) = vpow2.f32 v16;
	v16 =	vld [tilespmem:s28+$0x3E60]  }
0x22f: {  	(erf) = vpow2.f32 v14;
	v10 =	vmul.f32 v15, v10;
	v15 =	vadd.f32 v21, v25  }
0x230: {  	v20 =	vmul.f32 $9.999999770e-03, v19;
	v7 =	vadd.f32 v28, v7;
	v14 =	vadd.f32 v29, v18  }
0x231: {  	v5 =	vmul.f32 v17, v5;
	vm15 =	vgt.f32 v19, $0.0e+00;
	v15 =	vadd.f32 v51, v15  }
0x232: {  	v18 =	vsel vm15, v19, v20;
	v19 =	vmul.f32 v7, v52;
	v13 =	vmul.f32 v14, v13  }
0x233: {  	v18 =	vmul.f32 $1.442695020e+00, v18;
	v16 =	vmul.f32 v15, v16  }
0x234: {  	v19 =	vmul.f32 v19, v0;
	v13 =	vmul.f32 v13, v1  }
0x235: {  	(erf) = vpow2.f32 v18;
	v16 =	vmul.f32 v16, v2  }
0x236: {  	v4 =	vmul.f32 v24, v4;
	v17 =	vmul.f32 $9.999999770e-03, v13  }
0x237: {  	v18 =	vmul.f32 $9.999999770e-03, v19;
	vm5 =	vgt.f32 v13, $0.0e+00;
	v20 =	vmul.f32 $9.999999770e-03, v16  }
0x238: {  	[tilespmem:s17+$0xA430] =	vst v10;
	vm4 =	vgt.f32 v19, $0.0e+00;
	vm6 =	vgt.f32 v16, $0.0e+00;
	v10 =	vsel vm5, v13, v17  }
0x239: {  	[tilespmem:s29+$0xA400] =	vst v6;
	v18 =	vsel vm4, v19, v18;
	v6 =	vsel vm6, v16, v20;
	v10 =	vmul.f32 $1.442695020e+00, v10  }
0x23a: {  	v13 =	vmul.f32 $1.442695020e+00, v18;
	v6 =	vmul.f32 $1.442695020e+00, v6  }
0x23b: {  	[tilespmem:s29+$0xA410] =	vst v5;
	v5 =	vpop (erf)  }
0x23c: {  	[tilespmem:s29+$0xA420] =	vst v4;
	v4 =	vpop (erf);
	(erf) = vpow2.f32 v13  }
0x23d: {  	[tilespmem:s17+$0xA440] =	vst v5;
	(erf) = vpow2.f32 v10;
	v10 =	vpop (erf)  }
0x23e: {  	[tilespmem:s17+$0xA450] =	vst v4;
	(erf) = vpow2.f32 v6;
	v6 =	vpop (erf)  }
0x23f: {  	[tilespmem:s17+$0xA460] =	vst v10;
	v11 =	vmul.f32 v6, v11  }
0x240: {  	v5 =	vmul.f32 v5, v8;
	[tilespmem:s28+$0xA470] =	vst v6  }
0x241: {  	v4 =	vmul.f32 v4, v9;
	[tilespmem:s28+$0xA430] =	vst v11  }
0x242: {  	[tilespmem:s17+$0xA400] =	vst v5;
	v5 =	vmul.f32 v10, v12;
	_ =	sdelay $0x1  }
0x243: {  	[tilespmem:s17+$0xA410] =	vst v4  }
0x244: {  	v4 =	vpop (erf);
	[tilespmem:s17+$0xA420] =	vst v5  }
0x245: {  	[tilespmem:s28+$0xA440] =	vst v4;
	v4 =	vmul.f32 v4, v7;
	v5 =	vpop (erf)  }
0x246: {  	[tilespmem:s28+$0xA450] =	vst v5  }
0x247: {  	v6 =	vpop (erf);
	v5 =	vmul.f32 v5, v14;
	[tilespmem:s28+$0xA400] =	vst v4  }
0x248: {  	[tilespmem:s28+$0xA460] =	vst v6;
	v4 =	vmul.f32 v6, v15  }
0x249: {  	[tilespmem:s28+$0xA410] =	vst v5  }
0x24a: {  	s2 =	rddreg [dreg:$0x3];
	s20 =	simm.s32 $0x80;
	[tilespmem:s28+$0xA420] =	vst v4  }
0x24b: {  	[spmem:s2] =	stream.indirect.scatter.add.f32 [tilespmem:s18], [sflag:$0x3], $0x80, s20, s0, $0xb8;
	[tilespmem:$0x1F880] =	vst v63  }
0x24c: {  	_ =	swait.ge [sflag:s26], $0x1400  }
0x24d: {  	p0 =	seq.s32 s19, $0x7C;
	s2 =	rddreg [dreg:$0xc]  }
0x24e: {  	s2 =	sadd.s32 @!p0 s16, s2  }
0x24f: {  	[sflag:s26] =	ssyncset.done $0x0;
	s16 =	sshrl.u32 @!p0 s2, $0x3  }
0x250: {  	s28 =	simm.s32 @!p0 $0x0;
	[sflag:s26] =	ssyncadd.s32 $0xFFFFEC00;
	s17 =	sadd.s32 @!p0 s10, s16  }
0x251: {  	[tilespmem:s28], [sflag:$0x1] =	stream.linear.gather @!p0 [hbm4b:s17+s28], $0x28, $0x38;
	[tilespmem:$0x1F880] =	vst v63  }
0x252: {  	s29 =	simm.s32 @!p0 $0x80;
	s2 =	sadd.s32 @!p0 s14, s2;
	s17 =	sadd.s32 @!p0 s11, s16  }
0x253: {  	[tilespmem:s29], [sflag:$0x1] =	stream.linear.gather @!p0 [hbm4b:s17+s28], $0x28, $0x38;
	[tilespmem:$0x1F880] =	vst v63  }
0x254: {  	s2 =	sshrl.u32 @!p0 s2, $0x3;
	s16 =	sadd.s32 @!p0 s3, s16;
	s17 =	simm.s32 @!p0 $0x100  }
0x255: {  	[tilespmem:s17], [sflag:$0x1] =	stream.linear.gather @!p0 [hbm4b:s16+s28], $0x28, $0x38;
	[tilespmem:$0x1F880] =	vst v63  }
0x256: {  	s2 =	sadd.s32 @!p0 s12, s2;
	s16 =	simm.s32 @!p0 $0x180  }
0x257: {  	[tilespmem:s16], [sflag:$0x1] =	stream.linear.gather @!p0 [hbm4b:s2+s28], $0x28, $0x38;
	[tilespmem:$0x1F880] =	vst v63  }
0x258: {  	s2 =	simm.s32 @!p0 $0x1  }
0x259: {  	_ =	swait.ge @!p0 [sflag:s2], $0x28  }
0x25a: {  	[sflag:s2] =	ssyncset.done @!p0 $0x0  }
0x25b: {  	[sflag:s2] =	ssyncadd.s32 @!p0 $0xFFFFFFD8  }
0x25c: {  	_ =	swait.ge @!p0 [sflag:s2], $0x28  }
0x25d: {  	[sflag:s2] =	ssyncset.done @!p0 $0x0  }
0x25e: {  	[sflag:s2] =	ssyncadd.s32 @!p0 $0xFFFFFFD8  }
0x25f: {  	_ =	swait.ge @!p0 [sflag:s2], $0x28  }
0x260: {  	[sflag:s2] =	ssyncset.done @!p0 $0x0  }
0x261: {  	[sflag:s2] =	ssyncadd.s32 @!p0 $0xFFFFFFD8  }
0x262: {  	_ =	swait.ge @!p0 [sflag:s2], $0x28  }
0x263: {  	[sflag:s2] =	ssyncset.done @!p0 $0x0  }
0x264: {  	s30 =	simm.s32 @!p0 $0x200;
	[sflag:s2] =	ssyncadd.s32 @!p0 $0xFFFFFFD8;
	s2 =	simm.s32 @!p0 $0x28  }
0x265: {  	[tilespmem:s30], [sflag:$0x1] =	stream.indirect.gather @!p0 [hbm4b:s21+s2], $0x80, s28, s2, $0xb8;
	[tilespmem:$0x1F880] =	vst v63  }
0x266: {  	s28 =	simm.s32 @!p0 $0x1600  }
0x267: {  	[tilespmem:s28], [sflag:$0x1] =	stream.indirect.gather @!p0 [hbm4b:s5+s2], $0x80, s17, s2, $0xb8;
	[tilespmem:$0x1F880] =	vst v63  }
0x268: {  	s17 =	simm.s32 @!p0 $0x2A00  }
0x269: {  	[tilespmem:s17], [sflag:$0x1] =	stream.indirect.gather @!p0 [hbm4b:s6+s2], $0x80, s16, s2, $0xb8;
	[tilespmem:$0x1F880] =	vst v63  }
0x26a: {  	s16 =	simm.s32 @!p0 $0x3E00  }
0x26b: {  	[tilespmem:s16], [sflag:$0x1] =	stream.indirect.gather @!p0 [hbm4b:s7+s2], $0x80, s29, s2, $0xb8;
	[tilespmem:$0x1F880] =	vst v63  }
0x26c: {  	_ =	swait.ge [sflag:s13], $0x1400  }
0x26d: {  	[sflag:s13] =	ssyncset.done $0x0  }
0x26e: {  	[sflag:s13] =	ssyncadd.s32 $0xFFFFEC00  }
0x26f: {  	_ =	swait.ge [sflag:s13], $0x1400  }
0x270: {  	[sflag:s13] =	ssyncset.done $0x0  }
0x271: {  	[sflag:s13] =	ssyncadd.s32 $0xFFFFEC00  }
0x272: {  	_ =	swait.ge [sflag:s13], $0x1400  }
0x273: {  	[sflag:s13] =	ssyncset.done $0x0  }
0x274: {  	[sflag:s13] =	ssyncadd.s32 $0xFFFFEC00  }
0x275: {  	_ =	swait.ge [sflag:s13], $0x1400  }
0x276: {  	[sflag:s13] =	ssyncset.done $0x0  }
0x277: {  	s29 =	simm.s32 $0x0;
	[sflag:s13] =	ssyncadd.s32 $0xFFFFEC00  }
0x278: {  	v4 =	vld [tilespmem:s29+$0x5470]  }
0x279: {  	v5 =	vld [tilespmem:s29+$0x6870]  }
0x27a: {  	v6 =	vld [tilespmem:s29+$0x5440]  }
0x27b: {  	v7 =	vld [tilespmem:s29+$0x7C70]  }
0x27c: {  	v8 =	vld [tilespmem:s29+$0x6840]  }
0x27d: {  	v9 =	vld [tilespmem:s29+$0x9070]  }
0x27e: {  	v10 =	vld [tilespmem:s29+$0x5450];
	v4 =	vadd.f32 v5, v4  }
0x27f: {  	v11 =	vld [tilespmem:s29+$0x5460]  }
0x280: {  	v12 =	vld [tilespmem:s29+$0x7C40];
	v4 =	vadd.f32 v7, v4  }
0x281: {  	v13 =	vld [tilespmem:s29+$0x7C50]  }
0x282: {  	v14 =	vld [tilespmem:s29+$0x7C60];
	v9 =	vmul.f32 v4, v9  }
0x283: {  	v5 =	vld [tilespmem:s29+$0x6850]  }
0x284: {  	v15 =	vld [tilespmem:s29+$0x9040];
	v9 =	vmul.f32 v9, v3  }
0x285: {  	v16 =	vld [tilespmem:s29+$0x9050]  }
0x286: {  	v7 =	vld [tilespmem:s29+$0x6860];
	v17 =	vmul.f32 $9.999999770e-03, v9  }
0x287: {  	s16 =	simm.s32 $0x80;
	v18 =	vld [tilespmem:s29+$0x9060];
	vm7 =	vgt.f32 v9, $0.0e+00  }
0x288: {  	v19 =	vld [tilespmem:s16+$0x5470];
	v6 =	vadd.f32 v8, v6;
	v5 =	vadd.f32 v5, v10;
	v9 =	vsel vm7, v9, v17  }
0x289: {  	v22 =	vld [tilespmem:s16+$0x7C40];
	v8 =	vmul.f32 $1.442695020e+00, v9  }
0x28a: {  	v23 =	vld [tilespmem:s16+$0x7C50];
	v20 =	vadd.f32 v12, v6;
	v21 =	vadd.f32 v13, v5  }
0x28b: {  	v7 =	vadd.f32 v7, v11;
	v17 =	vld [tilespmem:s16+$0x6870];
	(erf) = vpow2.f32 v8  }
0x28c: {  	v53 =	vld [tilespmem:s16+$0x9040];
	v12 =	vmul.f32 v21, v16;
	v8 =	vmul.f32 v20, v15  }
0x28d: {  	v10 =	vld [tilespmem:s16+$0x7C70];
	v7 =	vadd.f32 v14, v7  }
0x28e: {  	v6 =	vld [tilespmem:s16+$0x6840];
	v12 =	vmul.f32 v12, v1;
	v8 =	vmul.f32 v8, v0  }
0x28f: {  	v5 =	vld [tilespmem:s16+$0x9070];
	v16 =	vmul.f32 v7, v18  }
0x290: {  	v11 =	vld [tilespmem:s16+$0x5450];
	v17 =	vadd.f32 v17, v19;
	v19 =	vmul.f32 $9.999999770e-03, v12;
	v18 =	vmul.f32 $9.999999770e-03, v8  }
0x291: {  	v13 =	vld [tilespmem:s16+$0x6850];
	vm8 =	vgt.f32 v8, $0.0e+00  }
0x292: {  	v9 =	vld [tilespmem:s16+$0x5440];
	v16 =	vmul.f32 v16, v2;
	v17 =	vadd.f32 v10, v17;
	v8 =	vsel vm8, v8, v18  }
0x293: {  	v14 =	vld [tilespmem:s16+$0x5460];
	vm9 =	vgt.f32 v12, $0.0e+00;
	v8 =	vmul.f32 $1.442695020e+00, v8  }
0x294: {  	v15 =	vld [tilespmem:s16+$0x6860];
	v12 =	vsel vm9, v12, v19;
	v10 =	vmul.f32 $9.999999770e-03, v16;
	v5 =	vmul.f32 v17, v5;
	v19 =	vpop (erf)  }
0x295: {  	vm10 =	vgt.f32 v16, $0.0e+00;
	v18 =	vld [tilespmem:s16+$0x7C60];
	(erf) = vpow2.f32 v8;
	[tilespmem:s29+$0xA470] =	vst v19;
	v4 =	vmul.f32 v19, v4  }
0x296: {  	v12 =	vmul.f32 $1.442695020e+00, v12;
	v10 =	vsel vm10, v16, v10;
	v8 =	vld [tilespmem:s16+$0x9050]  }
0x297: {  	v6 =	vadd.f32 v6, v9;
	v10 =	vmul.f32 $1.442695020e+00, v10;
	v16 =	vld [tilespmem:s16+$0x9060];
	[tilespmem:s29+$0xA430] =	vst v4;
	v4 =	vmul.f32 v5, v3  }
0x298: {  	s17 =	simm.s32 $0x100;
	(erf) = vpow2.f32 v12  }
0x299: {  	v6 =	vadd.f32 v22, v6;
	(erf) = vpow2.f32 v10;
	v12 =	vld [tilespmem:s17+$0x5470];
	v5 =	vmul.f32 $9.999999770e-03, v4  }
0x29a: {  	v10 =	vld [tilespmem:s17+$0x6870];
	vm11 =	vgt.f32 v4, $0.0e+00  }
0x29b: {  	v22 =	vmul.f32 v6, v53;
	v4 =	vsel vm11, v4, v5;
	v5 =	vadd.f32 v13, v11  }
0x29c: {  	v9 =	vld [tilespmem:s17+$0x7C70];
	v11 =	vadd.f32 v15, v14;
	v4 =	vmul.f32 $1.442695020e+00, v4  }
0x29d: {  	v22 =	vmul.f32 v22, v0;
	v5 =	vadd.f32 v23, v5  }
0x29e: {  	v13 =	vld [tilespmem:s17+$0x9070];
	v15 =	vpop (erf);
	(erf) = vpow2.f32 v4;
	v4 =	vadd.f32 v18, v11  }
0x29f: {  	v19 =	vld [tilespmem:s17+$0x5440];
	v10 =	vadd.f32 v10, v12;
	v12 =	vmul.f32 $9.999999770e-03, v22;
	v8 =	vmul.f32 v5, v8  }
0x2a0: {  	vm12 =	vgt.f32 v22, $0.0e+00;
	v54 =	vld [tilespmem:s17+$0x6840];
	v16 =	vmul.f32 v4, v16  }
0x2a1: {  	v14 =	vld [tilespmem:s17+$0x5450];
	[tilespmem:s29+$0xA440] =	vst v15;
	v23 =	vpop (erf);
	v10 =	vadd.f32 v9, v10;
	v9 =	vsel vm12, v22, v12;
	v8 =	vmul.f32 v8, v1  }
0x2a2: {  	v18 =	vld [tilespmem:s17+$0x6850];
	[tilespmem:s29+$0xA450] =	vst v23;
	v11 =	vpop (erf);
	v9 =	vmul.f32 $1.442695020e+00, v9;
	v16 =	vmul.f32 v16, v2  }
0x2a3: {  	v55 =	vld [tilespmem:s17+$0x5460];
	[tilespmem:s29+$0xA460] =	vst v11;
	v60 =	vmul.f32 v10, v13;
	v57 =	vmul.f32 $9.999999770e-03, v8  }
0x2a4: {  	v56 =	vld [tilespmem:s17+$0x6860];
	vm13 =	vgt.f32 v8, $0.0e+00;
	v58 =	vmul.f32 $9.999999770e-03, v16  }
0x2a5: {  	v22 =	vld [tilespmem:s17+$0x7C40];
	v27 =	vmul.f32 v60, v3;
	vm14 =	vgt.f32 v16, $0.0e+00;
	v8 =	vsel vm13, v8, v57  }
0x2a6: {  	v59 =	vld [tilespmem:s17+$0x7C50];
	(erf) = vpow2.f32 v9;
	v16 =	vsel vm14, v16, v58;
	v8 =	vmul.f32 $1.442695020e+00, v8  }
0x2a7: {  	v12 =	vld [tilespmem:s17+$0x7C60];
	v63 =	vmul.f32 $9.999999770e-03, v27;
	v9 =	vpop (erf);
	v61 =	vmul.f32 $1.442695020e+00, v16  }
0x2a8: {  	v19 =	vadd.f32 v54, v19;
	v13 =	vld [tilespmem:s17+$0x9040];
	[tilespmem:s16+$0xA470] =	vst v9;
	v9 =	vmul.f32 v9, v17;
	(erf) = vpow2.f32 v8  }
0x2a9: {  	v62 =	vadd.f32 v18, v14;
	vm15 =	vgt.f32 v27, $0.0e+00;
	v16 =	vld [tilespmem:s17+$0x9050];
	(erf) = vpow2.f32 v61  }
0x2aa: {  	s28 =	simm.s32 $0x180;
	v18 =	vmul.f32 v15, v20;
	v20 =	vsel vm15, v27, v63;
	v17 =	vadd.f32 v56, v55;
	v14 =	vld [tilespmem:s17+$0x9060];
	[tilespmem:s16+$0xA430] =	vst v9  }
0x2ab: {  	s30 =	smov.u32 s21;
	s2 =	simm.s32 $0x800;
	v8 =	vadd.f32 v22, v19;
	v19 =	vmul.f32 v23, v21;
	v9 =	vadd.f32 v59, v62;
	v15 =	vld [tilespmem:s28+$0x5470]  }
.LBB2_13:
0x2ac: {  	p0 =	sne.s32 s2, $0x4E00;
	v21 =	vld [tilespmem:s28+$0x6870];
	v20 =	vmul.f32 $1.442695020e+00, v20;
	[tilespmem:s29+$0xA400] =	vst v18;
	v11 =	vmul.f32 v11, v7;
	v7 =	vmovc v4;
	v4 =	vadd.f32 v12, v17  }
0x2ad: {  	v12 =	vld [tilespmem:s28+$0x5440];
	v13 =	vmul.f32 v8, v13;
	[tilespmem:s29+$0xA410] =	vst v19  }
0x2ae: {  	v17 =	vld [tilespmem:s28+$0x7C70];
	v16 =	vmul.f32 v9, v16;
	(erf) = vpow2.f32 v20;
	[tilespmem:s29+$0xA420] =	vst v11;
	s29 =	smov.u32 s16;
	s16 =	smov.u32 s17;
	s17 =	smov.u32 s28  }
0x2af: {  	v18 =	vld [tilespmem:s17+$0x6840];
	v13 =	vmul.f32 v13, v0;
	v26 =	vmul.f32 v4, v14  }
0x2b0: {  	v14 =	vld [tilespmem:s17+$0x9070];
	v16 =	vmul.f32 v16, v1;
	v19 =	vpop (erf)  }
0x2b1: {  	v20 =	vld [tilespmem:s17+$0x5450];
	v15 =	vadd.f32 v21, v15;
	v21 =	vmul.f32 $9.999999770e-03, v13;
	v22 =	vmul.f32 v26, v2;
	[tilespmem:s29+$0xA440] =	vst v19;
	v23 =	vpop (erf)  }
0x2b2: {  	vm0 =	vgt.f32 v13, $0.0e+00;
	v24 =	vld [tilespmem:s17+$0x6850];
	vm1 =	vgt.f32 v16, $0.0e+00;
	v25 =	vmul.f32 $9.999999770e-03, v16;
	[tilespmem:s29+$0xA450] =	vst v23;
	v11 =	vpop (erf)  }
0x2b3: {  	v26 =	vld [tilespmem:s17+$0x5460];
	v15 =	vadd.f32 v17, v15;
	vm2 =	vgt.f32 v22, $0.0e+00;
	v17 =	vmul.f32 $9.999999770e-03, v22;
	[tilespmem:s29+$0xA460] =	vst v11  }
0x2b4: {  	v27 =	vadd.f32 v18, v12;
	v18 =	vld [tilespmem:s17+$0x6860];
	v12 =	vsel vm0, v13, v21;
	v13 =	vsel vm1, v16, v25  }
0x2b5: {  	v21 =	vld [tilespmem:s17+$0x7C40];
	v28 =	vmul.f32 v15, v14;
	v16 =	vmul.f32 $1.442695020e+00, v12;
	v12 =	vsel vm2, v22, v17  }
0x2b6: {  	v17 =	vmul.f32 $1.442695020e+00, v13;
	v22 =	vld [tilespmem:s17+$0x7C50];
	v25 =	vmul.f32 $1.442695020e+00, v12  }
.Ltmp5:
0x2b7: {  	v24 =	vadd.f32 v24, v20;
	v12 =	vld [tilespmem:s17+$0x7C60];
	v20 =	vmul.f32 v28, v3;
	(erf) = vpow2.f32 v16;
	v14 =	vpop (erf);
	(pc) =	sbr.rel @p0 .LBB2_13-.Ltmp5, $4  }
0x2b8: {  	v13 =	vld [tilespmem:s17+$0x9040];
	v28 =	vmul.f32 v14, v10;
	[tilespmem:s16+$0xA470] =	vst v14;
	(erf) = vpow2.f32 v17;
	v10 =	vmov v15  }
0x2b9: {  	v16 =	vld [tilespmem:s17+$0x9050];
	v17 =	vadd.f32 v18, v26;
	v26 =	vmul.f32 $9.999999770e-03, v20;
	(erf) = vpow2.f32 v25  }
0x2ba: {  	s28 =	sshra.s32 s2, $0x2;
	vm0 =	vgt.f32 v20, $0.0e+00;
	v18 =	vmul.f32 v19, v6;
	v6 =	vmovc v8;
	v14 =	vld [tilespmem:s17+$0x9060];
	[tilespmem:s16+$0xA430] =	vst v28;
	v8 =	vadd.f32 v21, v27  }
0x2bb: {  	s2 =	sadd.s32 $0x200, s2;
	v19 =	vmul.f32 v23, v5;
	v5 =	vmovc v9;
	v15 =	vld [tilespmem:s28+$0x5470];
	v20 =	vsel vm0, v20, v26;
	v9 =	vadd.f32 v22, v24  }
0x2bc: {  	v21 =	vld [tilespmem:s28+$0x6870];
	[tilespmem:s29+$0xA400] =	vst v18;
	v7 =	vmul.f32 v11, v7;
	v38 =	vmul.f32 $1.442695020e+00, v20  }
0x2bd: {  	v18 =	vld [tilespmem:s28+$0x5440];
	[tilespmem:s29+$0xA410] =	vst v19  }
0x2be: {  	v37 =	vld [tilespmem:s28+$0x7C70];
	[tilespmem:s29+$0xA420] =	vst v7;
	(erf) = vpow2.f32 v38  }
0x2bf: {  	v12 =	vadd.f32 v12, v17;
	v13 =	vmul.f32 v8, v13;
	v7 =	vld [tilespmem:s28+$0x6840]  }
0x2c0: {  	v16 =	vmul.f32 v9, v16;
	v39 =	vld [tilespmem:s28+$0x9070];
	v22 =	vpop (erf)  }
0x2c1: {  	v23 =	vld [tilespmem:s28+$0x5450];
	v14 =	vmul.f32 v12, v14;
	v13 =	vmul.f32 v13, v0;
	[tilespmem:s16+$0xA440] =	vst v22;
	v40 =	vpop (erf);
	v15 =	vadd.f32 v21, v15  }
0x2c2: {  	v16 =	vmul.f32 v16, v1;
	v41 =	vld [tilespmem:s28+$0x6850];
	[tilespmem:s16+$0xA450] =	vst v40;
	v24 =	vpop (erf)  }
0x2c3: {  	v14 =	vmul.f32 v14, v2;
	v26 =	vmul.f32 $9.999999770e-03, v13;
	v25 =	vld [tilespmem:s28+$0x5460];
	[tilespmem:s16+$0xA460] =	vst v24;
	v11 =	vadd.f32 v37, v15  }
0x2c4: {  	vm0 =	vgt.f32 v13, $0.0e+00;
	v6 =	vmul.f32 v22, v6;
	v27 =	vmul.f32 $9.999999770e-03, v16;
	v28 =	vld [tilespmem:s28+$0x7C40]  }
0x2c5: {  	vm1 =	vgt.f32 v16, $0.0e+00;
	v5 =	vmul.f32 v40, v5;
	v42 =	vld [tilespmem:s28+$0x6860];
	v20 =	vmul.f32 v11, v39  }
0x2c6: {  	v43 =	vmul.f32 $9.999999770e-03, v14;
	v13 =	vsel vm0, v13, v26;
	vm11 =	vgt.f32 v14, $0.0e+00;
	v46 =	vld [tilespmem:s28+$0x9040]  }
0x2c7: {  	v29 =	vld [tilespmem:s28+$0x7C50];
	v16 =	vsel vm1, v16, v27;
	v7 =	vadd.f32 v7, v18;
	v45 =	vpop (erf);
	v48 =	vmul.f32 v20, v3  }
0x2c8: {  	v44 =	vld [tilespmem:s28+$0x7C60];
	v13 =	vmul.f32 $1.442695020e+00, v13;
	v14 =	vsel vm11, v14, v43;
	v16 =	vmul.f32 $1.442695020e+00, v16;
	[tilespmem:s17+$0xA470] =	vst v45  }
0x2c9: {  	v14 =	vmul.f32 $1.442695020e+00, v14;
	v49 =	vld [tilespmem:s28+$0x9050];
	v20 =	vmul.f32 $9.999999770e-03, v48;
	v7 =	vadd.f32 v28, v7  }
0x2ca: {  	(erf) = vpow2.f32 v13;
	v47 =	vadd.f32 v41, v23;
	v51 =	vld [tilespmem:s28+$0x9060];
	vm12 =	vgt.f32 v48, $0.0e+00  }
0x2cb: {  	v50 =	vadd.f32 v42, v25;
	v53 =	vsel vm12, v48, v20;
	v54 =	vmul.f32 v7, v46  }
0x2cc: {  	(erf) = vpow2.f32 v16;
	v52 =	vadd.f32 v29, v47;
	v18 =	vmul.f32 $1.442695020e+00, v53  }
0x2cd: {  	(erf) = vpow2.f32 v14;
	v15 =	vadd.f32 v44, v50;
	v19 =	vmul.f32 v54, v0  }
0x2ce: {  	v13 =	vmul.f32 v52, v49;
	(erf) = vpow2.f32 v18  }
0x2cf: {  	v16 =	vmul.f32 v15, v51;
	v55 =	vmul.f32 $9.999999770e-03, v19  }
0x2d0: {  	v10 =	vmul.f32 v45, v10;
	vm13 =	vgt.f32 v19, $0.0e+00;
	v13 =	vmul.f32 v13, v1  }
0x2d1: {  	v4 =	vmul.f32 v24, v4;
	v16 =	vmul.f32 v16, v2;
	v18 =	vsel vm13, v19, v55  }
0x2d2: {  	[tilespmem:s17+$0xA430] =	vst v10;
	v56 =	vmul.f32 $9.999999770e-03, v13;
	v59 =	vmul.f32 $1.442695020e+00, v18  }
0x2d3: {  	[tilespmem:s16+$0xA400] =	vst v6;
	vm14 =	vgt.f32 v13, $0.0e+00;
	v57 =	vmul.f32 $9.999999770e-03, v16  }
0x2d4: {  	[tilespmem:s16+$0xA410] =	vst v5;
	v5 =	vpop (erf);
	vm15 =	vgt.f32 v16, $0.0e+00;
	v58 =	vsel vm14, v13, v56;
	(erf) = vpow2.f32 v59  }
0x2d5: {  	[tilespmem:s16+$0xA420] =	vst v4;
	v4 =	vpop (erf);
	v60 =	vsel vm15, v16, v57;
	v10 =	vmul.f32 $1.442695020e+00, v58  }
0x2d6: {  	[tilespmem:s17+$0xA440] =	vst v5;
	v61 =	vpop (erf);
	v6 =	vmul.f32 $1.442695020e+00, v60  }
0x2d7: {  	[tilespmem:s17+$0xA450] =	vst v4;
	(erf) = vpow2.f32 v10;
	v62 =	vpop (erf)  }
0x2d8: {  	[tilespmem:s17+$0xA460] =	vst v61;
	(erf) = vpow2.f32 v6;
	v11 =	vmul.f32 v62, v11  }
0x2d9: {  	v5 =	vmul.f32 v5, v8;
	v4 =	vmul.f32 v4, v9;
	[tilespmem:s28+$0xA470] =	vst v62  }
0x2da: {  	[tilespmem:s28+$0xA430] =	vst v11  }
0x2db: {  	[tilespmem:s17+$0xA400] =	vst v5;
	v5 =	vmul.f32 v61, v12  }
0x2dc: {  	[tilespmem:s17+$0xA410] =	vst v4  }
0x2dd: {  	[tilespmem:s17+$0xA420] =	vst v5;
	v4 =	vpop (erf)  }
0x2de: {  	[tilespmem:s28+$0xA440] =	vst v4;
	v4 =	vmul.f32 v4, v7;
	_ =	sdelay $0x1  }
0x2df: {  	v5 =	vpop (erf);
	[tilespmem:s28+$0xA400] =	vst v4  }
0x2e0: {  	[tilespmem:s28+$0xA450] =	vst v5;
	v63 =	vpop (erf);
	v5 =	vmul.f32 v5, v52  }
0x2e1: {  	s19 =	sadd.s32 $0x1, s19;
	[tilespmem:s28+$0xA460] =	vst v63;
	v4 =	vmul.f32 v63, v15  }
0x2e2: {  	p0 =	sne.s32 s19, $0x7D;
	[tilespmem:s28+$0xA410] =	vst v5  }
.Ltmp6:
0x2e3: {  	s2 =	rddreg [dreg:$0x3];
	[tilespmem:s28+$0xA420] =	vst v4;
	(pc) =	sbr.rel @p0 .LBB2_10-.Ltmp6, $4  }
0x2e4: {  	[spmem:s2] =	stream.indirect.scatter.add.f32 [tilespmem:s18], [sflag:$0x3], $0x80, s9, s0, $0xb8;
	[tilespmem:$0x1F880] =	vst v63  }
0x2e5: {  	_ =	swait.ge [sflag:s26], $0x1400  }
0x2e6: {  	[sflag:s26] =	ssyncset.done $0x0  }
0x2e7: {  	s20 =	smov.u32 s1;
	[sflag:s26] =	ssyncadd.s32 $0xFFFFEC00  }
0x2e8: {  	[bflag:$0x0] =	sbarrier.arrive $0xFFFF  }
0x2e9: {  	s15 =	rddreg [dreg:$0x7]  }
0x2ea: {  	[tilespmem:s18], [sflag:$0x3] =	stream.linear.gather [spmem:s15], $0x1400, $0x38;
	[tilespmem:$0x1F880] =	vst v63  }
0x2eb: {  	_ =	swait.ge [sflag:s26], $0x1400  }
0x2ec: {  	[sflag:s26] =	ssyncset.done $0x0  }
0x2ed: {  	s2 =	sadd.s32 $0x0, s24;
	[sflag:s26] =	ssyncadd.s32 $0xFFFFEC00  }
0x2ee: {  	[hbm4b:s2+s4] =	stream.linear.scatter [tilespmem:s18], [sflag:$0x3], $0x1400, $0x38;
	[tilespmem:$0x1F880] =	vst v63  }
0x2ef: {  	_ =	swait.ge [sflag:s26], $0x1400  }
0x2f0: {  	s2 =	simm.s32 $0x280;
	[sflag:s26] =	ssyncset.done $0x0  }
.LBB2_16:
0x2f1: {  	p0 =	sne.s32 s2, $0x2580;
	[sflag:s26] =	ssyncadd.s32 $0xFFFFEC00;
	s15 =	sadd.s32 $0x1400, s15  }
0x2f2: {  	[tilespmem:s18], [sflag:$0x3] =	stream.linear.gather [spmem:s15], $0x1400, $0x38;
	[tilespmem:$0x1F880] =	vst v63  }
0x2f3: {  	s16 =	smov.u32 s2;
	s2 =	sadd.s32 $0x280, s2;
	_ =	swait.ge [sflag:s26], $0x1400  }
.Ltmp7:
0x2f4: {  	[sflag:s26] =	ssyncset.done $0x0;
	(pc) =	sbr.rel @p0 .LBB2_16-.Ltmp7, $4  }
0x2f5: {  	s16 =	sadd.s32 s16, s24;
	[sflag:s26] =	ssyncadd.s32 $0xFFFFEC00  }
0x2f6: {  	[hbm4b:s16+s4] =	stream.linear.scatter [tilespmem:s18], [sflag:$0x3], $0x1400, $0x38;
	[tilespmem:$0x1F880] =	vst v63  }
0x2f7: {  	_ =	swait.ge [sflag:s26], $0x1400  }
0x2f8: {  	[sflag:s26] =	ssyncset.done $0x0  }
0x2f9: {  	s2 =	rddreg [dreg:$0xe]  }
0x2fa: {  	s1 =	rddreg [dreg:$0xd];
	s2 =	sadd.s32 $0x1, s2  }
0x2fb: {  	p0 =	sne.s32 s2, s1  }
.Ltmp8:
0x2fc: {  	_ = 	snop;
	(pc) =	sbr.rel @p0 .LBB2_1-.Ltmp8, $3  }
0x2fd: {  	_ = 	snop  }
0x2fe: {  	[sflag:s26] =	ssyncadd.s32 $0xFFFFEC00  }
0x2ff: {  	[bflag:$0x0] =	sbarrier.arrive $0xFFFF;
	_ =	sdelay $0x1  }
0x300: {  	_ =	sfence.sel $0x180000  }
0x301: {  	[bflag:$0x0] =	sbarrier.arrive $0xFFFF  }
0x302: {  	_ =	strace $0x9000004A  }
0x303: {  	s0 =	stileid.u32;
	[bflag:$0x2] =	sbarrier.arrive $0xFFFF  }
0x304: {  	p0 =	sne.s32 s0, $0x0;
	s0 =	rddreg [dreg:$0x4]  }
0x305: {  	s0 =	sadd.s32 @!p0 $0x100000, s0  }
0x306: {  	[sflag:s0] =	ssyncadd.tile.s32 @!p0 $0x1;
	_ =	shalt  }
.Lfunc_end2:
_tile_overlayer_lowered:
.L_overlay_start_2:
0x307: {  	(tag) =	ssettag $0x2  }
0x308: {  	s0 =	rddreg [dreg:$0x0];
	s2 =	stileid.u32  }
0x309: {  	s1 =	rddreg [dreg:$0x1];
	p0 =	sne.s32 s2, $0x0  }
0x30a: {  	s3 =	rddreg [dreg:$0x2];
	[bflag:$0x3] =	sbarrier.arrive $0xFFFF;
	s2 =	simm.s32 @!p0 $0x1C03  }
0x30b: {  	[timem:s3], [sflag:s2] =	dma.local @!p0 [hbm:s0], s1  }
0x30c: {  	s0 =	simm.s32 @!p0 $0x3  }
0x30d: {  	_ =	swait.ge @!p0 [sflag:s0], s1  }
0x30e: {  	s1 =	ssub.s32 @!p0 $0x0, s1;
	[sflag:s0] =	ssyncset.done @!p0 $0x0  }
0x30f: {  	[sflag:s0] =	ssyncadd.s32 @!p0 s1  }
0x310: {  	[bflag:$0x3] =	sbarrier.arrive $0xFFFF  }
0x311: {  	_ =	shalt  }

</sc_bundles>
